<compile_context>
chip_gen: v7x
topology: tpu7x:2x2x1
jax: 0.10.2.dev20260603
libtpu: 0.0.44.dev20260713+nightly
codegen_flags: <defaults>
</compile_context>

<pallas_src>
import functools

import jax
import jax.numpy as jnp
from jax import lax
from jax.experimental import pallas as pl
from jax.experimental.pallas import tpu as pltpu
from jax.experimental.pallas import tpu_sc as plsc

N = 64
NF = 128
NO = N + NF
NP = N + 1
NOP = NO + 1
NC, NS, L = 2, 16, 16
NW = NC * NS
U = 4

_S = float(0.9 / 127.0)
_INV_S = float(127.0 / 0.9)


def _sampler_body(RW, G, near_hbm, far_hbm, dens_hbm, out_hbm,
                  near_v, far_v, dens_v, out_v, ebuf, atab, btab, cnt):
    wid = lax.axis_index("c") * NS + lax.axis_index("s")
    base = wid * RW
    pltpu.sync_copy(near_hbm.at[pl.ds(base, RW)], near_v)
    pltpu.sync_copy(far_hbm.at[pl.ds(base, RW)], far_v)
    pltpu.sync_copy(dens_hbm.at[pl.ds(base, RW), :], dens_v.at[:, 0:N])

    lane = lax.iota(jnp.int32, L)
    zeros_f = jnp.zeros((L,), jnp.float32)
    zeros_i = jnp.zeros((L,), jnp.int32)
    ones_i = jnp.ones((L,), jnp.int32)

    def zinit(j, carry):
        for k in range(U):
            cnt[pl.ds((k * (NF + 1) + j) * L, L)] = zeros_i
        return carry

    lax.fori_loop(0, NF + 1, zinit, 0)

    def chunk(gc, carry):
        g0 = gc * U
        nearv = [near_v[pl.ds((g0 + k) * L, L)] for k in range(U)]
        farv = [far_v[pl.ds((g0 + k) * L, L)] for k in range(U)]
        h = [(farv[k] - nearv[k]) * (1.0 / N) for k in range(U)]
        rows = [(g0 + k) * L + lane for k in range(U)]
        ob = [((g0 + k) >> 3) * 1024 + ((g0 + k) & 7) * 16 + lane
              for k in range(U)]

        @plsc.parallel_loop(0, N, unroll=4, carry=(zeros_f,) * U)
        def _p1(i, S):
            out = []
            for k in range(U):
                d = plsc.load_gather(dens_v, [rows[k], jnp.full((L,), i, jnp.int32)])
                s = S[k] + d
                ebuf[pl.ds((k * N) * L + i * L, L)] = jnp.exp(-h[k] * s)
                out.append(s)
            return tuple(out)
        inv_w = []
        for k in range(U):
            e_last = ebuf[pl.ds((k * N + N - 1) * L, L)]
            inv_w.append(1.0 / ((1.0 - e_last) + 1e-6))

        init = ()
        for k in range(U):
            init += (zeros_f, nearv[k])

        @plsc.parallel_loop(0, N, unroll=4, carry=init)
        def fin(i, carry):
            res = []
            for k in range(U):
                prev_cdf, prev_mid = carry[2 * k], carry[2 * k + 1]
                e = ebuf[pl.ds((k * N) * L + i * L, L)]
                cdf = (1.0 - e) * inv_w[k]
                midv = nearv[k] + (i.astype(jnp.float32) + 0.5) * h[k]
                x = (cdf - 0.05) * _INV_S
                t = x.astype(jnp.int32)
                c = jnp.where(t.astype(jnp.float32) < x, t + 1, t)
                f = jnp.clip(c, 0, NF)
                plsc.addupdate_scatter(
                    cnt, [(k * (NF + 1)) * L + f * L + lane], ones_i)
                slot = i + f
                plsc.store_scatter(
                    out_v,
                    [slot >> 3, ((slot & 7) << 7) + ob[k]], midv)
                dn = cdf - prev_cdf
                dnw = jnp.where(dn < 1e-5, jnp.float32(1.0), dn)
                bk = h[k] / dnw
                atab[pl.ds((k * (N + 1)) * L + i * L, L)] = (
                    prev_mid - prev_cdf * bk)
                btab[pl.ds((k * (N + 1)) * L + i * L, L)] = bk
                res += [cdf, midv]
            return tuple(res)

        for k in range(U):
            atab[pl.ds((k * (N + 1)) * L, L)] = nearv[k] + 0.5 * h[k]
            btab[pl.ds((k * (N + 1)) * L, L)] = zeros_f
            atab[pl.ds((k * (N + 1) + N) * L, L)] = fin[2 * k + 1]
            btab[pl.ds((k * (N + 1) + N) * L, L)] = zeros_f

        @plsc.parallel_loop(0, NF, unroll=4, carry=(zeros_i,) * U)
        def _p3(j, run):
            out = []
            u = 0.05 + j.astype(jnp.float32) * _S
            for k in range(U):
                r = run[k] + cnt[pl.ds((k * (NF + 1)) * L + j * L, L)]
                cnt[pl.ds((k * (NF + 1)) * L + j * L, L)] = zeros_i
                av = plsc.load_gather(atab, [(k * (N + 1)) * L + r * L + lane])
                bv = plsc.load_gather(btab, [(k * (N + 1)) * L + r * L + lane])
                slot = j + r
                plsc.store_scatter(
                    out_v,
                    [slot >> 3, ((slot & 7) << 7) + ob[k]], av + bv * u)
                out.append(r)
            return tuple(out)
        for k in range(U):
            cnt[pl.ds((k * (NF + 1) + NF) * L, L)] = zeros_i
        return carry

    lax.fori_loop(0, G // U, chunk, 0)
    RB = RW // 128
    pltpu.sync_copy(out_v, out_hbm.at[:, pl.ds(wid * (RB * 1024), RB * 1024)])


def kernel(near, far, density):
    B = density.shape[0]
    RW = B // NW
    G = RW // L

    mesh = plsc.VectorSubcoreMesh(
        core_axis_name="c", subcore_axis_name="s",
        num_cores=NC, num_subcores=NS)

    RB = RW // 128
    fn = pl.kernel(
        functools.partial(_sampler_body, RW, G),
        out_type=jax.ShapeDtypeStruct((NO // 8, (B // 128) * 1024), jnp.float32),
        mesh=mesh,
        compiler_params=pltpu.CompilerParams(
            needs_layout_passes=False, use_tc_tiling_on_sc=False),
        scratch_types=[
            pltpu.VMEM((RW,), jnp.float32),
            pltpu.VMEM((RW,), jnp.float32),
            pltpu.VMEM((RW, NP), jnp.float32),
            pltpu.VMEM((NO // 8, RB * 1024), jnp.float32),
            pltpu.VMEM((U * N * L,), jnp.float32),
            pltpu.VMEM((U * (N + 1) * L,), jnp.float32),
            pltpu.VMEM((U * (N + 1) * L,), jnp.float32),
            pltpu.VMEM((U * (NF + 1) * L,), jnp.int32),
        ],
    )
    y = fn(near.reshape(B), far.reshape(B), density)
    return (y.reshape(NO // 8, B // 128, 8, 128)
            .transpose(1, 3, 0, 2).reshape(B, NO))

# --- scband reference (transcript-rebuilt; emitter-appended) ---
"""Pipeline reference for scband-pdf-sampler-88364657148061 (READ-ONLY COPY).

The authoritative reference and input builder live on the scoring server;
editing this copy changes nothing except your own understanding.
"""

import jax, jax.numpy as jnp
import numpy as np

NUM_SAMPLES = 64
NUM_FINE = 128
BATCH = 8192


def setup_inputs(seed: int = 0) -> dict:
    key = jax.random.key(seed)
    k1, k2 = jax.random.split(key)
    near = jax.random.uniform(k1, (BATCH, 1), dtype=jnp.float32)
    far = jnp.ones((BATCH, 1), dtype=jnp.float32)
    density = jax.random.uniform(k2, (BATCH, NUM_SAMPLES), dtype=jnp.float32)
    return {"near": near, "far": far, "density": density}


def _hierarchical_sample(bins, weights, num_samples):
    # pertube=False branch of the torch reference
    pdf = weights / (jnp.sum(weights, -1, keepdims=True) + 1e-06)
    cdf = jnp.cumsum(pdf, -1)
    u = jnp.linspace(0.05, 0.95, num_samples, dtype=jnp.float32)
    u = jnp.broadcast_to(u, (weights.shape[0], num_samples))
    inds = jax.vmap(lambda c, uu: jnp.searchsorted(c, uu, side='right'))(cdf, u)
    below = jnp.maximum(jnp.zeros_like(inds), inds - 1)
    above = jnp.minimum((cdf.shape[-1] - 1) * jnp.ones_like(inds), inds)
    cdf_b = jnp.take_along_axis(cdf, below, axis=-1)
    cdf_a = jnp.take_along_axis(cdf, above, axis=-1)
    bins_b = jnp.take_along_axis(bins, below, axis=-1)
    bins_a = jnp.take_along_axis(bins, above, axis=-1)
    denom = cdf_a - cdf_b
    denom = jnp.where(denom < 1e-05, jnp.ones_like(denom), denom)
    t = (u - cdf_b) / denom
    samples = bins_b + t * (bins_a - bins_b)
    return samples


def reference(near, far, density):
    # coarse frustum (pertub=False, deterministic zs)
    unit = jnp.linspace(0.0, 1.0, NUM_SAMPLES + 1, dtype=jnp.float32)
    zs = near * (1.0 - unit) + far * unit  # [B, N+1]
    start = zs[:, :-1]
    end = zs[:, 1:]
    mid = 0.5 * (start + end)   # frustum.zs (bin centers), [B, N]
    deltas = end - start        # frustum.deltas
    # _compute_weight
    alpha = 1.0 - jnp.exp(-density * deltas)
    trans = jnp.cumprod(
        jnp.concatenate([jnp.ones_like(alpha[:, :1]), 1.0 - alpha], -1), axis=-1
    )[:, :-1]
    weight = alpha * trans
    # _sample_fine_frustum: hierarchical sample under no_grad, then merge+sort
    fine_zs = jax.lax.stop_gradient(_hierarchical_sample(mid, weight, NUM_FINE))
    combined_zs = jnp.sort(jnp.concatenate([mid, fine_zs], -1), axis=-1)
    return combined_zs

if __name__ == "__main__":
    import jax
    _d = setup_inputs()
    print(jax.jit(kernel)(*tuple(_d.values())))

</pallas_src>

<mosaic_0001>
#map = affine_map<(d0, d1) -> (0)>
#map1 = affine_map<(d0, d1) -> (0, 0)>
module attributes {stable_mosaic.version = 14 : i64} {
  func.func @_sampler_body(%arg0: i32, %arg1: i32, %arg2: memref<8192xf32, #tpu.memory_space<hbm>>, %arg3: memref<8192xf32, #tpu.memory_space<hbm>>, %arg4: memref<8192x64xf32, #tpu.memory_space<hbm>>, %arg5: memref<24x65536xf32, #tpu.memory_space<hbm>>, %arg6: memref<256xf32, #tpu.memory_space<vmem>>, %arg7: memref<256xf32, #tpu.memory_space<vmem>>, %arg8: memref<256x65xf32, #tpu.memory_space<vmem>>, %arg9: memref<24x2048xf32, #tpu.memory_space<vmem>>, %arg10: memref<4096xf32, #tpu.memory_space<vmem>>, %arg11: memref<4160xf32, #tpu.memory_space<vmem>>, %arg12: memref<4160xf32, #tpu.memory_space<vmem>>, %arg13: memref<8256xi32, #tpu.memory_space<vmem>>) attributes {dimension_semantics = [#tpu.dimension_semantics<core_parallel>, #tpu.dimension_semantics<subcore_parallel>], iteration_bounds = array<i64: 2, 16>, scalar_prefetch = 0 : i64, scratch_operands = 8 : i64, tpu.core_type = #tpu.core_type<sc_vector_subcore>, window_params = [{transform_indices = #map}, {transform_indices = #map}, {transform_indices = #map1}, {transform_indices = #map1}]} {
    %mul3A = arith.constant 16 : i32
    %mul3A_0 = arith.muli %arg0, %mul3A : i32
    %add3A = arith.addi %mul3A_0, %arg1 : i32
    %mul3A_1 = arith.constant 256 : i32
    %mul3A_2 = arith.muli %add3A, %mul3A_1 : i32
    "tpu.region"() ({
      %run_scoped3A = tpu.sem_alloc : memref<!tpu.dma_semaphore, #tpu.memory_space<semaphore_mem>>
      %dma_start3A = tpu.memref_slice %arg2[%mul3A_2] : memref<8192xf32, #tpu.memory_space<hbm>> -> memref<256xf32, #tpu.memory_space<hbm>>
      %dma_start3A_21 = tpu.memref_slice %arg2[%mul3A_2] : memref<8192xf32, #tpu.memory_space<hbm>> -> memref<256xf32, #tpu.memory_space<hbm>>
      tpu.enqueue_dma source(%dma_start3A_21 : memref<256xf32, #tpu.memory_space<hbm>>) target(%arg6 : memref<256xf32, #tpu.memory_space<vmem>>) target_semaphore(%run_scoped3A : memref<!tpu.dma_semaphore, #tpu.memory_space<semaphore_mem>>)
      %dma_wait3A = tpu.memref_slice %arg2[%mul3A_2] : memref<8192xf32, #tpu.memory_space<hbm>> -> memref<256xf32, #tpu.memory_space<hbm>>
      %dma_wait3A_22 = tpu.memref_slice %arg2[%mul3A_2] : memref<8192xf32, #tpu.memory_space<hbm>> -> memref<256xf32, #tpu.memory_space<hbm>>
      tpu.wait_dma2 semaphore(%run_scoped3A : memref<!tpu.dma_semaphore, #tpu.memory_space<semaphore_mem>>) src(%dma_wait3A_22 : memref<256xf32, #tpu.memory_space<hbm>>) dst(%arg6 : memref<256xf32, #tpu.memory_space<vmem>>)
      tpu.yield
    }) : () -> ()
    "tpu.region"() ({
      %run_scoped3A = tpu.sem_alloc : memref<!tpu.dma_semaphore, #tpu.memory_space<semaphore_mem>>
      %dma_start3A = tpu.memref_slice %arg3[%mul3A_2] : memref<8192xf32, #tpu.memory_space<hbm>> -> memref<256xf32, #tpu.memory_space<hbm>>
      %dma_start3A_21 = tpu.memref_slice %arg3[%mul3A_2] : memref<8192xf32, #tpu.memory_space<hbm>> -> memref<256xf32, #tpu.memory_space<hbm>>
      tpu.enqueue_dma source(%dma_start3A_21 : memref<256xf32, #tpu.memory_space<hbm>>) target(%arg7 : memref<256xf32, #tpu.memory_space<vmem>>) target_semaphore(%run_scoped3A : memref<!tpu.dma_semaphore, #tpu.memory_space<semaphore_mem>>)
      %dma_wait3A = tpu.memref_slice %arg3[%mul3A_2] : memref<8192xf32, #tpu.memory_space<hbm>> -> memref<256xf32, #tpu.memory_space<hbm>>
      %dma_wait3A_22 = tpu.memref_slice %arg3[%mul3A_2] : memref<8192xf32, #tpu.memory_space<hbm>> -> memref<256xf32, #tpu.memory_space<hbm>>
      tpu.wait_dma2 semaphore(%run_scoped3A : memref<!tpu.dma_semaphore, #tpu.memory_space<semaphore_mem>>) src(%dma_wait3A_22 : memref<256xf32, #tpu.memory_space<hbm>>) dst(%arg7 : memref<256xf32, #tpu.memory_space<vmem>>)
      tpu.yield
    }) : () -> ()
    "tpu.region"() ({
      %run_scoped3A = tpu.sem_alloc : memref<!tpu.dma_semaphore, #tpu.memory_space<semaphore_mem>>
      %dma_start3A = arith.constant 0 : i32
      %dma_start3A_21 = arith.constant 0 : i32
      %dma_start3A_22 = tpu.memref_slice %arg8[%dma_start3A, %dma_start3A_21] : memref<256x65xf32, #tpu.memory_space<vmem>> -> memref<256x64xf32, #tpu.memory_space<vmem>>
      %dma_start3A_23 = arith.constant 0 : i32
      %dma_start3A_24 = tpu.memref_slice %arg4[%mul3A_2, %dma_start3A_23] : memref<8192x64xf32, #tpu.memory_space<hbm>> -> memref<256x64xf32, #tpu.memory_space<hbm>>
      %dma_start3A_25 = arith.constant 0 : i32
      %dma_start3A_26 = arith.constant 0 : i32
      %dma_start3A_27 = tpu.memref_slice %arg8[%dma_start3A_25, %dma_start3A_26] : memref<256x65xf32, #tpu.memory_space<vmem>> -> memref<256x64xf32, #tpu.memory_space<vmem>>
      %dma_start3A_28 = arith.constant 0 : i32
      %dma_start3A_29 = tpu.memref_slice %arg4[%mul3A_2, %dma_start3A_28] : memref<8192x64xf32, #tpu.memory_space<hbm>> -> memref<256x64xf32, #tpu.memory_space<hbm>>
      tpu.enqueue_dma source(%dma_start3A_29 : memref<256x64xf32, #tpu.memory_space<hbm>>) target(%dma_start3A_27 : memref<256x64xf32, #tpu.memory_space<vmem>>) target_semaphore(%run_scoped3A : memref<!tpu.dma_semaphore, #tpu.memory_space<semaphore_mem>>)
      %dma_wait3A = arith.constant 0 : i32
      %dma_wait3A_30 = arith.constant 0 : i32
      %dma_wait3A_31 = tpu.memref_slice %arg8[%dma_wait3A, %dma_wait3A_30] : memref<256x65xf32, #tpu.memory_space<vmem>> -> memref<256x64xf32, #tpu.memory_space<vmem>>
      %dma_wait3A_32 = arith.constant 0 : i32
      %dma_wait3A_33 = tpu.memref_slice %arg4[%mul3A_2, %dma_wait3A_32] : memref<8192x64xf32, #tpu.memory_space<hbm>> -> memref<256x64xf32, #tpu.memory_space<hbm>>
      %dma_wait3A_34 = arith.constant 0 : i32
      %dma_wait3A_35 = arith.constant 0 : i32
      %dma_wait3A_36 = tpu.memref_slice %arg8[%dma_wait3A_34, %dma_wait3A_35] : memref<256x65xf32, #tpu.memory_space<vmem>> -> memref<256x64xf32, #tpu.memory_space<vmem>>
      %dma_wait3A_37 = arith.constant 0 : i32
      %dma_wait3A_38 = tpu.memref_slice %arg4[%mul3A_2, %dma_wait3A_37] : memref<8192x64xf32, #tpu.memory_space<hbm>> -> memref<256x64xf32, #tpu.memory_space<hbm>>
      tpu.wait_dma2 semaphore(%run_scoped3A : memref<!tpu.dma_semaphore, #tpu.memory_space<semaphore_mem>>) src(%dma_wait3A_38 : memref<256x64xf32, #tpu.memory_space<hbm>>) dst(%dma_wait3A_36 : memref<256x64xf32, #tpu.memory_space<vmem>>)
      tpu.yield
    }) : () -> ()
    %iota3A = tpu.iota {dimensions = array<i32: 0>} : vector<16xi32>
    %broadcast_in_dim3A = arith.constant 0.000000e+00 : f32
    %broadcast_in_dim3A_3 = vector.broadcast %broadcast_in_dim3A : f32 to vector<16xf32>
    %broadcast_in_dim3A_4 = arith.constant 0 : i32
    %broadcast_in_dim3A_5 = vector.broadcast %broadcast_in_dim3A_4 : i32 to vector<16xi32>
    %broadcast_in_dim3A_6 = arith.constant 1 : i32
    %broadcast_in_dim3A_7 = vector.broadcast %broadcast_in_dim3A_6 : i32 to vector<16xi32>
    %scan3A = arith.constant 0 : i32
    %scan3A_8 = arith.constant 0 : i32
    %scan3A_9 = arith.constant 129 : i32
    %scan3A_10 = arith.addi %scan3A_8, %scan3A_9 : i32
    %scan3A_11 = arith.constant 1 : i32
    scf.for %scan3A_21 = %scan3A_8 to %scan3A_10 step %scan3A_11  : i32 {
      %add3A_22 = arith.constant 0 : i32
      %add3A_23 = arith.addi %add3A_22, %scan3A_21 : i32
      %mul3A_24 = arith.constant 16 : i32
      %mul3A_25 = arith.muli %add3A_23, %mul3A_24 : i32
      %swap3A = arith.index_cast %mul3A_25 : i32 to index
      %swap3A_26 = tpu.vector_load %arg13[%swap3A] {strides = array<i32>} : memref<8256xi32, #tpu.memory_space<vmem>>, vector<16xi32>,
      tpu.vector_store %arg13[%swap3A], %broadcast_in_dim3A_5 {strides = array<i32>} : memref<8256xi32, #tpu.memory_space<vmem>>, vector<16xi32>,
      %add3A_27 = arith.constant 129 : i32
      %add3A_28 = arith.addi %add3A_27, %scan3A_21 : i32
      %mul3A_29 = arith.constant 16 : i32
      %mul3A_30 = arith.muli %add3A_28, %mul3A_29 : i32
      %swap3A_31 = arith.index_cast %mul3A_30 : i32 to index
      %swap3A_32 = tpu.vector_load %arg13[%swap3A_31] {strides = array<i32>} : memref<8256xi32, #tpu.memory_space<vmem>>, vector<16xi32>,
      tpu.vector_store %arg13[%swap3A_31], %broadcast_in_dim3A_5 {strides = array<i32>} : memref<8256xi32, #tpu.memory_space<vmem>>, vector<16xi32>,
      %add3A_33 = arith.constant 258 : i32
      %add3A_34 = arith.addi %add3A_33, %scan3A_21 : i32
      %mul3A_35 = arith.constant 16 : i32
      %mul3A_36 = arith.muli %add3A_34, %mul3A_35 : i32
      %swap3A_37 = arith.index_cast %mul3A_36 : i32 to index
      %swap3A_38 = tpu.vector_load %arg13[%swap3A_37] {strides = array<i32>} : memref<8256xi32, #tpu.memory_space<vmem>>, vector<16xi32>,
      tpu.vector_store %arg13[%swap3A_37], %broadcast_in_dim3A_5 {strides = array<i32>} : memref<8256xi32, #tpu.memory_space<vmem>>, vector<16xi32>,
      %add3A_39 = arith.constant 387 : i32
      %add3A_40 = arith.addi %add3A_39, %scan3A_21 : i32
      %mul3A_41 = arith.constant 16 : i32
      %mul3A_42 = arith.muli %add3A_40, %mul3A_41 : i32
      %swap3A_43 = arith.index_cast %mul3A_42 : i32 to index
      %swap3A_44 = tpu.vector_load %arg13[%swap3A_43] {strides = array<i32>} : memref<8256xi32, #tpu.memory_space<vmem>>, vector<16xi32>,
      tpu.vector_store %arg13[%swap3A_43], %broadcast_in_dim3A_5 {strides = array<i32>} : memref<8256xi32, #tpu.memory_space<vmem>>, vector<16xi32>,
    }
    %scan3A_12 = arith.constant 129 : i32
    %scan3A_13 = arith.constant 0 : i32
    %scan3A_14 = arith.constant 0 : i32
    %scan3A_15 = arith.constant 4 : i32
    %scan3A_16 = arith.addi %scan3A_14, %scan3A_15 : i32
    %scan3A_17 = arith.constant 1 : i32
    scf.for %scan3A_21 = %scan3A_14 to %scan3A_16 step %scan3A_17  : i32 {
      %mul3A_22 = arith.constant 4 : i32
      %mul3A_23 = arith.muli %scan3A_21, %mul3A_22 : i32
      %add3A_24 = arith.constant 0 : i32
      %add3A_25 = arith.addi %mul3A_23, %add3A_24 : i32
      %mul3A_26 = arith.constant 16 : i32
      %mul3A_27 = arith.muli %add3A_25, %mul3A_26 : i32
      %get3A = arith.index_cast %mul3A_27 : i32 to index
      %get3A_28 = tpu.vector_load %arg6[%get3A] {strides = array<i32>} : memref<256xf32, #tpu.memory_space<vmem>>, vector<16xf32>,
      %add3A_29 = arith.constant 1 : i32
      %add3A_30 = arith.addi %mul3A_23, %add3A_29 : i32
      %mul3A_31 = arith.constant 16 : i32
      %mul3A_32 = arith.muli %add3A_30, %mul3A_31 : i32
      %get3A_33 = arith.index_cast %mul3A_32 : i32 to index
      %get3A_34 = tpu.vector_load %arg6[%get3A_33] {strides = array<i32>} : memref<256xf32, #tpu.memory_space<vmem>>, vector<16xf32>,
      %add3A_35 = arith.constant 2 : i32
      %add3A_36 = arith.addi %mul3A_23, %add3A_35 : i32
      %mul3A_37 = arith.constant 16 : i32
      %mul3A_38 = arith.muli %add3A_36, %mul3A_37 : i32
      %get3A_39 = arith.index_cast %mul3A_38 : i32 to index
      %get3A_40 = tpu.vector_load %arg6[%get3A_39] {strides = array<i32>} : memref<256xf32, #tpu.memory_space<vmem>>, vector<16xf32>,
      %add3A_41 = arith.constant 3 : i32
      %add3A_42 = arith.addi %mul3A_23, %add3A_41 : i32
      %mul3A_43 = arith.constant 16 : i32
      %mul3A_44 = arith.muli %add3A_42, %mul3A_43 : i32
      %get3A_45 = arith.index_cast %mul3A_44 : i32 to index
      %get3A_46 = tpu.vector_load %arg6[%get3A_45] {strides = array<i32>} : memref<256xf32, #tpu.memory_space<vmem>>, vector<16xf32>,
      %add3A_47 = arith.constant 0 : i32
      %add3A_48 = arith.addi %mul3A_23, %add3A_47 : i32
      %mul3A_49 = arith.constant 16 : i32
      %mul3A_50 = arith.muli %add3A_48, %mul3A_49 : i32
      %get3A_51 = arith.index_cast %mul3A_50 : i32 to index
      %get3A_52 = tpu.vector_load %arg7[%get3A_51] {strides = array<i32>} : memref<256xf32, #tpu.memory_space<vmem>>, vector<16xf32>,
      %add3A_53 = arith.constant 1 : i32
      %add3A_54 = arith.addi %mul3A_23, %add3A_53 : i32
      %mul3A_55 = arith.constant 16 : i32
      %mul3A_56 = arith.muli %add3A_54, %mul3A_55 : i32
      %get3A_57 = arith.index_cast %mul3A_56 : i32 to index
      %get3A_58 = tpu.vector_load %arg7[%get3A_57] {strides = array<i32>} : memref<256xf32, #tpu.memory_space<vmem>>, vector<16xf32>,
      %add3A_59 = arith.constant 2 : i32
      %add3A_60 = arith.addi %mul3A_23, %add3A_59 : i32
      %mul3A_61 = arith.constant 16 : i32
      %mul3A_62 = arith.muli %add3A_60, %mul3A_61 : i32
      %get3A_63 = arith.index_cast %mul3A_62 : i32 to index
      %get3A_64 = tpu.vector_load %arg7[%get3A_63] {strides = array<i32>} : memref<256xf32, #tpu.memory_space<vmem>>, vector<16xf32>,
      %add3A_65 = arith.constant 3 : i32
      %add3A_66 = arith.addi %mul3A_23, %add3A_65 : i32
      %mul3A_67 = arith.constant 16 : i32
      %mul3A_68 = arith.muli %add3A_66, %mul3A_67 : i32
      %get3A_69 = arith.index_cast %mul3A_68 : i32 to index
      %get3A_70 = tpu.vector_load %arg7[%get3A_69] {strides = array<i32>} : memref<256xf32, #tpu.memory_space<vmem>>, vector<16xf32>,
      %sub3A = arith.subf %get3A_52, %get3A_28 : vector<16xf32>
      %mul3A_71 = arith.constant 1.562500e-02 : f32
      %mul3A_72 = vector.broadcast %mul3A_71 : f32 to vector<16xf32>
      %mul3A_73 = arith.mulf %sub3A, %mul3A_72 : vector<16xf32>
      %sub3A_74 = arith.subf %get3A_58, %get3A_34 : vector<16xf32>
      %mul3A_75 = arith.constant 1.562500e-02 : f32
      %mul3A_76 = vector.broadcast %mul3A_75 : f32 to vector<16xf32>
      %mul3A_77 = arith.mulf %sub3A_74, %mul3A_76 : vector<16xf32>
      %sub3A_78 = arith.subf %get3A_64, %get3A_40 : vector<16xf32>
      %mul3A_79 = arith.constant 1.562500e-02 : f32
      %mul3A_80 = vector.broadcast %mul3A_79 : f32 to vector<16xf32>
      %mul3A_81 = arith.mulf %sub3A_78, %mul3A_80 : vector<16xf32>
      %sub3A_82 = arith.subf %get3A_70, %get3A_46 : vector<16xf32>
      %mul3A_83 = arith.constant 1.562500e-02 : f32
      %mul3A_84 = vector.broadcast %mul3A_83 : f32 to vector<16xf32>
      %mul3A_85 = arith.mulf %sub3A_82, %mul3A_84 : vector<16xf32>
      %add3A_86 = arith.constant 0 : i32
      %add3A_87 = arith.addi %mul3A_23, %add3A_86 : i32
      %mul3A_88 = arith.constant 16 : i32
      %mul3A_89 = arith.muli %add3A_87, %mul3A_88 : i32
      %add3A_90 = vector.broadcast %mul3A_89 : i32 to vector<16xi32>
      %add3A_91 = arith.addi %add3A_90, %iota3A : vector<16xi32>
      %add3A_92 = arith.constant 1 : i32
      %add3A_93 = arith.addi %mul3A_23, %add3A_92 : i32
      %mul3A_94 = arith.constant 16 : i32
      %mul3A_95 = arith.muli %add3A_93, %mul3A_94 : i32
      %add3A_96 = vector.broadcast %mul3A_95 : i32 to vector<16xi32>
      %add3A_97 = arith.addi %add3A_96, %iota3A : vector<16xi32>
      %add3A_98 = arith.constant 2 : i32
      %add3A_99 = arith.addi %mul3A_23, %add3A_98 : i32
      %mul3A_100 = arith.constant 16 : i32
      %mul3A_101 = arith.muli %add3A_99, %mul3A_100 : i32
      %add3A_102 = vector.broadcast %mul3A_101 : i32 to vector<16xi32>
      %add3A_103 = arith.addi %add3A_102, %iota3A : vector<16xi32>
      %add3A_104 = arith.constant 3 : i32
      %add3A_105 = arith.addi %mul3A_23, %add3A_104 : i32
      %mul3A_106 = arith.constant 16 : i32
      %mul3A_107 = arith.muli %add3A_105, %mul3A_106 : i32
      %add3A_108 = vector.broadcast %mul3A_107 : i32 to vector<16xi32>
      %add3A_109 = arith.addi %add3A_108, %iota3A : vector<16xi32>
      %add3A_110 = arith.constant 0 : i32
      %add3A_111 = arith.addi %mul3A_23, %add3A_110 : i32
      %shift_right_arithmetic3A = arith.constant 3 : i32
      %shift_right_arithmetic3A_112 = arith.shrsi %add3A_111, %shift_right_arithmetic3A : i32
      %mul3A_113 = arith.constant 1024 : i32
      %mul3A_114 = arith.muli %shift_right_arithmetic3A_112, %mul3A_113 : i32
      %add3A_115 = arith.constant 0 : i32
      %add3A_116 = arith.addi %mul3A_23, %add3A_115 : i32
      %and3A = arith.constant 7 : i32
      %and3A_117 = arith.andi %add3A_116, %and3A : i32
      %mul3A_118 = arith.constant 16 : i32
      %mul3A_119 = arith.muli %and3A_117, %mul3A_118 : i32
      %add3A_120 = arith.addi %mul3A_114, %mul3A_119 : i32
      %add3A_121 = vector.broadcast %add3A_120 : i32 to vector<16xi32>
      %add3A_122 = arith.addi %add3A_121, %iota3A : vector<16xi32>
      %add3A_123 = arith.constant 1 : i32
      %add3A_124 = arith.addi %mul3A_23, %add3A_123 : i32
      %shift_right_arithmetic3A_125 = arith.constant 3 : i32
      %shift_right_arithmetic3A_126 = arith.shrsi %add3A_124, %shift_right_arithmetic3A_125 : i32
      %mul3A_127 = arith.constant 1024 : i32
      %mul3A_128 = arith.muli %shift_right_arithmetic3A_126, %mul3A_127 : i32
      %add3A_129 = arith.constant 1 : i32
      %add3A_130 = arith.addi %mul3A_23, %add3A_129 : i32
      %and3A_131 = arith.constant 7 : i32
      %and3A_132 = arith.andi %add3A_130, %and3A_131 : i32
      %mul3A_133 = arith.constant 16 : i32
      %mul3A_134 = arith.muli %and3A_132, %mul3A_133 : i32
      %add3A_135 = arith.addi %mul3A_128, %mul3A_134 : i32
      %add3A_136 = vector.broadcast %add3A_135 : i32 to vector<16xi32>
      %add3A_137 = arith.addi %add3A_136, %iota3A : vector<16xi32>
      %add3A_138 = arith.constant 2 : i32
      %add3A_139 = arith.addi %mul3A_23, %add3A_138 : i32
      %shift_right_arithmetic3A_140 = arith.constant 3 : i32
      %shift_right_arithmetic3A_141 = arith.shrsi %add3A_139, %shift_right_arithmetic3A_140 : i32
      %mul3A_142 = arith.constant 1024 : i32
      %mul3A_143 = arith.muli %shift_right_arithmetic3A_141, %mul3A_142 : i32
      %add3A_144 = arith.constant 2 : i32
      %add3A_145 = arith.addi %mul3A_23, %add3A_144 : i32
      %and3A_146 = arith.constant 7 : i32
      %and3A_147 = arith.andi %add3A_145, %and3A_146 : i32
      %mul3A_148 = arith.constant 16 : i32
      %mul3A_149 = arith.muli %and3A_147, %mul3A_148 : i32
      %add3A_150 = arith.addi %mul3A_143, %mul3A_149 : i32
      %add3A_151 = vector.broadcast %add3A_150 : i32 to vector<16xi32>
      %add3A_152 = arith.addi %add3A_151, %iota3A : vector<16xi32>
      %add3A_153 = arith.constant 3 : i32
      %add3A_154 = arith.addi %mul3A_23, %add3A_153 : i32
      %shift_right_arithmetic3A_155 = arith.constant 3 : i32
      %shift_right_arithmetic3A_156 = arith.shrsi %add3A_154, %shift_right_arithmetic3A_155 : i32
      %mul3A_157 = arith.constant 1024 : i32
      %mul3A_158 = arith.muli %shift_right_arithmetic3A_156, %mul3A_157 : i32
      %add3A_159 = arith.constant 3 : i32
      %add3A_160 = arith.addi %mul3A_23, %add3A_159 : i32
      %and3A_161 = arith.constant 7 : i32
      %and3A_162 = arith.andi %add3A_160, %and3A_161 : i32
      %mul3A_163 = arith.constant 16 : i32
      %mul3A_164 = arith.muli %and3A_162, %mul3A_163 : i32
      %add3A_165 = arith.addi %mul3A_158, %mul3A_164 : i32
      %add3A_166 = vector.broadcast %add3A_165 : i32 to vector<16xi32>
      %add3A_167 = arith.addi %add3A_166, %iota3A : vector<16xi32>
      %parallel_loop3A = arith.constant 0 : i32
      %parallel_loop3A_168 = arith.constant 64 : i32
      %parallel_loop3A_169 = arith.constant 1 : i32
      %parallel_loop3A_170:4 = scf.for %parallel_loop3A_277 = %parallel_loop3A to %parallel_loop3A_168 step %parallel_loop3A_169 iter_args(%parallel_loop3A_278 = %broadcast_in_dim3A_3, %parallel_loop3A_279 = %broadcast_in_dim3A_3, %parallel_loop3A_280 = %broadcast_in_dim3A_3, %parallel_loop3A_281 = %broadcast_in_dim3A_3) -> (vector<16xf32>, vector<16xf32>, vector<16xf32>, vector<16xf32>)  : i32 {
        %parallel_loop3A_282 = vector.broadcast %parallel_loop3A_277 : i32 to vector<16xi32>
        %parallel_loop3A_283 = tpu.vector_load_idx %arg8[%add3A_91, %parallel_loop3A_282] : memref<256x65xf32, #tpu.memory_space<vmem>>[vector<16xi32>, vector<16xi32>], vector<16xf32>,
        %parallel_loop3A_284 = arith.addf %parallel_loop3A_278, %parallel_loop3A_283 : vector<16xf32>
        %parallel_loop3A_285 = arith.constant 0.000000e+00 : f32
        %parallel_loop3A_286 = vector.broadcast %parallel_loop3A_285 : f32 to vector<16xf32>
        %parallel_loop3A_287 = arith.subf %parallel_loop3A_286, %mul3A_73 : vector<16xf32>
        %parallel_loop3A_288 = arith.mulf %parallel_loop3A_287, %parallel_loop3A_284 : vector<16xf32>
        %parallel_loop3A_289 = math.exp %parallel_loop3A_288 : vector<16xf32>
        %parallel_loop3A_290 = arith.constant 16 : i32
        %parallel_loop3A_291 = arith.muli %parallel_loop3A_277, %parallel_loop3A_290 : i32
        %parallel_loop3A_292 = arith.constant 0 : i32
        %parallel_loop3A_293 = arith.addi %parallel_loop3A_292, %parallel_loop3A_291 : i32
        %parallel_loop3A_294 = arith.index_cast %parallel_loop3A_293 : i32 to index
        %parallel_loop3A_295 = tpu.vector_load %arg10[%parallel_loop3A_294] {strides = array<i32>} : memref<4096xf32, #tpu.memory_space<vmem>>, vector<16xf32>,
        tpu.vector_store %arg10[%parallel_loop3A_294], %parallel_loop3A_289 {strides = array<i32>} : memref<4096xf32, #tpu.memory_space<vmem>>, vector<16xf32>,
        %parallel_loop3A_296 = vector.broadcast %parallel_loop3A_277 : i32 to vector<16xi32>
        %parallel_loop3A_297 = tpu.vector_load_idx %arg8[%add3A_97, %parallel_loop3A_296] : memref<256x65xf32, #tpu.memory_space<vmem>>[vector<16xi32>, vector<16xi32>], vector<16xf32>,
        %parallel_loop3A_298 = arith.addf %parallel_loop3A_279, %parallel_loop3A_297 : vector<16xf32>
        %parallel_loop3A_299 = arith.constant 0.000000e+00 : f32
        %parallel_loop3A_300 = vector.broadcast %parallel_loop3A_299 : f32 to vector<16xf32>
        %parallel_loop3A_301 = arith.subf %parallel_loop3A_300, %mul3A_77 : vector<16xf32>
        %parallel_loop3A_302 = arith.mulf %parallel_loop3A_301, %parallel_loop3A_298 : vector<16xf32>
        %parallel_loop3A_303 = math.exp %parallel_loop3A_302 : vector<16xf32>
        %parallel_loop3A_304 = arith.constant 16 : i32
        %parallel_loop3A_305 = arith.muli %parallel_loop3A_277, %parallel_loop3A_304 : i32
        %parallel_loop3A_306 = arith.constant 1024 : i32
        %parallel_loop3A_307 = arith.addi %parallel_loop3A_306, %parallel_loop3A_305 : i32
        %parallel_loop3A_308 = arith.index_cast %parallel_loop3A_307 : i32 to index
        %parallel_loop3A_309 = tpu.vector_load %arg10[%parallel_loop3A_308] {strides = array<i32>} : memref<4096xf32, #tpu.memory_space<vmem>>, vector<16xf32>,
        tpu.vector_store %arg10[%parallel_loop3A_308], %parallel_loop3A_303 {strides = array<i32>} : memref<4096xf32, #tpu.memory_space<vmem>>, vector<16xf32>,
        %parallel_loop3A_310 = vector.broadcast %parallel_loop3A_277 : i32 to vector<16xi32>
        %parallel_loop3A_311 = tpu.vector_load_idx %arg8[%add3A_103, %parallel_loop3A_310] : memref<256x65xf32, #tpu.memory_space<vmem>>[vector<16xi32>, vector<16xi32>], vector<16xf32>,
        %parallel_loop3A_312 = arith.addf %parallel_loop3A_280, %parallel_loop3A_311 : vector<16xf32>
        %parallel_loop3A_313 = arith.constant 0.000000e+00 : f32
        %parallel_loop3A_314 = vector.broadcast %parallel_loop3A_313 : f32 to vector<16xf32>
        %parallel_loop3A_315 = arith.subf %parallel_loop3A_314, %mul3A_81 : vector<16xf32>
        %parallel_loop3A_316 = arith.mulf %parallel_loop3A_315, %parallel_loop3A_312 : vector<16xf32>
        %parallel_loop3A_317 = math.exp %parallel_loop3A_316 : vector<16xf32>
        %parallel_loop3A_318 = arith.constant 16 : i32
        %parallel_loop3A_319 = arith.muli %parallel_loop3A_277, %parallel_loop3A_318 : i32
        %parallel_loop3A_320 = arith.constant 2048 : i32
        %parallel_loop3A_321 = arith.addi %parallel_loop3A_320, %parallel_loop3A_319 : i32
        %parallel_loop3A_322 = arith.index_cast %parallel_loop3A_321 : i32 to index
        %parallel_loop3A_323 = tpu.vector_load %arg10[%parallel_loop3A_322] {strides = array<i32>} : memref<4096xf32, #tpu.memory_space<vmem>>, vector<16xf32>,
        tpu.vector_store %arg10[%parallel_loop3A_322], %parallel_loop3A_317 {strides = array<i32>} : memref<4096xf32, #tpu.memory_space<vmem>>, vector<16xf32>,
        %parallel_loop3A_324 = vector.broadcast %parallel_loop3A_277 : i32 to vector<16xi32>
        %parallel_loop3A_325 = tpu.vector_load_idx %arg8[%add3A_109, %parallel_loop3A_324] : memref<256x65xf32, #tpu.memory_space<vmem>>[vector<16xi32>, vector<16xi32>], vector<16xf32>,
        %parallel_loop3A_326 = arith.addf %parallel_loop3A_281, %parallel_loop3A_325 : vector<16xf32>
        %parallel_loop3A_327 = arith.constant 0.000000e+00 : f32
        %parallel_loop3A_328 = vector.broadcast %parallel_loop3A_327 : f32 to vector<16xf32>
        %parallel_loop3A_329 = arith.subf %parallel_loop3A_328, %mul3A_85 : vector<16xf32>
        %parallel_loop3A_330 = arith.mulf %parallel_loop3A_329, %parallel_loop3A_326 : vector<16xf32>
        %parallel_loop3A_331 = math.exp %parallel_loop3A_330 : vector<16xf32>
        %parallel_loop3A_332 = arith.constant 16 : i32
        %parallel_loop3A_333 = arith.muli %parallel_loop3A_277, %parallel_loop3A_332 : i32
        %parallel_loop3A_334 = arith.constant 3072 : i32
        %parallel_loop3A_335 = arith.addi %parallel_loop3A_334, %parallel_loop3A_333 : i32
        %parallel_loop3A_336 = arith.index_cast %parallel_loop3A_335 : i32 to index
        %parallel_loop3A_337 = tpu.vector_load %arg10[%parallel_loop3A_336] {strides = array<i32>} : memref<4096xf32, #tpu.memory_space<vmem>>, vector<16xf32>,
        tpu.vector_store %arg10[%parallel_loop3A_336], %parallel_loop3A_331 {strides = array<i32>} : memref<4096xf32, #tpu.memory_space<vmem>>, vector<16xf32>,
        scf.yield %parallel_loop3A_284, %parallel_loop3A_298, %parallel_loop3A_312, %parallel_loop3A_326 : vector<16xf32>, vector<16xf32>, vector<16xf32>, vector<16xf32>
      } {sc.loop_unroll_factor = 4 : i64, sc.parallel_access}
      %get3A_171 = arith.constant 1008 : index
      %get3A_172 = tpu.vector_load %arg10[%get3A_171] {strides = array<i32>} : memref<4096xf32, #tpu.memory_space<vmem>>, vector<16xf32>,
      %sub3A_173 = arith.constant 1.000000e+00 : f32
      %sub3A_174 = vector.broadcast %sub3A_173 : f32 to vector<16xf32>
      %sub3A_175 = arith.subf %sub3A_174, %get3A_172 : vector<16xf32>
      %add3A_176 = arith.constant 9.99999997E-7 : f32
      %add3A_177 = vector.broadcast %add3A_176 : f32 to vector<16xf32>
      %add3A_178 = arith.addf %sub3A_175, %add3A_177 : vector<16xf32>
      %div3A = arith.constant 1.000000e+00 : f32
      %div3A_179 = vector.broadcast %div3A : f32 to vector<16xf32>
      %div3A_180 = arith.divf %div3A_179, %add3A_178 : vector<16xf32>
      %get3A_181 = arith.constant 2032 : index
      %get3A_182 = tpu.vector_load %arg10[%get3A_181] {strides = array<i32>} : memref<4096xf32, #tpu.memory_space<vmem>>, vector<16xf32>,
      %sub3A_183 = arith.constant 1.000000e+00 : f32
      %sub3A_184 = vector.broadcast %sub3A_183 : f32 to vector<16xf32>
      %sub3A_185 = arith.subf %sub3A_184, %get3A_182 : vector<16xf32>
      %add3A_186 = arith.constant 9.99999997E-7 : f32
      %add3A_187 = vector.broadcast %add3A_186 : f32 to vector<16xf32>
      %add3A_188 = arith.addf %sub3A_185, %add3A_187 : vector<16xf32>
      %div3A_189 = arith.constant 1.000000e+00 : f32
      %div3A_190 = vector.broadcast %div3A_189 : f32 to vector<16xf32>
      %div3A_191 = arith.divf %div3A_190, %add3A_188 : vector<16xf32>
      %get3A_192 = arith.constant 3056 : index
      %get3A_193 = tpu.vector_load %arg10[%get3A_192] {strides = array<i32>} : memref<4096xf32, #tpu.memory_space<vmem>>, vector<16xf32>,
      %sub3A_194 = arith.constant 1.000000e+00 : f32
      %sub3A_195 = vector.broadcast %sub3A_194 : f32 to vector<16xf32>
      %sub3A_196 = arith.subf %sub3A_195, %get3A_193 : vector<16xf32>
      %add3A_197 = arith.constant 9.99999997E-7 : f32
      %add3A_198 = vector.broadcast %add3A_197 : f32 to vector<16xf32>
      %add3A_199 = arith.addf %sub3A_196, %add3A_198 : vector<16xf32>
      %div3A_200 = arith.constant 1.000000e+00 : f32
      %div3A_201 = vector.broadcast %div3A_200 : f32 to vector<16xf32>
      %div3A_202 = arith.divf %div3A_201, %add3A_199 : vector<16xf32>
      %get3A_203 = arith.constant 4080 : index
      %get3A_204 = tpu.vector_load %arg10[%get3A_203] {strides = array<i32>} : memref<4096xf32, #tpu.memory_space<vmem>>, vector<16xf32>,
      %sub3A_205 = arith.constant 1.000000e+00 : f32
      %sub3A_206 = vector.broadcast %sub3A_205 : f32 to vector<16xf32>
      %sub3A_207 = arith.subf %sub3A_206, %get3A_204 : vector<16xf32>
      %add3A_208 = arith.constant 9.99999997E-7 : f32
      %add3A_209 = vector.broadcast %add3A_208 : f32 to vector<16xf32>
      %add3A_210 = arith.addf %sub3A_207, %add3A_209 : vector<16xf32>
      %div3A_211 = arith.constant 1.000000e+00 : f32
      %div3A_212 = vector.broadcast %div3A_211 : f32 to vector<16xf32>
      %div3A_213 = arith.divf %div3A_212, %add3A_210 : vector<16xf32>
      %parallel_loop3A_214 = arith.constant 0 : i32
      %parallel_loop3A_215 = arith.constant 64 : i32
      %parallel_loop3A_216 = arith.constant 1 : i32
      %parallel_loop3A_217:8 = scf.for %parallel_loop3A_277 = %parallel_loop3A_214 to %parallel_loop3A_215 step %parallel_loop3A_216 iter_args(%parallel_loop3A_278 = %broadcast_in_dim3A_3, %parallel_loop3A_279 = %get3A_28, %parallel_loop3A_280 = %broadcast_in_dim3A_3, %parallel_loop3A_281 = %get3A_34, %parallel_loop3A_282 = %broadcast_in_dim3A_3, %parallel_loop3A_283 = %get3A_40, %parallel_loop3A_284 = %broadcast_in_dim3A_3, %parallel_loop3A_285 = %get3A_46) -> (vector<16xf32>, vector<16xf32>, vector<16xf32>, vector<16xf32>, vector<16xf32>, vector<16xf32>, vector<16xf32>, vector<16xf32>)  : i32 {
        %parallel_loop3A_286 = arith.constant 16 : i32
        %parallel_loop3A_287 = arith.muli %parallel_loop3A_277, %parallel_loop3A_286 : i32
        %parallel_loop3A_288 = arith.constant 0 : i32
        %parallel_loop3A_289 = arith.addi %parallel_loop3A_288, %parallel_loop3A_287 : i32
        %parallel_loop3A_290 = arith.index_cast %parallel_loop3A_289 : i32 to index
        %parallel_loop3A_291 = tpu.vector_load %arg10[%parallel_loop3A_290] {strides = array<i32>} : memref<4096xf32, #tpu.memory_space<vmem>>, vector<16xf32>,
        %parallel_loop3A_292 = arith.constant 1.000000e+00 : f32
        %parallel_loop3A_293 = vector.broadcast %parallel_loop3A_292 : f32 to vector<16xf32>
        %parallel_loop3A_294 = arith.subf %parallel_loop3A_293, %parallel_loop3A_291 : vector<16xf32>
        %parallel_loop3A_295 = arith.mulf %parallel_loop3A_294, %div3A_180 : vector<16xf32>
        %parallel_loop3A_296 = arith.sitofp %parallel_loop3A_277 : i32 to f32
        %parallel_loop3A_297 = arith.constant 5.000000e-01 : f32
        %parallel_loop3A_298 = arith.addf %parallel_loop3A_296, %parallel_loop3A_297 : f32
        %parallel_loop3A_299 = vector.broadcast %parallel_loop3A_298 : f32 to vector<16xf32>
        %parallel_loop3A_300 = arith.mulf %parallel_loop3A_299, %mul3A_73 : vector<16xf32>
        %parallel_loop3A_301 = arith.addf %get3A_28, %parallel_loop3A_300 : vector<16xf32>
        %parallel_loop3A_302 = arith.constant 5.000000e-02 : f32
        %parallel_loop3A_303 = vector.broadcast %parallel_loop3A_302 : f32 to vector<16xf32>
        %parallel_loop3A_304 = arith.subf %parallel_loop3A_295, %parallel_loop3A_303 : vector<16xf32>
        %parallel_loop3A_305 = arith.constant 141.111115 : f32
        %parallel_loop3A_306 = vector.broadcast %parallel_loop3A_305 : f32 to vector<16xf32>
        %parallel_loop3A_307 = arith.mulf %parallel_loop3A_304, %parallel_loop3A_306 : vector<16xf32>
        %parallel_loop3A_308 = arith.fptosi %parallel_loop3A_307 : vector<16xf32> to vector<16xi32>
        %parallel_loop3A_309 = arith.sitofp %parallel_loop3A_308 : vector<16xi32> to vector<16xf32>
        %parallel_loop3A_310 = arith.cmpf olt, %parallel_loop3A_309, %parallel_loop3A_307 : vector<16xf32>
        %parallel_loop3A_311 = arith.constant 1 : i32
        %parallel_loop3A_312 = vector.broadcast %parallel_loop3A_311 : i32 to vector<16xi32>
        %parallel_loop3A_313 = arith.addi %parallel_loop3A_308, %parallel_loop3A_312 : vector<16xi32>
        %parallel_loop3A_314 = arith.select %parallel_loop3A_310, %parallel_loop3A_313, %parallel_loop3A_308 : vector<16xi1>, vector<16xi32>
        %parallel_loop3A_315 = arith.constant 0 : i32
        %parallel_loop3A_316 = arith.constant 128 : i32
        %parallel_loop3A_317 = vector.broadcast %parallel_loop3A_315 : i32 to vector<16xi32>
        %parallel_loop3A_318 = arith.maxsi %parallel_loop3A_317, %parallel_loop3A_314 : vector<16xi32>
        %parallel_loop3A_319 = vector.broadcast %parallel_loop3A_316 : i32 to vector<16xi32>
        %parallel_loop3A_320 = arith.minsi %parallel_loop3A_319, %parallel_loop3A_318 : vector<16xi32>
        %parallel_loop3A_321 = arith.constant 16 : i32
        %parallel_loop3A_322 = vector.broadcast %parallel_loop3A_321 : i32 to vector<16xi32>
        %parallel_loop3A_323 = arith.muli %parallel_loop3A_320, %parallel_loop3A_322 : vector<16xi32>
        %parallel_loop3A_324 = arith.constant 0 : i32
        %parallel_loop3A_325 = vector.broadcast %parallel_loop3A_324 : i32 to vector<16xi32>
        %parallel_loop3A_326 = arith.addi %parallel_loop3A_325, %parallel_loop3A_323 : vector<16xi32>
        %parallel_loop3A_327 = arith.addi %parallel_loop3A_326, %iota3A : vector<16xi32>
        tpu.vector_store_idx %arg13[%parallel_loop3A_327], %broadcast_in_dim3A_7 {add = true} : memref<8256xi32, #tpu.memory_space<vmem>>[vector<16xi32>], vector<16xi32>,
        %parallel_loop3A_328 = vector.broadcast %parallel_loop3A_277 : i32 to vector<16xi32>
        %parallel_loop3A_329 = arith.addi %parallel_loop3A_328, %parallel_loop3A_320 : vector<16xi32>
        %parallel_loop3A_330 = arith.constant 3 : i32
        %parallel_loop3A_331 = vector.broadcast %parallel_loop3A_330 : i32 to vector<16xi32>
        %parallel_loop3A_332 = arith.shrsi %parallel_loop3A_329, %parallel_loop3A_331 : vector<16xi32>
        %parallel_loop3A_333 = arith.constant 7 : i32
        %parallel_loop3A_334 = vector.broadcast %parallel_loop3A_333 : i32 to vector<16xi32>
        %parallel_loop3A_335 = arith.andi %parallel_loop3A_329, %parallel_loop3A_334 : vector<16xi32>
        %parallel_loop3A_336 = arith.constant 7 : i32
        %parallel_loop3A_337 = vector.broadcast %parallel_loop3A_336 : i32 to vector<16xi32>
        %parallel_loop3A_338 = arith.shli %parallel_loop3A_335, %parallel_loop3A_337 : vector<16xi32>
        %parallel_loop3A_339 = arith.addi %parallel_loop3A_338, %add3A_122 : vector<16xi32>
        tpu.vector_store_idx %arg9[%parallel_loop3A_332, %parallel_loop3A_339], %parallel_loop3A_301 : memref<24x2048xf32, #tpu.memory_space<vmem>>[vector<16xi32>, vector<16xi32>], vector<16xf32>,
        %parallel_loop3A_340 = arith.subf %parallel_loop3A_295, %parallel_loop3A_278 : vector<16xf32>
        %parallel_loop3A_341 = arith.constant 9.99999974E-6 : f32
        %parallel_loop3A_342 = vector.broadcast %parallel_loop3A_341 : f32 to vector<16xf32>
        %parallel_loop3A_343 = arith.cmpf olt, %parallel_loop3A_340, %parallel_loop3A_342 : vector<16xf32>
        %parallel_loop3A_344 = arith.constant 1.000000e+00 : f32
        %parallel_loop3A_345 = vector.broadcast %parallel_loop3A_344 : f32 to vector<16xf32>
        %parallel_loop3A_346 = arith.select %parallel_loop3A_343, %parallel_loop3A_345, %parallel_loop3A_340 : vector<16xi1>, vector<16xf32>
        %parallel_loop3A_347 = arith.divf %mul3A_73, %parallel_loop3A_346 : vector<16xf32>
        %parallel_loop3A_348 = arith.mulf %parallel_loop3A_278, %parallel_loop3A_347 : vector<16xf32>
        %parallel_loop3A_349 = arith.subf %parallel_loop3A_279, %parallel_loop3A_348 : vector<16xf32>
        %parallel_loop3A_350 = arith.constant 16 : i32
        %parallel_loop3A_351 = arith.muli %parallel_loop3A_277, %parallel_loop3A_350 : i32
        %parallel_loop3A_352 = arith.constant 0 : i32
        %parallel_loop3A_353 = arith.addi %parallel_loop3A_352, %parallel_loop3A_351 : i32
        %parallel_loop3A_354 = arith.index_cast %parallel_loop3A_353 : i32 to index
        %parallel_loop3A_355 = tpu.vector_load %arg11[%parallel_loop3A_354] {strides = array<i32>} : memref<4160xf32, #tpu.memory_space<vmem>>, vector<16xf32>,
        tpu.vector_store %arg11[%parallel_loop3A_354], %parallel_loop3A_349 {strides = array<i32>} : memref<4160xf32, #tpu.memory_space<vmem>>, vector<16xf32>,
        %parallel_loop3A_356 = arith.constant 16 : i32
        %parallel_loop3A_357 = arith.muli %parallel_loop3A_277, %parallel_loop3A_356 : i32
        %parallel_loop3A_358 = arith.constant 0 : i32
        %parallel_loop3A_359 = arith.addi %parallel_loop3A_358, %parallel_loop3A_357 : i32
        %parallel_loop3A_360 = arith.index_cast %parallel_loop3A_359 : i32 to index
        %parallel_loop3A_361 = tpu.vector_load %arg12[%parallel_loop3A_360] {strides = array<i32>} : memref<4160xf32, #tpu.memory_space<vmem>>, vector<16xf32>,
        tpu.vector_store %arg12[%parallel_loop3A_360], %parallel_loop3A_347 {strides = array<i32>} : memref<4160xf32, #tpu.memory_space<vmem>>, vector<16xf32>,
        %parallel_loop3A_362 = arith.constant 16 : i32
        %parallel_loop3A_363 = arith.muli %parallel_loop3A_277, %parallel_loop3A_362 : i32
        %parallel_loop3A_364 = arith.constant 1024 : i32
        %parallel_loop3A_365 = arith.addi %parallel_loop3A_364, %parallel_loop3A_363 : i32
        %parallel_loop3A_366 = arith.index_cast %parallel_loop3A_365 : i32 to index
        %parallel_loop3A_367 = tpu.vector_load %arg10[%parallel_loop3A_366] {strides = array<i32>} : memref<4096xf32, #tpu.memory_space<vmem>>, vector<16xf32>,
        %parallel_loop3A_368 = arith.constant 1.000000e+00 : f32
        %parallel_loop3A_369 = vector.broadcast %parallel_loop3A_368 : f32 to vector<16xf32>
        %parallel_loop3A_370 = arith.subf %parallel_loop3A_369, %parallel_loop3A_367 : vector<16xf32>
        %parallel_loop3A_371 = arith.mulf %parallel_loop3A_370, %div3A_191 : vector<16xf32>
        %parallel_loop3A_372 = arith.sitofp %parallel_loop3A_277 : i32 to f32
        %parallel_loop3A_373 = arith.constant 5.000000e-01 : f32
        %parallel_loop3A_374 = arith.addf %parallel_loop3A_372, %parallel_loop3A_373 : f32
        %parallel_loop3A_375 = vector.broadcast %parallel_loop3A_374 : f32 to vector<16xf32>
        %parallel_loop3A_376 = arith.mulf %parallel_loop3A_375, %mul3A_77 : vector<16xf32>
        %parallel_loop3A_377 = arith.addf %get3A_34, %parallel_loop3A_376 : vector<16xf32>
        %parallel_loop3A_378 = arith.constant 5.000000e-02 : f32
        %parallel_loop3A_379 = vector.broadcast %parallel_loop3A_378 : f32 to vector<16xf32>
        %parallel_loop3A_380 = arith.subf %parallel_loop3A_371, %parallel_loop3A_379 : vector<16xf32>
        %parallel_loop3A_381 = arith.constant 141.111115 : f32
        %parallel_loop3A_382 = vector.broadcast %parallel_loop3A_381 : f32 to vector<16xf32>
        %parallel_loop3A_383 = arith.mulf %parallel_loop3A_380, %parallel_loop3A_382 : vector<16xf32>
        %parallel_loop3A_384 = arith.fptosi %parallel_loop3A_383 : vector<16xf32> to vector<16xi32>
        %parallel_loop3A_385 = arith.sitofp %parallel_loop3A_384 : vector<16xi32> to vector<16xf32>
        %parallel_loop3A_386 = arith.cmpf olt, %parallel_loop3A_385, %parallel_loop3A_383 : vector<16xf32>
        %parallel_loop3A_387 = arith.constant 1 : i32
        %parallel_loop3A_388 = vector.broadcast %parallel_loop3A_387 : i32 to vector<16xi32>
        %parallel_loop3A_389 = arith.addi %parallel_loop3A_384, %parallel_loop3A_388 : vector<16xi32>
        %parallel_loop3A_390 = arith.select %parallel_loop3A_386, %parallel_loop3A_389, %parallel_loop3A_384 : vector<16xi1>, vector<16xi32>
        %parallel_loop3A_391 = arith.constant 0 : i32
        %parallel_loop3A_392 = arith.constant 128 : i32
        %parallel_loop3A_393 = vector.broadcast %parallel_loop3A_391 : i32 to vector<16xi32>
        %parallel_loop3A_394 = arith.maxsi %parallel_loop3A_393, %parallel_loop3A_390 : vector<16xi32>
        %parallel_loop3A_395 = vector.broadcast %parallel_loop3A_392 : i32 to vector<16xi32>
        %parallel_loop3A_396 = arith.minsi %parallel_loop3A_395, %parallel_loop3A_394 : vector<16xi32>
        %parallel_loop3A_397 = arith.constant 16 : i32
        %parallel_loop3A_398 = vector.broadcast %parallel_loop3A_397 : i32 to vector<16xi32>
        %parallel_loop3A_399 = arith.muli %parallel_loop3A_396, %parallel_loop3A_398 : vector<16xi32>
        %parallel_loop3A_400 = arith.constant 2064 : i32
        %parallel_loop3A_401 = vector.broadcast %parallel_loop3A_400 : i32 to vector<16xi32>
        %parallel_loop3A_402 = arith.addi %parallel_loop3A_401, %parallel_loop3A_399 : vector<16xi32>
        %parallel_loop3A_403 = arith.addi %parallel_loop3A_402, %iota3A : vector<16xi32>
        tpu.vector_store_idx %arg13[%parallel_loop3A_403], %broadcast_in_dim3A_7 {add = true} : memref<8256xi32, #tpu.memory_space<vmem>>[vector<16xi32>], vector<16xi32>,
        %parallel_loop3A_404 = vector.broadcast %parallel_loop3A_277 : i32 to vector<16xi32>
        %parallel_loop3A_405 = arith.addi %parallel_loop3A_404, %parallel_loop3A_396 : vector<16xi32>
        %parallel_loop3A_406 = arith.constant 3 : i32
        %parallel_loop3A_407 = vector.broadcast %parallel_loop3A_406 : i32 to vector<16xi32>
        %parallel_loop3A_408 = arith.shrsi %parallel_loop3A_405, %parallel_loop3A_407 : vector<16xi32>
        %parallel_loop3A_409 = arith.constant 7 : i32
        %parallel_loop3A_410 = vector.broadcast %parallel_loop3A_409 : i32 to vector<16xi32>
        %parallel_loop3A_411 = arith.andi %parallel_loop3A_405, %parallel_loop3A_410 : vector<16xi32>
        %parallel_loop3A_412 = arith.constant 7 : i32
        %parallel_loop3A_413 = vector.broadcast %parallel_loop3A_412 : i32 to vector<16xi32>
        %parallel_loop3A_414 = arith.shli %parallel_loop3A_411, %parallel_loop3A_413 : vector<16xi32>
        %parallel_loop3A_415 = arith.addi %parallel_loop3A_414, %add3A_137 : vector<16xi32>
        tpu.vector_store_idx %arg9[%parallel_loop3A_408, %parallel_loop3A_415], %parallel_loop3A_377 : memref<24x2048xf32, #tpu.memory_space<vmem>>[vector<16xi32>, vector<16xi32>], vector<16xf32>,
        %parallel_loop3A_416 = arith.subf %parallel_loop3A_371, %parallel_loop3A_280 : vector<16xf32>
        %parallel_loop3A_417 = arith.constant 9.99999974E-6 : f32
        %parallel_loop3A_418 = vector.broadcast %parallel_loop3A_417 : f32 to vector<16xf32>
        %parallel_loop3A_419 = arith.cmpf olt, %parallel_loop3A_416, %parallel_loop3A_418 : vector<16xf32>
        %parallel_loop3A_420 = arith.constant 1.000000e+00 : f32
        %parallel_loop3A_421 = vector.broadcast %parallel_loop3A_420 : f32 to vector<16xf32>
        %parallel_loop3A_422 = arith.select %parallel_loop3A_419, %parallel_loop3A_421, %parallel_loop3A_416 : vector<16xi1>, vector<16xf32>
        %parallel_loop3A_423 = arith.divf %mul3A_77, %parallel_loop3A_422 : vector<16xf32>
        %parallel_loop3A_424 = arith.mulf %parallel_loop3A_280, %parallel_loop3A_423 : vector<16xf32>
        %parallel_loop3A_425 = arith.subf %parallel_loop3A_281, %parallel_loop3A_424 : vector<16xf32>
        %parallel_loop3A_426 = arith.constant 16 : i32
        %parallel_loop3A_427 = arith.muli %parallel_loop3A_277, %parallel_loop3A_426 : i32
        %parallel_loop3A_428 = arith.constant 1040 : i32
        %parallel_loop3A_429 = arith.addi %parallel_loop3A_428, %parallel_loop3A_427 : i32
        %parallel_loop3A_430 = arith.index_cast %parallel_loop3A_429 : i32 to index
        %parallel_loop3A_431 = tpu.vector_load %arg11[%parallel_loop3A_430] {strides = array<i32>} : memref<4160xf32, #tpu.memory_space<vmem>>, vector<16xf32>,
        tpu.vector_store %arg11[%parallel_loop3A_430], %parallel_loop3A_425 {strides = array<i32>} : memref<4160xf32, #tpu.memory_space<vmem>>, vector<16xf32>,
        %parallel_loop3A_432 = arith.constant 16 : i32
        %parallel_loop3A_433 = arith.muli %parallel_loop3A_277, %parallel_loop3A_432 : i32
        %parallel_loop3A_434 = arith.constant 1040 : i32
        %parallel_loop3A_435 = arith.addi %parallel_loop3A_434, %parallel_loop3A_433 : i32
        %parallel_loop3A_436 = arith.index_cast %parallel_loop3A_435 : i32 to index
        %parallel_loop3A_437 = tpu.vector_load %arg12[%parallel_loop3A_436] {strides = array<i32>} : memref<4160xf32, #tpu.memory_space<vmem>>, vector<16xf32>,
        tpu.vector_store %arg12[%parallel_loop3A_436], %parallel_loop3A_423 {strides = array<i32>} : memref<4160xf32, #tpu.memory_space<vmem>>, vector<16xf32>,
        %parallel_loop3A_438 = arith.constant 16 : i32
        %parallel_loop3A_439 = arith.muli %parallel_loop3A_277, %parallel_loop3A_438 : i32
        %parallel_loop3A_440 = arith.constant 2048 : i32
        %parallel_loop3A_441 = arith.addi %parallel_loop3A_440, %parallel_loop3A_439 : i32
        %parallel_loop3A_442 = arith.index_cast %parallel_loop3A_441 : i32 to index
        %parallel_loop3A_443 = tpu.vector_load %arg10[%parallel_loop3A_442] {strides = array<i32>} : memref<4096xf32, #tpu.memory_space<vmem>>, vector<16xf32>,
        %parallel_loop3A_444 = arith.constant 1.000000e+00 : f32
        %parallel_loop3A_445 = vector.broadcast %parallel_loop3A_444 : f32 to vector<16xf32>
        %parallel_loop3A_446 = arith.subf %parallel_loop3A_445, %parallel_loop3A_443 : vector<16xf32>
        %parallel_loop3A_447 = arith.mulf %parallel_loop3A_446, %div3A_202 : vector<16xf32>
        %parallel_loop3A_448 = arith.sitofp %parallel_loop3A_277 : i32 to f32
        %parallel_loop3A_449 = arith.constant 5.000000e-01 : f32
        %parallel_loop3A_450 = arith.addf %parallel_loop3A_448, %parallel_loop3A_449 : f32
        %parallel_loop3A_451 = vector.broadcast %parallel_loop3A_450 : f32 to vector<16xf32>
        %parallel_loop3A_452 = arith.mulf %parallel_loop3A_451, %mul3A_81 : vector<16xf32>
        %parallel_loop3A_453 = arith.addf %get3A_40, %parallel_loop3A_452 : vector<16xf32>
        %parallel_loop3A_454 = arith.constant 5.000000e-02 : f32
        %parallel_loop3A_455 = vector.broadcast %parallel_loop3A_454 : f32 to vector<16xf32>
        %parallel_loop3A_456 = arith.subf %parallel_loop3A_447, %parallel_loop3A_455 : vector<16xf32>
        %parallel_loop3A_457 = arith.constant 141.111115 : f32
        %parallel_loop3A_458 = vector.broadcast %parallel_loop3A_457 : f32 to vector<16xf32>
        %parallel_loop3A_459 = arith.mulf %parallel_loop3A_456, %parallel_loop3A_458 : vector<16xf32>
        %parallel_loop3A_460 = arith.fptosi %parallel_loop3A_459 : vector<16xf32> to vector<16xi32>
        %parallel_loop3A_461 = arith.sitofp %parallel_loop3A_460 : vector<16xi32> to vector<16xf32>
        %parallel_loop3A_462 = arith.cmpf olt, %parallel_loop3A_461, %parallel_loop3A_459 : vector<16xf32>
        %parallel_loop3A_463 = arith.constant 1 : i32
        %parallel_loop3A_464 = vector.broadcast %parallel_loop3A_463 : i32 to vector<16xi32>
        %parallel_loop3A_465 = arith.addi %parallel_loop3A_460, %parallel_loop3A_464 : vector<16xi32>
        %parallel_loop3A_466 = arith.select %parallel_loop3A_462, %parallel_loop3A_465, %parallel_loop3A_460 : vector<16xi1>, vector<16xi32>
        %parallel_loop3A_467 = arith.constant 0 : i32
        %parallel_loop3A_468 = arith.constant 128 : i32
        %parallel_loop3A_469 = vector.broadcast %parallel_loop3A_467 : i32 to vector<16xi32>
        %parallel_loop3A_470 = arith.maxsi %parallel_loop3A_469, %parallel_loop3A_466 : vector<16xi32>
        %parallel_loop3A_471 = vector.broadcast %parallel_loop3A_468 : i32 to vector<16xi32>
        %parallel_loop3A_472 = arith.minsi %parallel_loop3A_471, %parallel_loop3A_470 : vector<16xi32>
        %parallel_loop3A_473 = arith.constant 16 : i32
        %parallel_loop3A_474 = vector.broadcast %parallel_loop3A_473 : i32 to vector<16xi32>
        %parallel_loop3A_475 = arith.muli %parallel_loop3A_472, %parallel_loop3A_474 : vector<16xi32>
        %parallel_loop3A_476 = arith.constant 4128 : i32
        %parallel_loop3A_477 = vector.broadcast %parallel_loop3A_476 : i32 to vector<16xi32>
        %parallel_loop3A_478 = arith.addi %parallel_loop3A_477, %parallel_loop3A_475 : vector<16xi32>
        %parallel_loop3A_479 = arith.addi %parallel_loop3A_478, %iota3A : vector<16xi32>
        tpu.vector_store_idx %arg13[%parallel_loop3A_479], %broadcast_in_dim3A_7 {add = true} : memref<8256xi32, #tpu.memory_space<vmem>>[vector<16xi32>], vector<16xi32>,
        %parallel_loop3A_480 = vector.broadcast %parallel_loop3A_277 : i32 to vector<16xi32>
        %parallel_loop3A_481 = arith.addi %parallel_loop3A_480, %parallel_loop3A_472 : vector<16xi32>
        %parallel_loop3A_482 = arith.constant 3 : i32
        %parallel_loop3A_483 = vector.broadcast %parallel_loop3A_482 : i32 to vector<16xi32>
        %parallel_loop3A_484 = arith.shrsi %parallel_loop3A_481, %parallel_loop3A_483 : vector<16xi32>
        %parallel_loop3A_485 = arith.constant 7 : i32
        %parallel_loop3A_486 = vector.broadcast %parallel_loop3A_485 : i32 to vector<16xi32>
        %parallel_loop3A_487 = arith.andi %parallel_loop3A_481, %parallel_loop3A_486 : vector<16xi32>
        %parallel_loop3A_488 = arith.constant 7 : i32
        %parallel_loop3A_489 = vector.broadcast %parallel_loop3A_488 : i32 to vector<16xi32>
        %parallel_loop3A_490 = arith.shli %parallel_loop3A_487, %parallel_loop3A_489 : vector<16xi32>
        %parallel_loop3A_491 = arith.addi %parallel_loop3A_490, %add3A_152 : vector<16xi32>
        tpu.vector_store_idx %arg9[%parallel_loop3A_484, %parallel_loop3A_491], %parallel_loop3A_453 : memref<24x2048xf32, #tpu.memory_space<vmem>>[vector<16xi32>, vector<16xi32>], vector<16xf32>,
        %parallel_loop3A_492 = arith.subf %parallel_loop3A_447, %parallel_loop3A_282 : vector<16xf32>
        %parallel_loop3A_493 = arith.constant 9.99999974E-6 : f32
        %parallel_loop3A_494 = vector.broadcast %parallel_loop3A_493 : f32 to vector<16xf32>
        %parallel_loop3A_495 = arith.cmpf olt, %parallel_loop3A_492, %parallel_loop3A_494 : vector<16xf32>
        %parallel_loop3A_496 = arith.constant 1.000000e+00 : f32
        %parallel_loop3A_497 = vector.broadcast %parallel_loop3A_496 : f32 to vector<16xf32>
        %parallel_loop3A_498 = arith.select %parallel_loop3A_495, %parallel_loop3A_497, %parallel_loop3A_492 : vector<16xi1>, vector<16xf32>
        %parallel_loop3A_499 = arith.divf %mul3A_81, %parallel_loop3A_498 : vector<16xf32>
        %parallel_loop3A_500 = arith.mulf %parallel_loop3A_282, %parallel_loop3A_499 : vector<16xf32>
        %parallel_loop3A_501 = arith.subf %parallel_loop3A_283, %parallel_loop3A_500 : vector<16xf32>
        %parallel_loop3A_502 = arith.constant 16 : i32
        %parallel_loop3A_503 = arith.muli %parallel_loop3A_277, %parallel_loop3A_502 : i32
        %parallel_loop3A_504 = arith.constant 2080 : i32
        %parallel_loop3A_505 = arith.addi %parallel_loop3A_504, %parallel_loop3A_503 : i32
        %parallel_loop3A_506 = arith.index_cast %parallel_loop3A_505 : i32 to index
        %parallel_loop3A_507 = tpu.vector_load %arg11[%parallel_loop3A_506] {strides = array<i32>} : memref<4160xf32, #tpu.memory_space<vmem>>, vector<16xf32>,
        tpu.vector_store %arg11[%parallel_loop3A_506], %parallel_loop3A_501 {strides = array<i32>} : memref<4160xf32, #tpu.memory_space<vmem>>, vector<16xf32>,
        %parallel_loop3A_508 = arith.constant 16 : i32
        %parallel_loop3A_509 = arith.muli %parallel_loop3A_277, %parallel_loop3A_508 : i32
        %parallel_loop3A_510 = arith.constant 2080 : i32
        %parallel_loop3A_511 = arith.addi %parallel_loop3A_510, %parallel_loop3A_509 : i32
        %parallel_loop3A_512 = arith.index_cast %parallel_loop3A_511 : i32 to index
        %parallel_loop3A_513 = tpu.vector_load %arg12[%parallel_loop3A_512] {strides = array<i32>} : memref<4160xf32, #tpu.memory_space<vmem>>, vector<16xf32>,
        tpu.vector_store %arg12[%parallel_loop3A_512], %parallel_loop3A_499 {strides = array<i32>} : memref<4160xf32, #tpu.memory_space<vmem>>, vector<16xf32>,
        %parallel_loop3A_514 = arith.constant 16 : i32
        %parallel_loop3A_515 = arith.muli %parallel_loop3A_277, %parallel_loop3A_514 : i32
        %parallel_loop3A_516 = arith.constant 3072 : i32
        %parallel_loop3A_517 = arith.addi %parallel_loop3A_516, %parallel_loop3A_515 : i32
        %parallel_loop3A_518 = arith.index_cast %parallel_loop3A_517 : i32 to index
        %parallel_loop3A_519 = tpu.vector_load %arg10[%parallel_loop3A_518] {strides = array<i32>} : memref<4096xf32, #tpu.memory_space<vmem>>, vector<16xf32>,
        %parallel_loop3A_520 = arith.constant 1.000000e+00 : f32
        %parallel_loop3A_521 = vector.broadcast %parallel_loop3A_520 : f32 to vector<16xf32>
        %parallel_loop3A_522 = arith.subf %parallel_loop3A_521, %parallel_loop3A_519 : vector<16xf32>
        %parallel_loop3A_523 = arith.mulf %parallel_loop3A_522, %div3A_213 : vector<16xf32>
        %parallel_loop3A_524 = arith.sitofp %parallel_loop3A_277 : i32 to f32
        %parallel_loop3A_525 = arith.constant 5.000000e-01 : f32
        %parallel_loop3A_526 = arith.addf %parallel_loop3A_524, %parallel_loop3A_525 : f32
        %parallel_loop3A_527 = vector.broadcast %parallel_loop3A_526 : f32 to vector<16xf32>
        %parallel_loop3A_528 = arith.mulf %parallel_loop3A_527, %mul3A_85 : vector<16xf32>
        %parallel_loop3A_529 = arith.addf %get3A_46, %parallel_loop3A_528 : vector<16xf32>
        %parallel_loop3A_530 = arith.constant 5.000000e-02 : f32
        %parallel_loop3A_531 = vector.broadcast %parallel_loop3A_530 : f32 to vector<16xf32>
        %parallel_loop3A_532 = arith.subf %parallel_loop3A_523, %parallel_loop3A_531 : vector<16xf32>
        %parallel_loop3A_533 = arith.constant 141.111115 : f32
        %parallel_loop3A_534 = vector.broadcast %parallel_loop3A_533 : f32 to vector<16xf32>
        %parallel_loop3A_535 = arith.mulf %parallel_loop3A_532, %parallel_loop3A_534 : vector<16xf32>
        %parallel_loop3A_536 = arith.fptosi %parallel_loop3A_535 : vector<16xf32> to vector<16xi32>
        %parallel_loop3A_537 = arith.sitofp %parallel_loop3A_536 : vector<16xi32> to vector<16xf32>
        %parallel_loop3A_538 = arith.cmpf olt, %parallel_loop3A_537, %parallel_loop3A_535 : vector<16xf32>
        %parallel_loop3A_539 = arith.constant 1 : i32
        %parallel_loop3A_540 = vector.broadcast %parallel_loop3A_539 : i32 to vector<16xi32>
        %parallel_loop3A_541 = arith.addi %parallel_loop3A_536, %parallel_loop3A_540 : vector<16xi32>
        %parallel_loop3A_542 = arith.select %parallel_loop3A_538, %parallel_loop3A_541, %parallel_loop3A_536 : vector<16xi1>, vector<16xi32>
        %parallel_loop3A_543 = arith.constant 0 : i32
        %parallel_loop3A_544 = arith.constant 128 : i32
        %parallel_loop3A_545 = vector.broadcast %parallel_loop3A_543 : i32 to vector<16xi32>
        %parallel_loop3A_546 = arith.maxsi %parallel_loop3A_545, %parallel_loop3A_542 : vector<16xi32>
        %parallel_loop3A_547 = vector.broadcast %parallel_loop3A_544 : i32 to vector<16xi32>
        %parallel_loop3A_548 = arith.minsi %parallel_loop3A_547, %parallel_loop3A_546 : vector<16xi32>
        %parallel_loop3A_549 = arith.constant 16 : i32
        %parallel_loop3A_550 = vector.broadcast %parallel_loop3A_549 : i32 to vector<16xi32>
        %parallel_loop3A_551 = arith.muli %parallel_loop3A_548, %parallel_loop3A_550 : vector<16xi32>
        %parallel_loop3A_552 = arith.constant 6192 : i32
        %parallel_loop3A_553 = vector.broadcast %parallel_loop3A_552 : i32 to vector<16xi32>
        %parallel_loop3A_554 = arith.addi %parallel_loop3A_553, %parallel_loop3A_551 : vector<16xi32>
        %parallel_loop3A_555 = arith.addi %parallel_loop3A_554, %iota3A : vector<16xi32>
        tpu.vector_store_idx %arg13[%parallel_loop3A_555], %broadcast_in_dim3A_7 {add = true} : memref<8256xi32, #tpu.memory_space<vmem>>[vector<16xi32>], vector<16xi32>,
        %parallel_loop3A_556 = vector.broadcast %parallel_loop3A_277 : i32 to vector<16xi32>
        %parallel_loop3A_557 = arith.addi %parallel_loop3A_556, %parallel_loop3A_548 : vector<16xi32>
        %parallel_loop3A_558 = arith.constant 3 : i32
        %parallel_loop3A_559 = vector.broadcast %parallel_loop3A_558 : i32 to vector<16xi32>
        %parallel_loop3A_560 = arith.shrsi %parallel_loop3A_557, %parallel_loop3A_559 : vector<16xi32>
        %parallel_loop3A_561 = arith.constant 7 : i32
        %parallel_loop3A_562 = vector.broadcast %parallel_loop3A_561 : i32 to vector<16xi32>
        %parallel_loop3A_563 = arith.andi %parallel_loop3A_557, %parallel_loop3A_562 : vector<16xi32>
        %parallel_loop3A_564 = arith.constant 7 : i32
        %parallel_loop3A_565 = vector.broadcast %parallel_loop3A_564 : i32 to vector<16xi32>
        %parallel_loop3A_566 = arith.shli %parallel_loop3A_563, %parallel_loop3A_565 : vector<16xi32>
        %parallel_loop3A_567 = arith.addi %parallel_loop3A_566, %add3A_167 : vector<16xi32>
        tpu.vector_store_idx %arg9[%parallel_loop3A_560, %parallel_loop3A_567], %parallel_loop3A_529 : memref<24x2048xf32, #tpu.memory_space<vmem>>[vector<16xi32>, vector<16xi32>], vector<16xf32>,
        %parallel_loop3A_568 = arith.subf %parallel_loop3A_523, %parallel_loop3A_284 : vector<16xf32>
        %parallel_loop3A_569 = arith.constant 9.99999974E-6 : f32
        %parallel_loop3A_570 = vector.broadcast %parallel_loop3A_569 : f32 to vector<16xf32>
        %parallel_loop3A_571 = arith.cmpf olt, %parallel_loop3A_568, %parallel_loop3A_570 : vector<16xf32>
        %parallel_loop3A_572 = arith.constant 1.000000e+00 : f32
        %parallel_loop3A_573 = vector.broadcast %parallel_loop3A_572 : f32 to vector<16xf32>
        %parallel_loop3A_574 = arith.select %parallel_loop3A_571, %parallel_loop3A_573, %parallel_loop3A_568 : vector<16xi1>, vector<16xf32>
        %parallel_loop3A_575 = arith.divf %mul3A_85, %parallel_loop3A_574 : vector<16xf32>
        %parallel_loop3A_576 = arith.mulf %parallel_loop3A_284, %parallel_loop3A_575 : vector<16xf32>
        %parallel_loop3A_577 = arith.subf %parallel_loop3A_285, %parallel_loop3A_576 : vector<16xf32>
        %parallel_loop3A_578 = arith.constant 16 : i32
        %parallel_loop3A_579 = arith.muli %parallel_loop3A_277, %parallel_loop3A_578 : i32
        %parallel_loop3A_580 = arith.constant 3120 : i32
        %parallel_loop3A_581 = arith.addi %parallel_loop3A_580, %parallel_loop3A_579 : i32
        %parallel_loop3A_582 = arith.index_cast %parallel_loop3A_581 : i32 to index
        %parallel_loop3A_583 = tpu.vector_load %arg11[%parallel_loop3A_582] {strides = array<i32>} : memref<4160xf32, #tpu.memory_space<vmem>>, vector<16xf32>,
        tpu.vector_store %arg11[%parallel_loop3A_582], %parallel_loop3A_577 {strides = array<i32>} : memref<4160xf32, #tpu.memory_space<vmem>>, vector<16xf32>,
        %parallel_loop3A_584 = arith.constant 16 : i32
        %parallel_loop3A_585 = arith.muli %parallel_loop3A_277, %parallel_loop3A_584 : i32
        %parallel_loop3A_586 = arith.constant 3120 : i32
        %parallel_loop3A_587 = arith.addi %parallel_loop3A_586, %parallel_loop3A_585 : i32
        %parallel_loop3A_588 = arith.index_cast %parallel_loop3A_587 : i32 to index
        %parallel_loop3A_589 = tpu.vector_load %arg12[%parallel_loop3A_588] {strides = array<i32>} : memref<4160xf32, #tpu.memory_space<vmem>>, vector<16xf32>,
        tpu.vector_store %arg12[%parallel_loop3A_588], %parallel_loop3A_575 {strides = array<i32>} : memref<4160xf32, #tpu.memory_space<vmem>>, vector<16xf32>,
        scf.yield %parallel_loop3A_295, %parallel_loop3A_301, %parallel_loop3A_371, %parallel_loop3A_377, %parallel_loop3A_447, %parallel_loop3A_453, %parallel_loop3A_523, %parallel_loop3A_529 : vector<16xf32>, vector<16xf32>, vector<16xf32>, vector<16xf32>, vector<16xf32>, vector<16xf32>, vector<16xf32>, vector<16xf32>
      } {sc.loop_unroll_factor = 4 : i64, sc.parallel_access}
      %mul3A_218 = arith.constant 5.000000e-01 : f32
      %mul3A_219 = vector.broadcast %mul3A_218 : f32 to vector<16xf32>
      %mul3A_220 = arith.mulf %mul3A_219, %mul3A_73 : vector<16xf32>
      %add3A_221 = arith.addf %get3A_28, %mul3A_220 : vector<16xf32>
      %swap3A = arith.constant 0 : index
      %swap3A_222 = tpu.vector_load %arg11[%swap3A] {strides = array<i32>} : memref<4160xf32, #tpu.memory_space<vmem>>, vector<16xf32>,
      tpu.vector_store %arg11[%swap3A], %add3A_221 {strides = array<i32>} : memref<4160xf32, #tpu.memory_space<vmem>>, vector<16xf32>,
      %swap3A_223 = arith.constant 0 : index
      %swap3A_224 = tpu.vector_load %arg12[%swap3A_223] {strides = array<i32>} : memref<4160xf32, #tpu.memory_space<vmem>>, vector<16xf32>,
      tpu.vector_store %arg12[%swap3A_223], %broadcast_in_dim3A_3 {strides = array<i32>} : memref<4160xf32, #tpu.memory_space<vmem>>, vector<16xf32>,
      %swap3A_225 = arith.constant 1024 : index
      %swap3A_226 = tpu.vector_load %arg11[%swap3A_225] {strides = array<i32>} : memref<4160xf32, #tpu.memory_space<vmem>>, vector<16xf32>,
      tpu.vector_store %arg11[%swap3A_225], %parallel_loop3A_217#1 {strides = array<i32>} : memref<4160xf32, #tpu.memory_space<vmem>>, vector<16xf32>,
      %swap3A_227 = arith.constant 1024 : index
      %swap3A_228 = tpu.vector_load %arg12[%swap3A_227] {strides = array<i32>} : memref<4160xf32, #tpu.memory_space<vmem>>, vector<16xf32>,
      tpu.vector_store %arg12[%swap3A_227], %broadcast_in_dim3A_3 {strides = array<i32>} : memref<4160xf32, #tpu.memory_space<vmem>>, vector<16xf32>,
      %mul3A_229 = arith.constant 5.000000e-01 : f32
      %mul3A_230 = vector.broadcast %mul3A_229 : f32 to vector<16xf32>
      %mul3A_231 = arith.mulf %mul3A_230, %mul3A_77 : vector<16xf32>
      %add3A_232 = arith.addf %get3A_34, %mul3A_231 : vector<16xf32>
      %swap3A_233 = arith.constant 1040 : index
      %swap3A_234 = tpu.vector_load %arg11[%swap3A_233] {strides = array<i32>} : memref<4160xf32, #tpu.memory_space<vmem>>, vector<16xf32>,
      tpu.vector_store %arg11[%swap3A_233], %add3A_232 {strides = array<i32>} : memref<4160xf32, #tpu.memory_space<vmem>>, vector<16xf32>,
      %swap3A_235 = arith.constant 1040 : index
      %swap3A_236 = tpu.vector_load %arg12[%swap3A_235] {strides = array<i32>} : memref<4160xf32, #tpu.memory_space<vmem>>, vector<16xf32>,
      tpu.vector_store %arg12[%swap3A_235], %broadcast_in_dim3A_3 {strides = array<i32>} : memref<4160xf32, #tpu.memory_space<vmem>>, vector<16xf32>,
      %swap3A_237 = arith.constant 2064 : index
      %swap3A_238 = tpu.vector_load %arg11[%swap3A_237] {strides = array<i32>} : memref<4160xf32, #tpu.memory_space<vmem>>, vector<16xf32>,
      tpu.vector_store %arg11[%swap3A_237], %parallel_loop3A_217#3 {strides = array<i32>} : memref<4160xf32, #tpu.memory_space<vmem>>, vector<16xf32>,
      %swap3A_239 = arith.constant 2064 : index
      %swap3A_240 = tpu.vector_load %arg12[%swap3A_239] {strides = array<i32>} : memref<4160xf32, #tpu.memory_space<vmem>>, vector<16xf32>,
      tpu.vector_store %arg12[%swap3A_239], %broadcast_in_dim3A_3 {strides = array<i32>} : memref<4160xf32, #tpu.memory_space<vmem>>, vector<16xf32>,
      %mul3A_241 = arith.constant 5.000000e-01 : f32
      %mul3A_242 = vector.broadcast %mul3A_241 : f32 to vector<16xf32>
      %mul3A_243 = arith.mulf %mul3A_242, %mul3A_81 : vector<16xf32>
      %add3A_244 = arith.addf %get3A_40, %mul3A_243 : vector<16xf32>
      %swap3A_245 = arith.constant 2080 : index
      %swap3A_246 = tpu.vector_load %arg11[%swap3A_245] {strides = array<i32>} : memref<4160xf32, #tpu.memory_space<vmem>>, vector<16xf32>,
      tpu.vector_store %arg11[%swap3A_245], %add3A_244 {strides = array<i32>} : memref<4160xf32, #tpu.memory_space<vmem>>, vector<16xf32>,
      %swap3A_247 = arith.constant 2080 : index
      %swap3A_248 = tpu.vector_load %arg12[%swap3A_247] {strides = array<i32>} : memref<4160xf32, #tpu.memory_space<vmem>>, vector<16xf32>,
      tpu.vector_store %arg12[%swap3A_247], %broadcast_in_dim3A_3 {strides = array<i32>} : memref<4160xf32, #tpu.memory_space<vmem>>, vector<16xf32>,
      %swap3A_249 = arith.constant 3104 : index
      %swap3A_250 = tpu.vector_load %arg11[%swap3A_249] {strides = array<i32>} : memref<4160xf32, #tpu.memory_space<vmem>>, vector<16xf32>,
      tpu.vector_store %arg11[%swap3A_249], %parallel_loop3A_217#5 {strides = array<i32>} : memref<4160xf32, #tpu.memory_space<vmem>>, vector<16xf32>,
      %swap3A_251 = arith.constant 3104 : index
      %swap3A_252 = tpu.vector_load %arg12[%swap3A_251] {strides = array<i32>} : memref<4160xf32, #tpu.memory_space<vmem>>, vector<16xf32>,
      tpu.vector_store %arg12[%swap3A_251], %broadcast_in_dim3A_3 {strides = array<i32>} : memref<4160xf32, #tpu.memory_space<vmem>>, vector<16xf32>,
      %mul3A_253 = arith.constant 5.000000e-01 : f32
      %mul3A_254 = vector.broadcast %mul3A_253 : f32 to vector<16xf32>
      %mul3A_255 = arith.mulf %mul3A_254, %mul3A_85 : vector<16xf32>
      %add3A_256 = arith.addf %get3A_46, %mul3A_255 : vector<16xf32>
      %swap3A_257 = arith.constant 3120 : index
      %swap3A_258 = tpu.vector_load %arg11[%swap3A_257] {strides = array<i32>} : memref<4160xf32, #tpu.memory_space<vmem>>, vector<16xf32>,
      tpu.vector_store %arg11[%swap3A_257], %add3A_256 {strides = array<i32>} : memref<4160xf32, #tpu.memory_space<vmem>>, vector<16xf32>,
      %swap3A_259 = arith.constant 3120 : index
      %swap3A_260 = tpu.vector_load %arg12[%swap3A_259] {strides = array<i32>} : memref<4160xf32, #tpu.memory_space<vmem>>, vector<16xf32>,
      tpu.vector_store %arg12[%swap3A_259], %broadcast_in_dim3A_3 {strides = array<i32>} : memref<4160xf32, #tpu.memory_space<vmem>>, vector<16xf32>,
      %swap3A_261 = arith.constant 4144 : index
      %swap3A_262 = tpu.vector_load %arg11[%swap3A_261] {strides = array<i32>} : memref<4160xf32, #tpu.memory_space<vmem>>, vector<16xf32>,
      tpu.vector_store %arg11[%swap3A_261], %parallel_loop3A_217#7 {strides = array<i32>} : memref<4160xf32, #tpu.memory_space<vmem>>, vector<16xf32>,
      %swap3A_263 = arith.constant 4144 : index
      %swap3A_264 = tpu.vector_load %arg12[%swap3A_263] {strides = array<i32>} : memref<4160xf32, #tpu.memory_space<vmem>>, vector<16xf32>,
      tpu.vector_store %arg12[%swap3A_263], %broadcast_in_dim3A_3 {strides = array<i32>} : memref<4160xf32, #tpu.memory_space<vmem>>, vector<16xf32>,
      %parallel_loop3A_265 = arith.constant 0 : i32
      %parallel_loop3A_266 = arith.constant 128 : i32
      %parallel_loop3A_267 = arith.constant 1 : i32
      %parallel_loop3A_268:4 = scf.for %parallel_loop3A_277 = %parallel_loop3A_265 to %parallel_loop3A_266 step %parallel_loop3A_267 iter_args(%parallel_loop3A_278 = %broadcast_in_dim3A_5, %parallel_loop3A_279 = %broadcast_in_dim3A_5, %parallel_loop3A_280 = %broadcast_in_dim3A_5, %parallel_loop3A_281 = %broadcast_in_dim3A_5) -> (vector<16xi32>, vector<16xi32>, vector<16xi32>, vector<16xi32>)  : i32 {
        %parallel_loop3A_282 = arith.sitofp %parallel_loop3A_277 : i32 to f32
        %parallel_loop3A_283 = arith.constant 0.00708661414 : f32
        %parallel_loop3A_284 = arith.mulf %parallel_loop3A_282, %parallel_loop3A_283 : f32
        %parallel_loop3A_285 = arith.constant 5.000000e-02 : f32
        %parallel_loop3A_286 = arith.addf %parallel_loop3A_285, %parallel_loop3A_284 : f32
        %parallel_loop3A_287 = arith.constant 16 : i32
        %parallel_loop3A_288 = arith.muli %parallel_loop3A_277, %parallel_loop3A_287 : i32
        %parallel_loop3A_289 = arith.constant 0 : i32
        %parallel_loop3A_290 = arith.addi %parallel_loop3A_289, %parallel_loop3A_288 : i32
        %parallel_loop3A_291 = arith.index_cast %parallel_loop3A_290 : i32 to index
        %parallel_loop3A_292 = tpu.vector_load %arg13[%parallel_loop3A_291] {strides = array<i32>} : memref<8256xi32, #tpu.memory_space<vmem>>, vector<16xi32>,
        %parallel_loop3A_293 = arith.addi %parallel_loop3A_278, %parallel_loop3A_292 : vector<16xi32>
        %parallel_loop3A_294 = arith.constant 16 : i32
        %parallel_loop3A_295 = arith.muli %parallel_loop3A_277, %parallel_loop3A_294 : i32
        %parallel_loop3A_296 = arith.constant 0 : i32
        %parallel_loop3A_297 = arith.addi %parallel_loop3A_296, %parallel_loop3A_295 : i32
        %parallel_loop3A_298 = arith.index_cast %parallel_loop3A_297 : i32 to index
        %parallel_loop3A_299 = tpu.vector_load %arg13[%parallel_loop3A_298] {strides = array<i32>} : memref<8256xi32, #tpu.memory_space<vmem>>, vector<16xi32>,
        tpu.vector_store %arg13[%parallel_loop3A_298], %broadcast_in_dim3A_5 {strides = array<i32>} : memref<8256xi32, #tpu.memory_space<vmem>>, vector<16xi32>,
        %parallel_loop3A_300 = arith.constant 16 : i32
        %parallel_loop3A_301 = vector.broadcast %parallel_loop3A_300 : i32 to vector<16xi32>
        %parallel_loop3A_302 = arith.muli %parallel_loop3A_293, %parallel_loop3A_301 : vector<16xi32>
        %parallel_loop3A_303 = arith.constant 0 : i32
        %parallel_loop3A_304 = vector.broadcast %parallel_loop3A_303 : i32 to vector<16xi32>
        %parallel_loop3A_305 = arith.addi %parallel_loop3A_304, %parallel_loop3A_302 : vector<16xi32>
        %parallel_loop3A_306 = arith.addi %parallel_loop3A_305, %iota3A : vector<16xi32>
        %parallel_loop3A_307 = tpu.vector_load_idx %arg11[%parallel_loop3A_306] : memref<4160xf32, #tpu.memory_space<vmem>>[vector<16xi32>], vector<16xf32>,
        %parallel_loop3A_308 = arith.constant 16 : i32
        %parallel_loop3A_309 = vector.broadcast %parallel_loop3A_308 : i32 to vector<16xi32>
        %parallel_loop3A_310 = arith.muli %parallel_loop3A_293, %parallel_loop3A_309 : vector<16xi32>
        %parallel_loop3A_311 = arith.constant 0 : i32
        %parallel_loop3A_312 = vector.broadcast %parallel_loop3A_311 : i32 to vector<16xi32>
        %parallel_loop3A_313 = arith.addi %parallel_loop3A_312, %parallel_loop3A_310 : vector<16xi32>
        %parallel_loop3A_314 = arith.addi %parallel_loop3A_313, %iota3A : vector<16xi32>
        %parallel_loop3A_315 = tpu.vector_load_idx %arg12[%parallel_loop3A_314] : memref<4160xf32, #tpu.memory_space<vmem>>[vector<16xi32>], vector<16xf32>,
        %parallel_loop3A_316 = vector.broadcast %parallel_loop3A_277 : i32 to vector<16xi32>
        %parallel_loop3A_317 = arith.addi %parallel_loop3A_316, %parallel_loop3A_293 : vector<16xi32>
        %parallel_loop3A_318 = arith.constant 3 : i32
        %parallel_loop3A_319 = vector.broadcast %parallel_loop3A_318 : i32 to vector<16xi32>
        %parallel_loop3A_320 = arith.shrsi %parallel_loop3A_317, %parallel_loop3A_319 : vector<16xi32>
        %parallel_loop3A_321 = arith.constant 7 : i32
        %parallel_loop3A_322 = vector.broadcast %parallel_loop3A_321 : i32 to vector<16xi32>
        %parallel_loop3A_323 = arith.andi %parallel_loop3A_317, %parallel_loop3A_322 : vector<16xi32>
        %parallel_loop3A_324 = arith.constant 7 : i32
        %parallel_loop3A_325 = vector.broadcast %parallel_loop3A_324 : i32 to vector<16xi32>
        %parallel_loop3A_326 = arith.shli %parallel_loop3A_323, %parallel_loop3A_325 : vector<16xi32>
        %parallel_loop3A_327 = arith.addi %parallel_loop3A_326, %add3A_122 : vector<16xi32>
        %parallel_loop3A_328 = vector.broadcast %parallel_loop3A_286 : f32 to vector<16xf32>
        %parallel_loop3A_329 = arith.mulf %parallel_loop3A_315, %parallel_loop3A_328 : vector<16xf32>
        %parallel_loop3A_330 = arith.addf %parallel_loop3A_307, %parallel_loop3A_329 : vector<16xf32>
        tpu.vector_store_idx %arg9[%parallel_loop3A_320, %parallel_loop3A_327], %parallel_loop3A_330 : memref<24x2048xf32, #tpu.memory_space<vmem>>[vector<16xi32>, vector<16xi32>], vector<16xf32>,
        %parallel_loop3A_331 = arith.constant 16 : i32
        %parallel_loop3A_332 = arith.muli %parallel_loop3A_277, %parallel_loop3A_331 : i32
        %parallel_loop3A_333 = arith.constant 2064 : i32
        %parallel_loop3A_334 = arith.addi %parallel_loop3A_333, %parallel_loop3A_332 : i32
        %parallel_loop3A_335 = arith.index_cast %parallel_loop3A_334 : i32 to index
        %parallel_loop3A_336 = tpu.vector_load %arg13[%parallel_loop3A_335] {strides = array<i32>} : memref<8256xi32, #tpu.memory_space<vmem>>, vector<16xi32>,
        %parallel_loop3A_337 = arith.addi %parallel_loop3A_279, %parallel_loop3A_336 : vector<16xi32>
        %parallel_loop3A_338 = arith.constant 16 : i32
        %parallel_loop3A_339 = arith.muli %parallel_loop3A_277, %parallel_loop3A_338 : i32
        %parallel_loop3A_340 = arith.constant 2064 : i32
        %parallel_loop3A_341 = arith.addi %parallel_loop3A_340, %parallel_loop3A_339 : i32
        %parallel_loop3A_342 = arith.index_cast %parallel_loop3A_341 : i32 to index
        %parallel_loop3A_343 = tpu.vector_load %arg13[%parallel_loop3A_342] {strides = array<i32>} : memref<8256xi32, #tpu.memory_space<vmem>>, vector<16xi32>,
        tpu.vector_store %arg13[%parallel_loop3A_342], %broadcast_in_dim3A_5 {strides = array<i32>} : memref<8256xi32, #tpu.memory_space<vmem>>, vector<16xi32>,
        %parallel_loop3A_344 = arith.constant 16 : i32
        %parallel_loop3A_345 = vector.broadcast %parallel_loop3A_344 : i32 to vector<16xi32>
        %parallel_loop3A_346 = arith.muli %parallel_loop3A_337, %parallel_loop3A_345 : vector<16xi32>
        %parallel_loop3A_347 = arith.constant 1040 : i32
        %parallel_loop3A_348 = vector.broadcast %parallel_loop3A_347 : i32 to vector<16xi32>
        %parallel_loop3A_349 = arith.addi %parallel_loop3A_348, %parallel_loop3A_346 : vector<16xi32>
        %parallel_loop3A_350 = arith.addi %parallel_loop3A_349, %iota3A : vector<16xi32>
        %parallel_loop3A_351 = tpu.vector_load_idx %arg11[%parallel_loop3A_350] : memref<4160xf32, #tpu.memory_space<vmem>>[vector<16xi32>], vector<16xf32>,
        %parallel_loop3A_352 = arith.constant 16 : i32
        %parallel_loop3A_353 = vector.broadcast %parallel_loop3A_352 : i32 to vector<16xi32>
        %parallel_loop3A_354 = arith.muli %parallel_loop3A_337, %parallel_loop3A_353 : vector<16xi32>
        %parallel_loop3A_355 = arith.constant 1040 : i32
        %parallel_loop3A_356 = vector.broadcast %parallel_loop3A_355 : i32 to vector<16xi32>
        %parallel_loop3A_357 = arith.addi %parallel_loop3A_356, %parallel_loop3A_354 : vector<16xi32>
        %parallel_loop3A_358 = arith.addi %parallel_loop3A_357, %iota3A : vector<16xi32>
        %parallel_loop3A_359 = tpu.vector_load_idx %arg12[%parallel_loop3A_358] : memref<4160xf32, #tpu.memory_space<vmem>>[vector<16xi32>], vector<16xf32>,
        %parallel_loop3A_360 = vector.broadcast %parallel_loop3A_277 : i32 to vector<16xi32>
        %parallel_loop3A_361 = arith.addi %parallel_loop3A_360, %parallel_loop3A_337 : vector<16xi32>
        %parallel_loop3A_362 = arith.constant 3 : i32
        %parallel_loop3A_363 = vector.broadcast %parallel_loop3A_362 : i32 to vector<16xi32>
        %parallel_loop3A_364 = arith.shrsi %parallel_loop3A_361, %parallel_loop3A_363 : vector<16xi32>
        %parallel_loop3A_365 = arith.constant 7 : i32
        %parallel_loop3A_366 = vector.broadcast %parallel_loop3A_365 : i32 to vector<16xi32>
        %parallel_loop3A_367 = arith.andi %parallel_loop3A_361, %parallel_loop3A_366 : vector<16xi32>
        %parallel_loop3A_368 = arith.constant 7 : i32
        %parallel_loop3A_369 = vector.broadcast %parallel_loop3A_368 : i32 to vector<16xi32>
        %parallel_loop3A_370 = arith.shli %parallel_loop3A_367, %parallel_loop3A_369 : vector<16xi32>
        %parallel_loop3A_371 = arith.addi %parallel_loop3A_370, %add3A_137 : vector<16xi32>
        %parallel_loop3A_372 = vector.broadcast %parallel_loop3A_286 : f32 to vector<16xf32>
        %parallel_loop3A_373 = arith.mulf %parallel_loop3A_359, %parallel_loop3A_372 : vector<16xf32>
        %parallel_loop3A_374 = arith.addf %parallel_loop3A_351, %parallel_loop3A_373 : vector<16xf32>
        tpu.vector_store_idx %arg9[%parallel_loop3A_364, %parallel_loop3A_371], %parallel_loop3A_374 : memref<24x2048xf32, #tpu.memory_space<vmem>>[vector<16xi32>, vector<16xi32>], vector<16xf32>,
        %parallel_loop3A_375 = arith.constant 16 : i32
        %parallel_loop3A_376 = arith.muli %parallel_loop3A_277, %parallel_loop3A_375 : i32
        %parallel_loop3A_377 = arith.constant 4128 : i32
        %parallel_loop3A_378 = arith.addi %parallel_loop3A_377, %parallel_loop3A_376 : i32
        %parallel_loop3A_379 = arith.index_cast %parallel_loop3A_378 : i32 to index
        %parallel_loop3A_380 = tpu.vector_load %arg13[%parallel_loop3A_379] {strides = array<i32>} : memref<8256xi32, #tpu.memory_space<vmem>>, vector<16xi32>,
        %parallel_loop3A_381 = arith.addi %parallel_loop3A_280, %parallel_loop3A_380 : vector<16xi32>
        %parallel_loop3A_382 = arith.constant 16 : i32
        %parallel_loop3A_383 = arith.muli %parallel_loop3A_277, %parallel_loop3A_382 : i32
        %parallel_loop3A_384 = arith.constant 4128 : i32
        %parallel_loop3A_385 = arith.addi %parallel_loop3A_384, %parallel_loop3A_383 : i32
        %parallel_loop3A_386 = arith.index_cast %parallel_loop3A_385 : i32 to index
        %parallel_loop3A_387 = tpu.vector_load %arg13[%parallel_loop3A_386] {strides = array<i32>} : memref<8256xi32, #tpu.memory_space<vmem>>, vector<16xi32>,
        tpu.vector_store %arg13[%parallel_loop3A_386], %broadcast_in_dim3A_5 {strides = array<i32>} : memref<8256xi32, #tpu.memory_space<vmem>>, vector<16xi32>,
        %parallel_loop3A_388 = arith.constant 16 : i32
        %parallel_loop3A_389 = vector.broadcast %parallel_loop3A_388 : i32 to vector<16xi32>
        %parallel_loop3A_390 = arith.muli %parallel_loop3A_381, %parallel_loop3A_389 : vector<16xi32>
        %parallel_loop3A_391 = arith.constant 2080 : i32
        %parallel_loop3A_392 = vector.broadcast %parallel_loop3A_391 : i32 to vector<16xi32>
        %parallel_loop3A_393 = arith.addi %parallel_loop3A_392, %parallel_loop3A_390 : vector<16xi32>
        %parallel_loop3A_394 = arith.addi %parallel_loop3A_393, %iota3A : vector<16xi32>
        %parallel_loop3A_395 = tpu.vector_load_idx %arg11[%parallel_loop3A_394] : memref<4160xf32, #tpu.memory_space<vmem>>[vector<16xi32>], vector<16xf32>,
        %parallel_loop3A_396 = arith.constant 16 : i32
        %parallel_loop3A_397 = vector.broadcast %parallel_loop3A_396 : i32 to vector<16xi32>
        %parallel_loop3A_398 = arith.muli %parallel_loop3A_381, %parallel_loop3A_397 : vector<16xi32>
        %parallel_loop3A_399 = arith.constant 2080 : i32
        %parallel_loop3A_400 = vector.broadcast %parallel_loop3A_399 : i32 to vector<16xi32>
        %parallel_loop3A_401 = arith.addi %parallel_loop3A_400, %parallel_loop3A_398 : vector<16xi32>
        %parallel_loop3A_402 = arith.addi %parallel_loop3A_401, %iota3A : vector<16xi32>
        %parallel_loop3A_403 = tpu.vector_load_idx %arg12[%parallel_loop3A_402] : memref<4160xf32, #tpu.memory_space<vmem>>[vector<16xi32>], vector<16xf32>,
        %parallel_loop3A_404 = vector.broadcast %parallel_loop3A_277 : i32 to vector<16xi32>
        %parallel_loop3A_405 = arith.addi %parallel_loop3A_404, %parallel_loop3A_381 : vector<16xi32>
        %parallel_loop3A_406 = arith.constant 3 : i32
        %parallel_loop3A_407 = vector.broadcast %parallel_loop3A_406 : i32 to vector<16xi32>
        %parallel_loop3A_408 = arith.shrsi %parallel_loop3A_405, %parallel_loop3A_407 : vector<16xi32>
        %parallel_loop3A_409 = arith.constant 7 : i32
        %parallel_loop3A_410 = vector.broadcast %parallel_loop3A_409 : i32 to vector<16xi32>
        %parallel_loop3A_411 = arith.andi %parallel_loop3A_405, %parallel_loop3A_410 : vector<16xi32>
        %parallel_loop3A_412 = arith.constant 7 : i32
        %parallel_loop3A_413 = vector.broadcast %parallel_loop3A_412 : i32 to vector<16xi32>
        %parallel_loop3A_414 = arith.shli %parallel_loop3A_411, %parallel_loop3A_413 : vector<16xi32>
        %parallel_loop3A_415 = arith.addi %parallel_loop3A_414, %add3A_152 : vector<16xi32>
        %parallel_loop3A_416 = vector.broadcast %parallel_loop3A_286 : f32 to vector<16xf32>
        %parallel_loop3A_417 = arith.mulf %parallel_loop3A_403, %parallel_loop3A_416 : vector<16xf32>
        %parallel_loop3A_418 = arith.addf %parallel_loop3A_395, %parallel_loop3A_417 : vector<16xf32>
        tpu.vector_store_idx %arg9[%parallel_loop3A_408, %parallel_loop3A_415], %parallel_loop3A_418 : memref<24x2048xf32, #tpu.memory_space<vmem>>[vector<16xi32>, vector<16xi32>], vector<16xf32>,
        %parallel_loop3A_419 = arith.constant 16 : i32
        %parallel_loop3A_420 = arith.muli %parallel_loop3A_277, %parallel_loop3A_419 : i32
        %parallel_loop3A_421 = arith.constant 6192 : i32
        %parallel_loop3A_422 = arith.addi %parallel_loop3A_421, %parallel_loop3A_420 : i32
        %parallel_loop3A_423 = arith.index_cast %parallel_loop3A_422 : i32 to index
        %parallel_loop3A_424 = tpu.vector_load %arg13[%parallel_loop3A_423] {strides = array<i32>} : memref<8256xi32, #tpu.memory_space<vmem>>, vector<16xi32>,
        %parallel_loop3A_425 = arith.addi %parallel_loop3A_281, %parallel_loop3A_424 : vector<16xi32>
        %parallel_loop3A_426 = arith.constant 16 : i32
        %parallel_loop3A_427 = arith.muli %parallel_loop3A_277, %parallel_loop3A_426 : i32
        %parallel_loop3A_428 = arith.constant 6192 : i32
        %parallel_loop3A_429 = arith.addi %parallel_loop3A_428, %parallel_loop3A_427 : i32
        %parallel_loop3A_430 = arith.index_cast %parallel_loop3A_429 : i32 to index
        %parallel_loop3A_431 = tpu.vector_load %arg13[%parallel_loop3A_430] {strides = array<i32>} : memref<8256xi32, #tpu.memory_space<vmem>>, vector<16xi32>,
        tpu.vector_store %arg13[%parallel_loop3A_430], %broadcast_in_dim3A_5 {strides = array<i32>} : memref<8256xi32, #tpu.memory_space<vmem>>, vector<16xi32>,
        %parallel_loop3A_432 = arith.constant 16 : i32
        %parallel_loop3A_433 = vector.broadcast %parallel_loop3A_432 : i32 to vector<16xi32>
        %parallel_loop3A_434 = arith.muli %parallel_loop3A_425, %parallel_loop3A_433 : vector<16xi32>
        %parallel_loop3A_435 = arith.constant 3120 : i32
        %parallel_loop3A_436 = vector.broadcast %parallel_loop3A_435 : i32 to vector<16xi32>
        %parallel_loop3A_437 = arith.addi %parallel_loop3A_436, %parallel_loop3A_434 : vector<16xi32>
        %parallel_loop3A_438 = arith.addi %parallel_loop3A_437, %iota3A : vector<16xi32>
        %parallel_loop3A_439 = tpu.vector_load_idx %arg11[%parallel_loop3A_438] : memref<4160xf32, #tpu.memory_space<vmem>>[vector<16xi32>], vector<16xf32>,
        %parallel_loop3A_440 = arith.constant 16 : i32
        %parallel_loop3A_441 = vector.broadcast %parallel_loop3A_440 : i32 to vector<16xi32>
        %parallel_loop3A_442 = arith.muli %parallel_loop3A_425, %parallel_loop3A_441 : vector<16xi32>
        %parallel_loop3A_443 = arith.constant 3120 : i32
        %parallel_loop3A_444 = vector.broadcast %parallel_loop3A_443 : i32 to vector<16xi32>
        %parallel_loop3A_445 = arith.addi %parallel_loop3A_444, %parallel_loop3A_442 : vector<16xi32>
        %parallel_loop3A_446 = arith.addi %parallel_loop3A_445, %iota3A : vector<16xi32>
        %parallel_loop3A_447 = tpu.vector_load_idx %arg12[%parallel_loop3A_446] : memref<4160xf32, #tpu.memory_space<vmem>>[vector<16xi32>], vector<16xf32>,
        %parallel_loop3A_448 = vector.broadcast %parallel_loop3A_277 : i32 to vector<16xi32>
        %parallel_loop3A_449 = arith.addi %parallel_loop3A_448, %parallel_loop3A_425 : vector<16xi32>
        %parallel_loop3A_450 = arith.constant 3 : i32
        %parallel_loop3A_451 = vector.broadcast %parallel_loop3A_450 : i32 to vector<16xi32>
        %parallel_loop3A_452 = arith.shrsi %parallel_loop3A_449, %parallel_loop3A_451 : vector<16xi32>
        %parallel_loop3A_453 = arith.constant 7 : i32
        %parallel_loop3A_454 = vector.broadcast %parallel_loop3A_453 : i32 to vector<16xi32>
        %parallel_loop3A_455 = arith.andi %parallel_loop3A_449, %parallel_loop3A_454 : vector<16xi32>
        %parallel_loop3A_456 = arith.constant 7 : i32
        %parallel_loop3A_457 = vector.broadcast %parallel_loop3A_456 : i32 to vector<16xi32>
        %parallel_loop3A_458 = arith.shli %parallel_loop3A_455, %parallel_loop3A_457 : vector<16xi32>
        %parallel_loop3A_459 = arith.addi %parallel_loop3A_458, %add3A_167 : vector<16xi32>
        %parallel_loop3A_460 = vector.broadcast %parallel_loop3A_286 : f32 to vector<16xf32>
        %parallel_loop3A_461 = arith.mulf %parallel_loop3A_447, %parallel_loop3A_460 : vector<16xf32>
        %parallel_loop3A_462 = arith.addf %parallel_loop3A_439, %parallel_loop3A_461 : vector<16xf32>
        tpu.vector_store_idx %arg9[%parallel_loop3A_452, %parallel_loop3A_459], %parallel_loop3A_462 : memref<24x2048xf32, #tpu.memory_space<vmem>>[vector<16xi32>, vector<16xi32>], vector<16xf32>,
        scf.yield %parallel_loop3A_293, %parallel_loop3A_337, %parallel_loop3A_381, %parallel_loop3A_425 : vector<16xi32>, vector<16xi32>, vector<16xi32>, vector<16xi32>
      } {sc.loop_unroll_factor = 4 : i64, sc.parallel_access}
      %swap3A_269 = arith.constant 2048 : index
      %swap3A_270 = tpu.vector_load %arg13[%swap3A_269] {strides = array<i32>} : memref<8256xi32, #tpu.memory_space<vmem>>, vector<16xi32>,
      tpu.vector_store %arg13[%swap3A_269], %broadcast_in_dim3A_5 {strides = array<i32>} : memref<8256xi32, #tpu.memory_space<vmem>>, vector<16xi32>,
      %swap3A_271 = arith.constant 4112 : index
      %swap3A_272 = tpu.vector_load %arg13[%swap3A_271] {strides = array<i32>} : memref<8256xi32, #tpu.memory_space<vmem>>, vector<16xi32>,
      tpu.vector_store %arg13[%swap3A_271], %broadcast_in_dim3A_5 {strides = array<i32>} : memref<8256xi32, #tpu.memory_space<vmem>>, vector<16xi32>,
      %swap3A_273 = arith.constant 6176 : index
      %swap3A_274 = tpu.vector_load %arg13[%swap3A_273] {strides = array<i32>} : memref<8256xi32, #tpu.memory_space<vmem>>, vector<16xi32>,
      tpu.vector_store %arg13[%swap3A_273], %broadcast_in_dim3A_5 {strides = array<i32>} : memref<8256xi32, #tpu.memory_space<vmem>>, vector<16xi32>,
      %swap3A_275 = arith.constant 8240 : index
      %swap3A_276 = tpu.vector_load %arg13[%swap3A_275] {strides = array<i32>} : memref<8256xi32, #tpu.memory_space<vmem>>, vector<16xi32>,
      tpu.vector_store %arg13[%swap3A_275], %broadcast_in_dim3A_5 {strides = array<i32>} : memref<8256xi32, #tpu.memory_space<vmem>>, vector<16xi32>,
    }
    %scan3A_18 = arith.constant 4 : i32
    %mul3A_19 = arith.constant 2048 : i32
    %mul3A_20 = arith.muli %add3A, %mul3A_19 : i32
    "tpu.region"() ({
      %run_scoped3A = tpu.sem_alloc : memref<!tpu.dma_semaphore, #tpu.memory_space<semaphore_mem>>
      %dma_start3A = arith.constant 0 : i32
      %dma_start3A_21 = tpu.memref_slice %arg5[%dma_start3A, %mul3A_20] : memref<24x65536xf32, #tpu.memory_space<hbm>> -> memref<24x2048xf32, #tpu.memory_space<hbm>>
      %dma_start3A_22 = arith.constant 0 : i32
      %dma_start3A_23 = tpu.memref_slice %arg5[%dma_start3A_22, %mul3A_20] : memref<24x65536xf32, #tpu.memory_space<hbm>> -> memref<24x2048xf32, #tpu.memory_space<hbm>>
      tpu.enqueue_dma source(%arg9 : memref<24x2048xf32, #tpu.memory_space<vmem>>) target(%dma_start3A_23 : memref<24x2048xf32, #tpu.memory_space<hbm>>) target_semaphore(%run_scoped3A : memref<!tpu.dma_semaphore, #tpu.memory_space<semaphore_mem>>)
      %dma_wait3A = arith.constant 0 : i32
      %dma_wait3A_24 = tpu.memref_slice %arg5[%dma_wait3A, %mul3A_20] : memref<24x65536xf32, #tpu.memory_space<hbm>> -> memref<24x2048xf32, #tpu.memory_space<hbm>>
      %dma_wait3A_25 = arith.constant 0 : i32
      %dma_wait3A_26 = tpu.memref_slice %arg5[%dma_wait3A_25, %mul3A_20] : memref<24x65536xf32, #tpu.memory_space<hbm>> -> memref<24x2048xf32, #tpu.memory_space<hbm>>
      tpu.wait_dma2 semaphore(%run_scoped3A : memref<!tpu.dma_semaphore, #tpu.memory_space<semaphore_mem>>) src(%arg9 : memref<24x2048xf32, #tpu.memory_space<vmem>>) dst(%dma_wait3A_26 : memref<24x2048xf32, #tpu.memory_space<hbm>>)
      tpu.yield
    }) : () -> ()
    return
  }
}

</mosaic_0001>

<sc_bundles>
// kernel: kernel.3.cloned.1.call-start
scs
__scs_entry_jumppad:
0x0: {  	(pc) =	sbr.rel $0x88, $3  }
0x1: {  	(tag) =	ssettag $0x0;
	lr =	simm.s32 $0x1  }
0x2: {  	[smem:$0x3F9E] =	sst lr;
	_ =	strace $0xD0000000  }
0x3: {  	_ = 	snop  }
0x4: {  	_ = 	snop  }
0x5: {  	_ = 	snop  }
0x6: {  	_ = 	snop  }
0x7: {  	_ = 	snop  }
__scs_overlays_trampoline_lowered:
0x8: {  	[smem:$0x3FAD] =	sst s0  }
0x9: {  	[smem:$0x3FAE] =	sst s1  }
0xa: {  	[smem:$0x3FAF] =	sst s2  }
0xb: {  	[smem:$0x3FB0] =	sst s3  }
0xc: {  	[smem:$0x3FB1] =	sst s4  }
0xd: {  	[smem:$0x3FB2] =	sst s5  }
0xe: {  	[smem:$0x3FB3] =	sst s6  }
0xf: {  	[smem:$0x3FB4] =	sst s7  }
0x10: {  	[smem:$0x3FB5] =	sst s8  }
0x11: {  	[smem:$0x3FB6] =	sst s9;
	s0 =	simm.s32 @!p0 $0x0  }
0x12: {  	s1 =	sld [smem:$0x3F9C];
	s0 =	simm.s32 @p0 $0x1  }
0x13: {  	[smem:$0x3FB7] =	sst s0;
	s0 =	simm.s32 @!p1 $0x0  }
0x14: {  	s2 =	sld [smem:$0x3F9B];
	s0 =	simm.s32 @p1 $0x1  }
0x15: {  	[smem:$0x3FB8] =	sst s0;
	s0 =	simm.s32 @!p2 $0x0  }
0x16: {  	s3 =	sld [smem:$0x3FDB];
	s0 =	simm.s32 @p2 $0x1  }
0x17: {  	s4 =	simm.s32 $0x1BF5;
	[smem:$0x3FBA] =	sst s0  }
0x18: {  	s0 =	sld [smem:$0x3F9D];
	_ =	swait.ge [sflag:s4], $0x0  }
0x19: {  	s7 =	sld [smem:$0x3F9E]  }
0x1a: {  	s8 =	sadd.s32 $0xFFFFE003, lr  }
0x1b: {  	s9 =	sadd.s32 $0xFFFFFEF7, lr;
	s5 =	simm.s32 $0xFFFFFFFF;
	p2 =	slt.u32 s8, $0xFFFFF086  }
0x1c: {  	p1 =	slt.u32 s9, $0xF7A;
	s5 =	simm.s32 @!p2 $0x0  }
0x1d: {  	s5 =	simm.s32 @p1 $0x1;
	p0 =	seq.s32 s7, s2  }
0x1e: {  	s7 =	smul.u32 @!p0 $0xF7A, s2;
	p2 =	seq.s32 @!p0 s5, $0x0  }
0x1f: {  	s9 =	smul.u32 $0xF7A, s1;
	s8 =	simm.s32 @!p0 $0x1BF5;
	p2 =	por !p2, p0  }
0x20: {  	[sflag:s8] =	ssyncset.s32 @!p0 $0xFFFFF086;
	s6 =	sadd.s32 @!p0 s3, s7;
	s7 =	simm.s32 @!p0 $0x108  }
0x21: {  	s3 =	sadd.s32 s3, s9;
	s6 =	sadd.s32 @!p0 $0x88, s6;
	s7 =	simm.s32 @p2 $0x1082  }
0x22: {  	[simem:s7], [sflag:s8] =	dma.local @!p0 [hbm:s6], $0xF7A  }
0x23: {  	s9 =	sor.u32 $0xD0000000, s2;
	s6 =	simm.s32 $0x108;
	_ =	swait.ge @!p0 [sflag:s8], $0x0  }
0x24: {  	s3 =	sadd.s32 $0x88, s3;
	s6 =	simm.s32 @!p1 $0x1082;
	[sflag:s4] =	ssyncset.s32 $0xFFFFF086  }
0x25: {  	[simem:s6], [sflag:s4] =	dma.local [hbm:s3], $0xF7A  }
0x26: {  	[smem:$0x3F9E] =	sst s1;
	(tag) =	ssettag s2;
	_ =	strace s9  }
0x27: {  	s1 =	sld [smem:$0x3FAE]  }
0x28: {  	s2 =	sld [smem:$0x3FAF]  }
0x29: {  	s4 =	sld [smem:$0x3FB1]  }
0x2a: {  	p0 =	seq.s32 s5, $0x0;
	s5 =	sld [smem:$0x3FB2]  }
0x2b: {  	s6 =	sld [smem:$0x3FB3]  }
0x2c: {  	s7 =	sld [smem:$0x3FB4]  }
0x2d: {  	s3 =	simm.s32 $0x108;
	s8 =	sld [smem:$0x3FB5]  }
0x2e: {  	s3 =	simm.s32 @!p0 $0x1082;
	s9 =	sld [smem:$0x3FB6]  }
0x2f: {  	lr =	sadd.s32 s0, s3;
	s0 =	sld [smem:$0x3FAD]  }
0x30: {  	s3 =	sld [smem:$0x3FB0]  }
0x31: {  	[smem:$0x3FB9] =	sst s10  }
0x32: {  	s10 =	sld [smem:$0x3FB7];
	_ =	sdelay $0x3  }
0x33: {  	p0 =	seq.s32 s10, $0x1;
	s10 =	sld [smem:$0x3FB9];
	_ =	sdelay $0x3  }
0x34: {  	[smem:$0x3FB9] =	sst s10  }
0x35: {  	s10 =	sld [smem:$0x3FB8];
	_ =	sdelay $0x3  }
0x36: {  	p1 =	seq.s32 s10, $0x1;
	s10 =	sld [smem:$0x3FB9];
	_ =	sdelay $0x3  }
0x37: {  	[smem:$0x3FB9] =	sst s10  }
0x38: {  	s10 =	sld [smem:$0x3FBA]  }
0x39: {  	_ = 	snop;
	(pc) =	sbr.ind lr, $3  }
0x3a: {  	_ = 	snop  }
0x3b: {  	_ = 	snop  }
0x3c: {  	p2 =	seq.s32 s10, $0x1;
	s10 =	sld [smem:$0x3FB9]  }
0x3d: {  	_ =	shalt  }
0x3e: {  	_ =	shalt  }
0x3f: {  	_ =	shalt  }
0x40: {  	_ =	shalt  }
0x41: {  	_ =	shalt  }
0x42: {  	_ =	shalt  }
0x43: {  	_ =	shalt  }
0x44: {  	_ =	shalt  }
0x45: {  	_ =	shalt  }
0x46: {  	_ =	shalt  }
0x47: {  	_ =	shalt  }
0x48: {  	_ =	shalt  }
0x49: {  	_ =	shalt  }
0x4a: {  	_ =	shalt  }
0x4b: {  	_ =	shalt  }
0x4c: {  	_ =	shalt  }
0x4d: {  	_ =	shalt  }
0x4e: {  	_ =	shalt  }
0x4f: {  	_ =	shalt  }
0x50: {  	_ =	shalt  }
0x51: {  	_ =	shalt  }
0x52: {  	_ =	shalt  }
0x53: {  	_ =	shalt  }
0x54: {  	_ =	shalt  }
0x55: {  	_ =	shalt  }
0x56: {  	_ =	shalt  }
0x57: {  	_ =	shalt  }
0x58: {  	_ =	shalt  }
0x59: {  	_ =	shalt  }
0x5a: {  	_ =	shalt  }
0x5b: {  	_ =	shalt  }
0x5c: {  	_ =	shalt  }
0x5d: {  	_ =	shalt  }
0x5e: {  	_ =	shalt  }
0x5f: {  	_ =	shalt  }
0x60: {  	_ =	shalt  }
0x61: {  	_ =	shalt  }
0x62: {  	_ =	shalt  }
0x63: {  	_ =	shalt  }
0x64: {  	_ =	shalt  }
0x65: {  	_ =	shalt  }
0x66: {  	_ =	shalt  }
0x67: {  	_ =	shalt  }
0x68: {  	_ =	shalt  }
0x69: {  	_ =	shalt  }
0x6a: {  	_ =	shalt  }
0x6b: {  	_ =	shalt  }
0x6c: {  	_ =	shalt  }
0x6d: {  	_ =	shalt  }
0x6e: {  	_ =	shalt  }
0x6f: {  	_ =	shalt  }
0x70: {  	_ =	shalt  }
0x71: {  	_ =	shalt  }
0x72: {  	_ =	shalt  }
0x73: {  	_ =	shalt  }
0x74: {  	_ =	shalt  }
0x75: {  	_ =	shalt  }
0x76: {  	_ =	shalt  }
0x77: {  	_ =	shalt  }
0x78: {  	_ =	shalt  }
0x79: {  	_ =	shalt  }
0x7a: {  	_ =	shalt  }
0x7b: {  	_ =	shalt  }
0x7c: {  	_ =	shalt  }
0x7d: {  	_ =	shalt  }
0x7e: {  	_ =	shalt  }
0x7f: {  	_ =	shalt  }
0x80: {  	_ =	shalt  }
0x81: {  	_ =	shalt  }
0x82: {  	_ =	shalt  }
0x83: {  	_ =	shalt  }
0x84: {  	_ =	shalt  }
0x85: {  	_ =	shalt  }
0x86: {  	_ =	shalt  }
0x87: {  	_ =	shalt  }
.Lfunc_end0:
.L_simem_size_0:
called_computation_lowered:
.L_overlay_start_0:
0x88: {  	s2 =	sld [smem:$0x3FD9]  }
0x89: {  	s3 =	sld [smem:$0x3FFE];
	_ =	sdelay $0x1  }
0x8a: {  	s1 =	srdreg.scid  }
0x8b: {  	s0 =	sand.u32 $0x1, s1  }
0x8c: {  	s17 =	sshll.u32 s0, $0xA;
	s2 =	sadd.s32 s3, s2  }
0x8d: {  	s2 =	sadd.s32 s2, s17  }
0x8e: {  	[smem:$0x3FC5] =	sst s2  }
0x8f: {  	_ = 	snop  }
0x90: {  	s2 =	sld [smem:$0x3FC9]  }
0x91: {  	s18 =	sld [smem:$0x3FC8]  }
0x92: {  	s4 =	sld [smem:$0x3FD0];
	(tm) =	ssettm $0x1  }
0x93: {  	s5 =	sld [smem:$0x3FFB];
	_ =	sdelay $0x3  }
0x94: {  	_ =	strace s5  }
0x95: {  	s5 =	sld [smem:$0x3FFC];
	_ =	sdelay $0x3  }
0x96: {  	_ =	strace s5  }
0x97: {  	s5 =	sld [smem:$0x3FFD];
	_ =	sdelay $0x3  }
0x98: {  	_ =	strace s5  }
0x99: {  	_ =	strace $0x8FFFFFFF  }
0x9a: {  	s19 =	sld [smem:$0x3FDB];
	_ =	sdelay $0x1  }
0x9b: {  	s6 =	simm.s32 $_scs_section_size  }
0x9c: {  	s7 =	simm.s32 $_size__tile_overlayer_lowered;
	s8 =	simm.s32 $_tile_overlayer_lowered  }
0x9d: {  	s22 =	simm.s32 $0x1BFF;
	s21 =	sshll.u32 s8, $0x1;
	s5 =	sadd.s32 s6, s19  }
0x9e: {  	s9 =	simm.s32 $0x0;
	s20 =	sshll.u32 s7, $0x1;
	s7 =	sadd.s32 s21, s5  }
0x9f: {  	[timem:s9], [sflag:s22] =	dma.local [hbm:s7], s20  }
0xa0: {  	_ =	swait.ge [sflag:s22], s20  }
0xa1: {  	s6 =	ssub.s32 $0x0, s20;
	[sflag:s22] =	ssyncset.done $0x0  }
0xa2: {  	[sflag:s22] =	ssyncadd.s32 s6;
	_ =	sdelay $0x1  }
0xa3: {  	s23 =	simm.s32 $0x1B8B  }
0xa4: {  	_ =	swait.ge [sflag:s23], $0x1  }
0xa5: {  	[sflag:s23] =	ssyncset.done $0x0  }
0xa6: {  	s25 =	simm.s32 $0x1B8E;
	s24 =	sld [smem:$0x3FFE];
	[sflag:s23] =	ssyncadd.s32 $0xFFFFFFFF  }
0xa7: {  	s26 =	simm.s32 $execute0_lowered;
	[smem:$0x3FD2] =	sst s25  }
0xa8: {  	s7 =	sshll.u32 s26, $0x1;
	_ =	strace $0x80000046;
	[dreg:$0x1] =	wrdreg $0xFFFFFFFF  }
0xa9: {  	s28 =	simm.s32 $_size_execute0_lowered;
	s5 =	sadd.s32 s5, s7;
	[dreg:$0x0] =	wrdreg $0x0  }
0xaa: {  	s7 =	sshll.u32 s28, $0x1;
	[dreg:$0x2] =	wrdreg s5  }
0xab: {  	[dreg:$0x3] =	wrdreg s7  }
0xac: {  	[dreg:$0x4] =	wrdreg $0xC0  }
0xad: {  	_ =	task [dreg:s9], $0x5FFFF  }
0xae: {  	[dreg:$0x1] =	wrdreg $0xFFFFFFFF  }
0xaf: {  	[dreg:$0x0] =	wrdreg $0x60  }
0xb0: {  	[dreg:$0x2] =	wrdreg s2  }
0xb1: {  	[dreg:$0x3] =	wrdreg s18  }
0xb2: {  	[dreg:$0x4] =	wrdreg s24  }
0xb3: {  	[dreg:$0x5] =	wrdreg s4  }
0xb4: {  	[dreg:$0x6] =	wrdreg $0x9  }
0xb5: {  	_ =	task.clear_ibuf [dreg:s9], $0x7FFFF;
	_ =	strace $0x90000046  }
0xb6: {  	s29 =	simm.s32 $0x9;
	_ =	strace $0x80000048  }
0xb7: {  	_ =	swait.ge [sflag:s29], $0x1  }
0xb8: {  	[sflag:s29] =	ssyncadd.s32 $0xFFFFFFFF  }
0xb9: {  	_ =	strace $0x90000048  }
0xba: {  	_ =	sfence  }
0xbb: {  	s30 =	sld [smem:$0x0];
	_ =	sdelay $0x2  }
0xbc: {  	s31 =	sshll.u32 s1, $0xD;
	s1 =	sshrl.u32 s1, $0x2  }
0xbd: {  	s3 =	sand.u32 $0x4000, s31;
	s1 =	sadd.s32 s1, s30  }
0xbe: {  	s0 =	sor.u32 s3, s0;
	s1 =	sshll.u32 s1, $0x11  }
0xbf: {  	s0 =	sor.u32 s1, s0  }
0xc0: {  	s0 =	sadd.s32 $0x8F2B, s0  }
0xc1: {  	[sflag:s0] =	ssyncadd.remote.s32 $0x1  }
0xc2: {  	_ =	sfence.sel $0xFFFF  }
0xc3: {  	[dreg:$0x0] =	wrdreg $0xFFFFFFFF;
	(pc) =	sbr.abs _section_cstart, $3  }
0xc4: {  	[dreg:$0x1] =	wrdreg $0xFFFFFFFF  }
0xc5: {  	_ =	task.clear_ibuf [dreg:s9], $0x2FFFF;
	_ =	strace $0x9FFFFFFF  }
0xc6: {  	(tm) =	ssettm $0x7FFFFFFF  }
0xc7: {  	_ =	shalt  }
tec
execute0_lowered:
.L_overlay_start_1:
0x0: {  	(tag) =	ssettag $0x1  }
0x1: {  	s0 =	rddreg [dreg:$0x0]  }
0x2: {  	s1 =	rddreg [dreg:$0x1]  }
0x3: {  	s3 =	rddreg [dreg:$0x2]  }
0x4: {  	s4 =	rddreg [dreg:$0x3]  }
0x5: {  	s5 =	srdreg.scid;
	s2 =	simm.s32 $0x0;
	s7 =	stileid.u32;
	v0 =	vlaneseq.u32  }
0x6: {  	s10 =	simm.s32 $0x200;
	s11 =	simm.s32 $0x13A80;
	[smem:$0x7FF] =	sst s2;
	v43 =	vor.u32 $0x810, v0  }
0x7: {  	s12 =	simm.s32 $0x4A00;
	s5 =	sand.u32 $0x1, s5;
	v44 =	vor.u32 $0x1020, v0;
	_ =	strace $0x80000047;
	[tilespmem:$0x1FFD0] =	vst v43  }
0x8: {  	s13 =	simm.s32 $0x11A00;
	s14 =	simm.s32 $0x12A40;
	v2 =	vmul.u32 $0x48, v0;
	v45 =	vor.u32 $0x1830, v0;
	s6 =	sshll.u32 s5, $0x4;
	[tilespmem:$0x1FFE0] =	vst v44  }
0x9: {  	s17 =	simm.s32 $0x0;
	s5 =	ssub.s32 $0x2, s5;
	[tilespmem:$0x1FFF0] =	vst v45;
	s6 =	sor.u32 s7, s6  }
0xa: {  	s8 =	sshrl.u32 s5, $0x1;
	[tilespmem:$0x1FF80] =	vst v2;
	v2 =	vor.u32 $0x448, v0;
	s7 =	sshll.u32 s6, $0xB;
	s9 =	sshll.u32 s6, $0x5  }
0xb: {  	s29 =	ssub.s32 s5, s8;
	s31 =	sshll.u32 s6, $0x8;
	[tilespmem:$0x1FF90] =	vst v2;
	v2 =	vor.u32 $0x458, v0;
	s0 =	sadd.s32 s0, s9  }
0xc: {  	s8 =	simm.s32 $0x1;
	s30 =	sadd.s32 s1, s9;
	[tilespmem:$0x1FFA0] =	vst v2;
	v2 =	vor.u32 $0x468, v0;
	[dreg:$0x5] =	wrdreg s0  }
0xd: {  	s3 =	sadd.s32 s7, s3;
	[dreg:$0x6] =	wrdreg s30;
	s0 =	sadd.s32 s4, s31;
	[tilespmem:$0x1FFB0] =	vst v2;
	v2 =	vor.u32 $0x478, v0  }
0xe: {  	v1 =	vimm.s32 $0x0;
	v9 =	vand.u32 $0x7, v0;
	s7 =	smax.u32 s29, $0x1;
	s5 =	sadd.s32 $0x400, s3;
	[dreg:$0x7] =	wrdreg s0;
	[tilespmem:$0x1FFC0] =	vst v2  }
.LBB2_1:
0xf: {  	s0 =	rddreg [dreg:$0x5]  }
0x10: {  	[tilespmem:s2], [sflag:$0x1] =	stream.linear.gather [hbm4b:s0+s2], $0x100, $0x38;
	[tilespmem:$0x15AC0] =	vst v63  }
0x11: {  	_ =	swait.ge [sflag:s8], $0x100  }
0x12: {  	[sflag:s8] =	ssyncset.done $0x0  }
0x13: {  	s1 =	simm.s32 $0x100;
	s31 =	rddreg [dreg:$0x6];
	[sflag:s8] =	ssyncadd.s32 $0xFFFFFF00  }
0x14: {  	[tilespmem:s1], [sflag:$0x1] =	stream.linear.gather [hbm4b:s31+s2], $0x100, $0x38;
	[tilespmem:$0x15AC0] =	vst v63  }
0x15: {  	_ =	swait.ge [sflag:s8], $0x100  }
0x16: {  	s4 =	sadd.s32 $0x0, s5;
	s3 =	simm.s32 $0x200;
	[sflag:s8] =	ssyncset.done $0x0  }
0x17: {  	s0 =	simm.s32 $0x8;
	s1 =	simm.s32 $0x248;
	[sflag:s8] =	ssyncadd.s32 $0xFFFFFF00  }
.LBB2_2:
0x18: {  	[tilespmem:s3], [sflag:$0x1] =	stream.linear.gather [hbm4b:s4+s2], $0x40, $0x38;
	[tilespmem:$0x15AC0] =	vst v63  }
0x19: {  	s4 =	smov.u32 s0;
	s3 =	smov.u32 s1;
	p0 =	sne.s32 s0, $0x7F8  }
.Ltmp0:
0x1a: {  	s0 =	sadd.s32 $0x8, s0;
	(pc) =	sbr.rel @p0 .LBB2_2-.Ltmp0, $2  }
0x1b: {  	_ =	sdelay $0x2  }
0x1c: {  	s1 =	sadd.s32 $0x48, s1;
	s4 =	sadd.s32 s4, s5  }
0x1d: {  	[tilespmem:s3], [sflag:$0x1] =	stream.linear.gather [hbm4b:s4+s2], $0x40, $0x38;
	[tilespmem:$0x15AC0] =	vst v63  }
0x1e: {  	_ =	swait.ge [sflag:s8], $0x4000  }
0x1f: {  	s18 =	simm.s32 $0x0;
	[sflag:s8] =	ssyncset.done $0x0  }
0x20: {  	s1 =	simm.s32 $0x40;
	s0 =	simm.s32 $0x0;
	[sflag:s8] =	ssyncadd.s32 $0xFFFFC000  }
.LBB2_4:
0x21: {  	p0 =	sne.s32 s1, $0x2000;
	[tilespmem:s0+$0x152B0] =	vst v1;
	s3 =	smov.u32 s1;
	s1 =	sadd.s32 $0x40, s1  }
.Ltmp1:
0x22: {  	[tilespmem:s0+$0x14AA0] =	vst v1;
	(pc) =	sbr.rel @p0 .LBB2_4-.Ltmp1, $3  }
0x23: {  	[tilespmem:s0+$0x13A80] =	vst v1  }
0x24: {  	[tilespmem:s0+$0x14290] =	vst v1;
	_ =	sdelay $0x1  }
0x25: {  	s0 =	sshra.s32 s3, $0x2  }
0x26: {  	[tilespmem:s0+$0x152B0] =	vst v1  }
0x27: {  	[tilespmem:s0+$0x14AA0] =	vst v1  }
0x28: {  	[tilespmem:s0+$0x13A80] =	vst v1  }
0x29: {  	[tilespmem:s0+$0x14290] =	vst v1  }
.LBB2_6:
0x2a: {  	s19 =	sshll.u32 s18, $0x6  }
0x2b: {  	v7 =	vld [tilespmem:$0x1FF80];
	v2 =	vmov s19  }
0x2c: {  	v2 =	vmul.u32 $0x48, v2;
	_ =	sdelay $0x1  }
0x2d: {  	s0 =	simm.s32 $0x0;
	v2 =	vbroadcast v2, $0x0  }
0x2e: {  	v3 =	vmov s0  }
0x2f: {  	s3 =	simm.s32 $0x1;
	v4 =	vand.u32 $0x38, v3;
	v20 =	vadd.s32 v7, v2  }
0x30: {  	v5 =	vmov s3;
	v2 =	vand.u32 $0x4, v3;
	v6 =	vadd.s32 v20, v4  }
0x31: {  	s4 =	simm.s32 $0x2;
	v3 =	vand.u32 $0x38, v5;
	v8 =	vor.u32 v2, v6  }
0x32: {  	v34 =	vand.u32 $0x5, v5;
	v5 =	vadd.s32 v20, v3;
	v6 =	vmov s4  }
0x33: {  	s6 =	simm.s32 $0x3;
	v15 =	vld [tilespmem:s19+$0x0];
	v5 =	vor.u32 v34, v5;
	v12 =	vand.u32 $0x38, v6  }
0x34: {  	v11 =	vld [tilespmem:s19+$0x10];
	v13 =	vmov s6;
	v6 =	vand.u32 $0x6, v6;
	v14 =	vadd.s32 v20, v12  }
0x35: {  	v10 =	vld [tilespmem:s19+$0x20];
	v28 =	vand.u32 $0x38, v13;
	v14 =	vor.u32 v6, v14  }
0x36: {  	v30 =	vand.u32 $0x7, v13;
	v13 =	vadd.s32 v20, v28;
	v8 =	vld.idx.msk [tilespmem:v8+s10+$0x0], $0xffff  }
0x37: {  	v18 =	vld [tilespmem:s19+$0x100];
	v13 =	vor.u32 v30, v13  }
0x38: {  	v5 =	vld.idx.msk [tilespmem:v5+s10+$0x0], $0xffff  }
0x39: {  	v21 =	vld [tilespmem:s19+$0x110]  }
0x3a: {  	v16 =	vimm.f32 $0.0e+00;
	v14 =	vld.idx.msk [tilespmem:v14+s10+$0x0], $0xffff  }
0x3b: {  	v22 =	vld [tilespmem:s19+$0x120];
	[tilespmem:$0x1FF00] =	vst v15;
	v8 =	vadd.f32 v8, v16  }
0x3c: {  	v18 =	vsub.f32 v18, v15;
	v13 =	vld.idx.msk [tilespmem:v13+s10+$0x0], $0xffff  }
0x3d: {  	s9 =	simm.s32 $0x4;
	s16 =	simm.s32 $0x6;
	v5 =	vadd.f32 v5, v8  }
0x3e: {  	s20 =	sor.u32 $0x10, s19;
	s21 =	sor.u32 $0x20, s19;
	v32 =	vmov s9;
	v63 =	vmov s16;
	v15 =	vmul.f32 $1.562500000e-02, v18  }
0x3f: {  	s22 =	sor.u32 $0x30, s19;
	v24 =	vmov s20;
	v26 =	vmov s21;
	v14 =	vadd.f32 v14, v5  }
0x40: {  	v27 =	vmov s22;
	v22 =	vsub.f32 v22, v10;
	v25 =	vsub.f32 $0.0e+00, v15  }
0x41: {  	v39 =	vand.u32 $0x38, v32;
	v21 =	vsub.f32 v21, v11;
	[tilespmem:$0x1FF20] =	vst v10;
	v10 =	vld [tilespmem:s19+$0x30];
	v31 =	vadd.f32 v13, v14  }
0x42: {  	v32 =	vand.u32 $0x4, v32;
	[tilespmem:$0x1FF10] =	vst v11;
	v11 =	vmul.f32 $1.562500000e-02, v22;
	v8 =	vmul.f32 v8, v25;
	v13 =	vld [tilespmem:s19+$0x130]  }
0x43: {  	[tilespmem:$0x1FF30] =	vst v15;
	v15 =	vmul.f32 $1.562500000e-02, v21;
	v21 =	vmul.u32 $0x48, v24;
	v24 =	vmul.f32 v31, v25  }
0x44: {  	v26 =	vmul.u32 $0x48, v26;
	v8 =	vmul.f32 $1.442695020e+00, v8;
	v5 =	vmul.f32 v5, v25  }
0x45: {  	v36 =	vadd.s32 v20, v39;
	v21 =	vbroadcast v21, $0x0;
	v24 =	vmul.f32 $1.442695020e+00, v24  }
0x46: {  	v38 =	vor.u32 v32, v36;
	v5 =	vmul.f32 $1.442695020e+00, v5;
	(erf) = vpow2.f32 v8  }
0x47: {  	v14 =	vmul.f32 v14, v25;
	v8 =	vsub.f32 v13, v10;
	(erf) = vpow2.f32 v24  }
0x48: {  	v13 =	vbroadcast v26, $0x0;
	v26 =	vadd.s32 v7, v21;
	(erf) = vpow2.f32 v5  }
0x49: {  	s15 =	simm.s32 $0x5;
	v14 =	vmul.f32 $1.442695020e+00, v14;
	v29 =	vadd.s32 v26, v3;
	v5 =	vmul.u32 $0x48, v27  }
0x4a: {  	v24 =	vmul.f32 $1.562500000e-02, v8;
	v35 =	vor.u32 v34, v29;
	v29 =	vmov s15  }
0x4b: {  	(erf) = vpow2.f32 v14;
	v8 =	vbroadcast v5, $0x0;
	v5 =	vadd.s32 v26, v4  }
0x4c: {  	[tilespmem:$0x1FF60] =	vst v11;
	v27 =	vadd.s32 v7, v13;
	v33 =	vor.u32 v2, v5;
	v5 =	vand.u32 $0x38, v29  }
0x4d: {  	s24 =	simm.s32 $0x7;
	[tilespmem:$0x1FF50] =	vst v15;
	v13 =	vsub.f32 $0.0e+00, v11;
	v11 =	vand.u32 $0x5, v29;
	v40 =	vadd.s32 v20, v5  }
0x4e: {  	v54 =	vmov s24;
	v42 =	vand.u32 $0x38, v63;
	[tilespmem:$0x1FF40] =	vst v10;
	v17 =	vor.u32 v11, v40  }
0x4f: {  	s23 =	simm.s32 $0x11200;
	v46 =	vand.u32 $0x6, v63;
	v49 =	vand.u32 $0x38, v54;
	v55 =	vadd.s32 v20, v42;
	v38 =	vld.idx.msk [tilespmem:v38+s10+$0x0], $0xffff;
	v37 =	vpop (erf)  }
0x50: {  	v56 =	vadd.s32 v20, v49;
	v47 =	vor.u32 v46, v55;
	v14 =	vadd.s32 v26, v12;
	[tilespmem:s23+$0xFFFFF800] =	vst v37;
	v41 =	vpop (erf)  }
0x51: {  	v36 =	vand.u32 $0x7, v54;
	v14 =	vor.u32 v6, v14;
	v29 =	vadd.s32 v7, v8;
	v33 =	vld.idx.msk [tilespmem:v33+s10+$0x0], $0xffff;
	v8 =	vpop (erf)  }
0x52: {  	v50 =	vor.u32 v36, v56;
	[tilespmem:s23+$0xFFFFF810] =	vst v8;
	v8 =	vadd.s32 v26, v28  }
0x53: {  	v59 =	vld.idx.msk [tilespmem:v17+s10+$0x0], $0xffff;
	v8 =	vor.u32 v30, v8  }
0x54: {  	v31 =	vadd.f32 v38, v31;
	v58 =	vadd.s32 v27, v12;
	v45 =	vpop (erf);
	v48 =	vld.idx.msk [tilespmem:v35+s10+$0x0], $0xffff  }
0x55: {  	v61 =	vld.idx.msk [tilespmem:v47+s10+$0x0], $0xffff;
	v21 =	vsub.f32 $0.0e+00, v15;
	v57 =	vadd.s32 v27, v4;
	v53 =	vor.u32 v6, v58;
	[tilespmem:s23+$0xFFFFF820] =	vst v45  }
0x56: {  	v54 =	vadd.s32 v29, v28;
	v4 =	vadd.s32 v29, v4;
	v51 =	vld.idx.msk [tilespmem:v14+s10+$0x0], $0xffff;
	v33 =	vadd.f32 v33, v16  }
0x57: {  	v40 =	vor.u32 v2, v57;
	[tilespmem:s23+$0xFFFFF830] =	vst v41;
	v17 =	vor.u32 v2, v4;
	v4 =	vld.idx.msk [tilespmem:v50+s10+$0x0], $0xffff  }
0x58: {  	v2 =	vadd.s32 v29, v12;
	v62 =	vmul.f32 v33, v21;
	v38 =	vadd.f32 v59, v31;
	v8 =	vld.idx.msk [tilespmem:v8+s10+$0x0], $0xffff  }
0x59: {  	v28 =	vadd.s32 v27, v28;
	v2 =	vor.u32 v6, v2;
	v33 =	vadd.f32 v48, v33  }
0x5a: {  	[tilespmem:$0x1FF70] =	vst v2;
	v2 =	vmul.f32 v31, v25;
	v12 =	vmul.f32 $1.442695020e+00, v62;
	v31 =	vadd.f32 v61, v38  }
0x5b: {  	v48 =	vor.u32 v30, v28;
	v28 =	vadd.f32 v51, v33;
	v6 =	vmul.f32 v33, v21  }
0x5c: {  	v2 =	vmul.f32 $1.442695020e+00, v2;
	(erf) = vpow2.f32 v12;
	v41 =	vadd.f32 v4, v31  }
0x5d: {  	s25 =	simm.s32 $0x8;
	v31 =	vmul.f32 v31, v25;
	v12 =	vmul.f32 v28, v21;
	v8 =	vadd.f32 v8, v28  }
0x5e: {  	v44 =	vmov s25;
	v6 =	vmul.f32 $1.442695020e+00, v6;
	v28 =	vmul.f32 v38, v25  }
0x5f: {  	v60 =	vadd.s32 v27, v3;
	v12 =	vmul.f32 $1.442695020e+00, v12;
	v4 =	vmul.f32 v8, v21  }
0x60: {  	v52 =	vor.u32 v34, v60;
	(erf) = vpow2.f32 v6;
	v6 =	vmul.f32 v41, v25  }
0x61: {  	v43 =	vadd.s32 v29, v49;
	(erf) = vpow2.f32 v12;
	v4 =	vmul.f32 $1.442695020e+00, v4  }
0x62: {  	v35 =	vadd.s32 v29, v3;
	v6 =	vmul.f32 $1.442695020e+00, v6;
	(erf) = vpow2.f32 v2  }
0x63: {  	v28 =	vmul.f32 $1.442695020e+00, v28;
	v12 =	vadd.s32 v26, v39;
	(erf) = vpow2.f32 v4  }
0x64: {  	v2 =	vadd.s32 v26, v42;
	v12 =	vor.u32 v32, v12;
	(erf) = vpow2.f32 v6  }
0x65: {  	v50 =	vor.u32 v46, v2;
	v4 =	vadd.s32 v26, v49;
	(erf) = vpow2.f32 v28  }
0x66: {  	v2 =	vadd.s32 v26, v5;
	v6 =	vmul.f32 $1.442695020e+00, v31;
	v55 =	vor.u32 v36, v4  }
0x67: {  	v4 =	vadd.s32 v27, v42;
	v42 =	vadd.s32 v29, v42;
	v28 =	vor.u32 v11, v2  }
0x68: {  	v31 =	vpop (erf);
	v2 =	vadd.s32 v27, v39;
	(erf) = vpow2.f32 v6;
	v6 =	vadd.s32 v27, v49  }
0x69: {  	s26 =	simm.s32 $0x9;
	v15 =	vor.u32 v46, v4;
	v4 =	vadd.s32 v27, v5;
	v39 =	vadd.s32 v29, v39;
	v63 =	vpop (erf)  }
0x6a: {  	[tilespmem:s23+$0xFFFFFC00] =	vst v31;
	v31 =	vmov s26;
	v33 =	vor.u32 v46, v42;
	v37 =	vor.u32 v32, v2;
	v49 =	vpop (erf)  }
0x6b: {  	s24 =	simm.s32 $0x11240;
	v32 =	vor.u32 v32, v39;
	v39 =	vand.u32 $0x38, v44;
	v40 =	vld.idx.msk [tilespmem:v40+s10+$0x0], $0xffff;
	v18 =	vor.u32 v36, v6;
	[tilespmem:s23+$0xFFFFFC10] =	vst v63;
	v6 =	vpop (erf)  }
0x6c: {  	s28 =	simm.s32 $0xA;
	v38 =	vor.u32 v11, v4;
	v45 =	vadd.s32 v20, v39;
	v58 =	vld.idx.msk [tilespmem:v52+s10+$0x0], $0xffff;
	[tilespmem:s24+$0xFFFFF800] =	vst v6;
	v6 =	vand.u32 $0x4, v44;
	v57 =	vpop (erf)  }
0x6d: {  	v56 =	vand.u32 $0x38, v31;
	v52 =	vmov s28;
	v12 =	vld.idx.msk [tilespmem:v12+s10+$0x0], $0xffff;
	v51 =	vor.u32 v6, v45;
	v60 =	vpop (erf)  }
0x6e: {  	v31 =	vand.u32 $0x5, v31;
	v59 =	vadd.s32 v20, v56;
	v46 =	vand.u32 $0x38, v52;
	v42 =	vpop (erf)  }
0x6f: {  	s29 =	simm.s32 $0xB;
	v59 =	vor.u32 v31, v59;
	v62 =	vand.u32 $0x6, v52;
	v47 =	vadd.s32 v20, v46;
	[tilespmem:s24+$0xFFFFF810] =	vst v42  }
0x70: {  	v61 =	vmov s29;
	[tilespmem:s23+$0xFFFFFC20] =	vst v49;
	v49 =	vadd.s32 v27, v56;
	v52 =	vor.u32 v62, v47;
	v4 =	vld.idx.msk [tilespmem:v28+s10+$0x0], $0xffff  }
0x71: {  	v40 =	vadd.f32 v40, v16;
	v2 =	vadd.s32 v26, v46;
	v19 =	vor.u32 v31, v49;
	v63 =	vpop (erf)  }
0x72: {  	v47 =	vadd.s32 v29, v5;
	v42 =	vand.u32 $0x38, v61;
	[tilespmem:s24+$0xFFFFF820] =	vst v63;
	v63 =	vld.idx.msk [tilespmem:v51+s10+$0x0], $0xffff;
	v8 =	vadd.f32 v12, v8  }
0x73: {  	v28 =	vand.u32 $0x7, v61;
	v61 =	vadd.s32 v20, v42;
	v12 =	vadd.f32 v58, v40;
	v50 =	vld.idx.msk [tilespmem:v50+s10+$0x0], $0xffff  }
0x74: {  	v45 =	vadd.s32 v26, v39;
	v59 =	vld.idx.msk [tilespmem:v59+s10+$0x0], $0xffff;
	v58 =	vor.u32 v28, v61;
	v44 =	vmul.f32 v8, v21  }
0x75: {  	[tilespmem:s24+$0xFFFFF830] =	vst v60;
	v3 =	vmul.f32 v12, v13;
	v4 =	vadd.f32 v4, v8;
	v8 =	vld.idx.msk [tilespmem:v52+s10+$0x0], $0xffff  }
0x76: {  	[tilespmem:s23+$0xFFFFFC30] =	vst v57;
	v57 =	vadd.s32 v29, v39;
	v51 =	vor.u32 v30, v54;
	v54 =	vmul.f32 $1.442695020e+00, v44;
	v52 =	vld.idx.msk [tilespmem:v55+s10+$0x0], $0xffff  }
0x77: {  	v60 =	vor.u32 v6, v45;
	v40 =	vmul.f32 v40, v13;
	v3 =	vmul.f32 $1.442695020e+00, v3  }
0x78: {  	v41 =	vadd.f32 v63, v41;
	(erf) = vpow2.f32 v54;
	v50 =	vadd.f32 v50, v4  }
0x79: {  	v45 =	vor.u32 v62, v2;
	v44 =	vld.idx.msk [tilespmem:v58+s10+$0x0], $0xffff;
	v4 =	vmul.f32 v4, v21;
	(erf) = vpow2.f32 v3  }
0x7a: {  	v3 =	vmul.f32 v41, v25;
	v41 =	vadd.f32 v59, v41;
	v61 =	vmul.f32 v50, v21  }
0x7b: {  	v30 =	vadd.s32 v29, v42;
	v4 =	vmul.f32 $1.442695020e+00, v4;
	v50 =	vadd.f32 v52, v50  }
0x7c: {  	v40 =	vmul.f32 $1.442695020e+00, v40;
	v8 =	vadd.f32 v8, v41;
	v52 =	vmul.f32 $1.442695020e+00, v61  }
0x7d: {  	v63 =	vadd.s32 v26, v56;
	(erf) = vpow2.f32 v4;
	v4 =	vmul.f32 v50, v21  }
0x7e: {  	v55 =	vor.u32 v31, v63;
	v3 =	vmul.f32 $1.442695020e+00, v3;
	v54 =	vadd.f32 v44, v8  }
0x7f: {  	v63 =	vadd.s32 v26, v42;
	(erf) = vpow2.f32 v52;
	v4 =	vmul.f32 $1.442695020e+00, v4  }
0x80: {  	v59 =	vor.u32 v28, v63;
	v44 =	vmul.f32 v54, v25;
	(erf) = vpow2.f32 v3  }
0x81: {  	v63 =	vadd.s32 v27, v46;
	v41 =	vmul.f32 v41, v25;
	(erf) = vpow2.f32 v4;
	v4 =	vld.idx.msk [tilespmem:v53+s10+$0x0], $0xffff  }
0x82: {  	v61 =	vor.u32 v34, v35;
	v34 =	vadd.s32 v27, v39;
	v58 =	vmul.f32 $1.442695020e+00, v44  }
0x83: {  	v35 =	vor.u32 v6, v57;
	v8 =	vmul.f32 v8, v25;
	v44 =	vmul.f32 $1.442695020e+00, v41  }
0x84: {  	v22 =	vor.u32 v6, v34;
	v6 =	vadd.s32 v29, v46;
	(erf) = vpow2.f32 v58  }
0x85: {  	v34 =	vor.u32 v62, v6;
	v8 =	vmul.f32 $1.442695020e+00, v8;
	(erf) = vpow2.f32 v44  }
0x86: {  	s30 =	simm.s32 $0xC;
	v41 =	vor.u32 v62, v63;
	v53 =	vadd.s32 v27, v42;
	v58 =	vpop (erf);
	v4 =	vadd.f32 v4, v12  }
0x87: {  	v48 =	vld.idx.msk [tilespmem:v48+s10+$0x0], $0xffff;
	v42 =	vadd.s32 v29, v56;
	v63 =	vmov s30;
	v39 =	vor.u32 v28, v53;
	[tilespmem:s24+$0xFFFFFC00] =	vst v58;
	v52 =	vpop (erf)  }
0x88: {  	v56 =	vand.u32 $0x38, v63;
	(erf) = vpow2.f32 v8;
	v6 =	vld.idx.msk [tilespmem:v37+s10+$0x0], $0xffff;
	v37 =	vpop (erf);
	v49 =	vmul.f32 v4, v13  }
0x89: {  	s1 =	simm.s32 $0xD;
	v63 =	vand.u32 $0x4, v63;
	v53 =	vadd.s32 v20, v56;
	(erf) = vpow2.f32 v40;
	v23 =	vpop (erf)  }
0x8a: {  	s3 =	simm.s32 $0xE;
	s0 =	simm.s32 $0x11280;
	v40 =	vor.u32 v36, v43;
	v36 =	vmov s1;
	v44 =	vpop (erf);
	v49 =	vmul.f32 $1.442695020e+00, v49  }
0x8b: {  	s31 =	simm.s32 $0xF;
	v46 =	vor.u32 v63, v53;
	v43 =	vmov s3;
	v58 =	vand.u32 $0x38, v36;
	[tilespmem:s0+$0xFFFFF800] =	vst v44  }
0x8c: {  	v4 =	vadd.f32 v48, v4;
	[tilespmem:s24+$0xFFFFFC10] =	vst v37;
	v48 =	vmov s31;
	v12 =	vpop (erf);
	v57 =	vld.idx.msk [tilespmem:v60+s10+$0x0], $0xffff;
	(erf) = vpow2.f32 v49  }
0x8d: {  	v36 =	vand.u32 $0x5, v36;
	v62 =	vld.idx.msk [tilespmem:v38+s10+$0x0], $0xffff;
	v2 =	vadd.s32 v20, v58;
	v5 =	vand.u32 $0x38, v48;
	v60 =	vpop (erf)  }
0x8e: {  	v2 =	vor.u32 v36, v2;
	v6 =	vadd.f32 v6, v4;
	v4 =	vmul.f32 v4, v13;
	v53 =	vpop (erf)  }
0x8f: {  	v38 =	vand.u32 $0x7, v48;
	v44 =	vand.u32 $0x38, v43;
	v43 =	vand.u32 $0x6, v43;
	[tilespmem:s0+$0xFFFFF810] =	vst v53  }
0x90: {  	v10 =	vadd.s32 v20, v44;
	[tilespmem:s0+$0xFFFFF830] =	vst v60;
	v60 =	vadd.s32 v26, v44;
	v4 =	vmul.f32 $1.442695020e+00, v4;
	v55 =	vld.idx.msk [tilespmem:v55+s10+$0x0], $0xffff  }
0x91: {  	v10 =	vor.u32 v43, v10;
	v48 =	vpop (erf);
	v53 =	vadd.s32 v20, v5;
	v49 =	vadd.f32 v57, v50;
	v57 =	vld.idx.msk [tilespmem:v46+s10+$0x0], $0xffff  }
0x92: {  	v7 =	vadd.f32 v62, v6;
	v59 =	vld.idx.msk [tilespmem:v59+s10+$0x0], $0xffff;
	[tilespmem:s0+$0xFFFFF820] =	vst v48;
	v46 =	vadd.s32 v26, v56;
	(erf) = vpow2.f32 v4  }
0x93: {  	v2 =	vld.idx.msk [tilespmem:v2+s10+$0x0], $0xffff;
	v50 =	vor.u32 v63, v46;
	v46 =	vor.u32 v43, v60;
	v60 =	vpop (erf);
	v4 =	vmul.f32 v49, v21  }
0x94: {  	v14 =	vsub.f32 $0.0e+00, v24;
	v37 =	vadd.s32 v29, v5;
	v62 =	vor.u32 v38, v53;
	v45 =	vld.idx.msk [tilespmem:v45+s10+$0x0], $0xffff;
	[tilespmem:s23+$0x0] =	vst v60  }
0x95: {  	[tilespmem:s23+$0x10] =	vst v52;
	v60 =	vld.idx.msk [tilespmem:v17+s10+$0x0], $0xffff;
	v55 =	vadd.f32 v55, v49;
	v49 =	vmul.f32 v7, v13;
	v4 =	vmul.f32 $1.442695020e+00, v4;
	v17 =	vpop (erf)  }
0x96: {  	v6 =	vmul.f32 v6, v13;
	v48 =	vadd.s32 v26, v58;
	v54 =	vadd.f32 v57, v54;
	[tilespmem:s23+$0x20] =	vst v17  }
0x97: {  	v53 =	vmul.f32 $1.442695020e+00, v49;
	(erf) = vpow2.f32 v4;
	v4 =	vadd.s32 v26, v5;
	v3 =	vld [tilespmem:$0x1FF70]  }
0x98: {  	v10 =	vld.idx.msk [tilespmem:v10+s10+$0x0], $0xffff;
	v49 =	vor.u32 v36, v48;
	v5 =	vadd.s32 v27, v5;
	v48 =	vor.u32 v38, v4  }
0x99: {  	v57 =	vld.idx.msk [tilespmem:v61+s10+$0x0], $0xffff;
	v4 =	vadd.f32 v45, v55;
	v45 =	vmul.f32 v54, v25;
	v55 =	vmul.f32 v55, v21  }
0x9a: {  	v2 =	vadd.f32 v2, v54;
	(erf) = vpow2.f32 v53;
	v53 =	vor.u32 v11, v47;
	v47 =	vld.idx.msk [tilespmem:v62+s10+$0x0], $0xffff  }
0x9b: {  	v62 =	vadd.s32 v27, v56;
	v60 =	vadd.f32 v60, v16;
	v11 =	vmul.f32 $1.442695020e+00, v6  }
0x9c: {  	v52 =	vadd.f32 v59, v4;
	v4 =	vmul.f32 v4, v21;
	v55 =	vmul.f32 $1.442695020e+00, v55  }
0x9d: {  	v59 =	vmul.f32 $1.442695020e+00, v45;
	v17 =	vmul.f32 v2, v25;
	v2 =	vadd.f32 v10, v2;
	v6 =	vpop (erf)  }
0x9e: {  	v45 =	vor.u32 v63, v62;
	[tilespmem:s23+$0x30] =	vst v6;
	v4 =	vmul.f32 $1.442695020e+00, v4;
	(erf) = vpow2.f32 v55  }
0x9f: {  	v6 =	vmul.f32 v2, v25;
	v54 =	vld.idx.msk [tilespmem:v3+s10+$0x0], $0xffff;
	v3 =	vadd.f32 v57, v60;
	v57 =	vadd.f32 v47, v2  }
0xa0: {  	v62 =	vadd.s32 v27, v44;
	v16 =	vmul.f32 v52, v21;
	(erf) = vpow2.f32 v4  }
0xa1: {  	v8 =	vld.idx.msk [tilespmem:v51+s10+$0x0], $0xffff;
	v51 =	vor.u32 v43, v62;
	v4 =	vmul.f32 $1.442695020e+00, v17;
	v17 =	vmul.f32 v57, v25  }
0xa2: {  	v10 =	vmul.f32 $1.442695020e+00, v6;
	v6 =	vmul.f32 $1.442695020e+00, v16;
	v16 =	vadd.s32 v27, v58  }
0xa3: {  	[tilespmem:s24+$0xFFFFFC20] =	vst v23;
	(erf) = vpow2.f32 v59;
	v62 =	vor.u32 v36, v16;
	v2 =	vmul.f32 $1.442695020e+00, v17  }
0xa4: {  	[tilespmem:s24+$0xFFFFFC30] =	vst v12;
	(erf) = vpow2.f32 v6;
	v6 =	vadd.s32 v29, v56;
	v17 =	vld.idx.msk [tilespmem:v15+s10+$0x0], $0xffff;
	v61 =	vadd.f32 v54, v3  }
0xa5: {  	v55 =	vld.idx.msk [tilespmem:v18+s10+$0x0], $0xffff;
	v47 =	vor.u32 v63, v6;
	v54 =	vor.u32 v38, v5;
	v5 =	vpop (erf);
	(erf) = vpow2.f32 v2  }
0xa6: {  	v63 =	vmul.f32 v3, v14;
	v3 =	vadd.s32 v29, v44;
	[tilespmem:s0+$0xFFFFFC00] =	vst v5;
	v5 =	vpop (erf);
	v56 =	vadd.f32 v8, v61  }
0xa7: {  	v44 =	vadd.s32 v29, v58;
	v12 =	vld.idx.msk [tilespmem:v22+s10+$0x0], $0xffff;
	[tilespmem:s24+$0x10] =	vst v5;
	(erf) = vpow2.f32 v4;
	v4 =	vpop (erf);
	v5 =	vmul.f32 v60, v14  }
0xa8: {  	v43 =	vor.u32 v43, v3;
	v53 =	vld.idx.msk [tilespmem:v53+s10+$0x0], $0xffff;
	(erf) = vpow2.f32 v10;
	[tilespmem:s0+$0xFFFFFC10] =	vst v4;
	v6 =	vmul.f32 v56, v14  }
0xa9: {  	s3 =	simm.s32 $0x10;
	s1 =	simm.s32 $0x112C0;
	v2 =	vmul.f32 v61, v14;
	v3 =	vpop (erf);
	v8 =	vld.idx.msk [tilespmem:v19+s10+$0x0], $0xffff;
	v4 =	vadd.f32 v17, v7;
	(erf) = vpow2.f32 v11  }
.LBB2_7:
0xaa: {  	s4 =	sadd.s32 $0x1, s3;
	s9 =	sadd.s32 $0x2, s3;
	s15 =	sadd.s32 $0x3, s3;
	v61 =	vor.u32 v28, v30;
	v10 =	vmul.f32 $1.442695020e+00, v5;
	v11 =	vmul.f32 $1.442695020e+00, v6;
	v30 =	vmovc v37;
	v28 =	vmovc v38  }
0xab: {  	p0 =	slt.u32 s3, $0x3C;
	v58 =	vmovc v62;
	v5 =	vmov s4;
	v37 =	vmov s9;
	[tilespmem:s0+$0xFFFFFC20] =	vst v3;
	v38 =	vmul.f32 v4, v13;
	s4 =	smov.u32 s3;
	s3 =	sadd.s32 $0x4, s3  }
0xac: {  	v15 =	vmov s15;
	v4 =	vadd.f32 v55, v4;
	v59 =	vand.u32 $0x38, v5;
	v3 =	vpop (erf);
	v60 =	vld.idx.msk [tilespmem:v41+s10+$0x0], $0xffff  }
0xad: {  	v6 =	vmov s4;
	v62 =	vand.u32 $0x5, v5;
	v5 =	vmul.f32 $1.442695020e+00, v63;
	[tilespmem:s1+$0xFFFFF800] =	vst v3;
	v3 =	vpop (erf)  }
0xae: {  	v63 =	vand.u32 $0x38, v6;
	v16 =	vadd.s32 v20, v59;
	v12 =	vadd.f32 v12, v4;
	v50 =	vld.idx.msk [tilespmem:v50+s10+$0x0], $0xffff;
	v17 =	vpop (erf);
	[tilespmem:s0+$0xFFFFFC30] =	vst v3  }
0xaf: {  	v41 =	vmovc v51;
	v18 =	vmul.f32 v4, v13;
	v3 =	vand.u32 $0x4, v6;
	v6 =	vadd.s32 v20, v63;
	v55 =	vld.idx.msk [tilespmem:v39+s10+$0x0], $0xffff  }
0xb0: {  	v7 =	vand.u32 $0x38, v15;
	v51 =	vor.u32 v3, v6;
	[tilespmem:s1+$0xFFFFF830] =	vst v17;
	v4 =	vpop (erf);
	(erf) = vpow2.f32 v5  }
0xb1: {  	v22 =	vmul.f32 $1.442695020e+00, v38;
	v6 =	vand.u32 $0x38, v37;
	v5 =	vand.u32 $0x6, v37;
	v17 =	vpop (erf)  }
0xb2: {  	v38 =	vadd.s32 v20, v6;
	v37 =	vadd.s32 v29, v7;
	[tilespmem:s1+$0xFFFFF810] =	vst v4;
	v4 =	vadd.f32 v8, v12;
	v8 =	vpop (erf)  }
0xb3: {  	v39 =	vmovc v54;
	v19 =	vor.u32 v5, v38;
	v38 =	vand.u32 $0x7, v15;
	v15 =	vld.idx.msk [tilespmem:v49+s10+$0x0], $0xffff;
	[tilespmem:s1+$0xFFFFF820] =	vst v17;
	(erf) = vpow2.f32 v22  }
0xb4: {  	v16 =	vor.u32 v62, v16;
	v17 =	vadd.s32 v20, v7;
	v54 =	vld.idx.msk [tilespmem:v48+s10+$0x0], $0xffff;
	[tilespmem:s24+$0x0] =	vst v8;
	(erf) = vpow2.f32 v10  }
0xb5: {  	v2 =	vmul.f32 $1.442695020e+00, v2;
	v10 =	vor.u32 v38, v17;
	v17 =	vadd.f32 v50, v52;
	v8 =	vld.idx.msk [tilespmem:v51+s10+$0x0], $0xffff  }
0xb6: {  	v18 =	vmul.f32 $1.442695020e+00, v18;
	v49 =	vadd.s32 v26, v6;
	v48 =	vadd.s32 v26, v63;
	v51 =	vld.idx.msk [tilespmem:v46+s10+$0x0], $0xffff  }
0xb7: {  	v50 =	vor.u32 v3, v48;
	v23 =	vmul.f32 v17, v21;
	v22 =	vld.idx.msk [tilespmem:v32+s10+$0x0], $0xffff;
	(erf) = vpow2.f32 v2;
	v32 =	vmovc v35  }
0xb8: {  	v46 =	vor.u32 v5, v49;
	v2 =	vmul.f32 v4, v13;
	v35 =	vmovc v47;
	(erf) = vpow2.f32 v18  }
0xb9: {  	v18 =	vadd.s32 v26, v59;
	v47 =	vmul.f32 $1.442695020e+00, v23;
	v16 =	vld.idx.msk [tilespmem:v16+s10+$0x0], $0xffff;
	v48 =	vpop (erf);
	(erf) = vpow2.f32 v11  }
0xba: {  	v49 =	vor.u32 v62, v18;
	v11 =	vadd.f32 v15, v17;
	v18 =	vmul.f32 $1.442695020e+00, v2;
	[tilespmem:s23+$0x410] =	vst v48  }
0xbb: {  	v17 =	vadd.s32 v26, v7;
	v8 =	vadd.f32 v8, v57;
	v15 =	vld.idx.msk [tilespmem:v19+s10+$0x0], $0xffff;
	(erf) = vpow2.f32 v47  }
0xbc: {  	v48 =	vor.u32 v38, v17;
	v17 =	vadd.f32 v51, v11;
	v10 =	vld.idx.msk [tilespmem:v10+s10+$0x0], $0xffff;
	(erf) = vpow2.f32 v18;
	v2 =	vpop (erf)  }
0xbd: {  	v11 =	vmul.f32 v11, v21;
	v19 =	vor.u32 v31, v42;
	v18 =	vmul.f32 v8, v25;
	[tilespmem:s24+$0x20] =	vst v2;
	v2 =	vpop (erf)  }
0xbe: {  	v42 =	vadd.s32 v27, v63;
	v47 =	vmul.f32 v17, v21;
	v52 =	vadd.f32 v54, v17;
	v17 =	vld.idx.msk [tilespmem:v33+s10+$0x0], $0xffff  }
0xbf: {  	v23 =	vmul.f32 v12, v13;
	v31 =	vmovc v36;
	v18 =	vmul.f32 $1.442695020e+00, v18;
	v8 =	vadd.f32 v16, v8;
	[tilespmem:s23+$0x400] =	vst v2  }
0xc0: {  	v16 =	vadd.f32 v22, v56;
	v2 =	vmul.f32 $1.442695020e+00, v11;
	v11 =	vmul.f32 $1.442695020e+00, v47;
	v22 =	vpop (erf)  }
0xc1: {  	v33 =	vmul.f32 v8, v25;
	v8 =	vadd.f32 v15, v8;
	v15 =	vmul.f32 $1.442695020e+00, v23;
	v12 =	vpop (erf);
	[tilespmem:s23+$0x420] =	vst v22  }
0xc2: {  	v22 =	vor.u32 v3, v42;
	(erf) = vpow2.f32 v2;
	v2 =	vadd.f32 v53, v16;
	[tilespmem:s24+$0x30] =	vst v12;
	v12 =	vpop (erf)  }
0xc3: {  	v42 =	vadd.s32 v27, v6;
	v36 =	vmul.f32 v8, v25;
	v57 =	vadd.f32 v10, v8;
	v8 =	vld.idx.msk [tilespmem:v40+s10+$0x0], $0xffff  }
0xc4: {  	v51 =	vor.u32 v5, v42;
	v10 =	vmul.f32 v52, v21;
	v40 =	vpop (erf);
	(erf) = vpow2.f32 v11;
	[tilespmem:s23+$0x430] =	vst v12;
	s23 =	smov.u32 s24;
	s24 =	smov.u32 s0;
	s0 =	smov.u32 s1  }
0xc5: {  	v11 =	vmul.f32 $1.442695020e+00, v33;
	v56 =	vmul.f32 v57, v25;
	v17 =	vadd.f32 v17, v2;
	[tilespmem:s1+$0xFFFFFC00] =	vst v40;
	v40 =	vpop (erf)  }
0xc6: {  	v7 =	vadd.s32 v27, v7;
	v23 =	vmul.f32 $1.442695020e+00, v36;
	v10 =	vmul.f32 $1.442695020e+00, v10;
	v12 =	vld.idx.msk [tilespmem:v45+s10+$0x0], $0xffff;
	[tilespmem:s24+$0x10] =	vst v40;
	v40 =	vmovc v61  }
0xc7: {  	v61 =	vadd.s32 v27, v59;
	v47 =	vmul.f32 $1.442695020e+00, v56;
	v36 =	vmovc v62;
	v45 =	vmovc v22;
	(erf) = vpow2.f32 v18;
	v53 =	vld.idx.msk [tilespmem:v19+s10+$0x0], $0xffff  }
0xc8: {  	v54 =	vor.u32 v38, v7;
	v33 =	vmovc v34;
	v34 =	vmovc v43;
	v62 =	vor.u32 v36, v61;
	(erf) = vpow2.f32 v10  }
.Ltmp2:
0xc9: {  	v42 =	vmovc v44;
	v10 =	vadd.s32 v29, v63;
	v56 =	vadd.f32 v8, v17;
	(erf) = vpow2.f32 v47;
	(pc) =	sbr.rel @p0 .LBB2_7-.Ltmp2, $4  }
0xca: {  	s1 =	sadd.s32 $0x40, s1;
	v63 =	vmul.f32 v2, v14;
	v2 =	vmul.f32 v17, v14;
	v47 =	vor.u32 v3, v10  }
0xcb: {  	v10 =	vadd.s32 v29, v6;
	v6 =	vmul.f32 v56, v14;
	(erf) = vpow2.f32 v11;
	v7 =	vpop (erf)  }
0xcc: {  	v43 =	vor.u32 v5, v10;
	v5 =	vmul.f32 v16, v14;
	(erf) = vpow2.f32 v23;
	[tilespmem:s0+$0xFFFFFC10] =	vst v7  }
0xcd: {  	v4 =	vadd.f32 v60, v4;
	v44 =	vadd.s32 v29, v59;
	v8 =	vld.idx.msk [tilespmem:v58+s10+$0x0], $0xffff;
	v3 =	vpop (erf);
	(erf) = vpow2.f32 v15  }
0xce: {  	_ =	sdelay $0x2  }
0xcf: {  	v7 =	vpop (erf)  }
0xd0: {  	v10 =	vpop (erf)  }
0xd1: {  	[tilespmem:s1+$0xFFFFF800] =	vst v7;
	v60 =	vpop (erf)  }
0xd2: {  	v11 =	vld.idx.msk [tilespmem:v50+s10+$0x0], $0xffff;
	v15 =	vpop (erf)  }
0xd3: {  	[tilespmem:s1+$0xFFFFF810] =	vst v15  }
0xd4: {  	v16 =	vmul.f32 $1.442695020e+00, v63;
	v61 =	vadd.f32 v55, v4;
	v15 =	vmul.f32 v4, v13;
	v17 =	vpop (erf);
	v18 =	vld.idx.msk [tilespmem:v49+s10+$0x0], $0xffff  }
0xd5: {  	v5 =	vmul.f32 $1.442695020e+00, v5;
	v6 =	vmul.f32 $1.442695020e+00, v6;
	[tilespmem:s1+$0xFFFFF820] =	vst v17  }
0xd6: {  	v12 =	vadd.f32 v12, v61;
	v4 =	vmul.f32 v61, v13;
	v15 =	vmul.f32 $1.442695020e+00, v15;
	v63 =	vld.idx.msk [tilespmem:v46+s10+$0x0], $0xffff  }
0xd7: {  	v2 =	vmul.f32 $1.442695020e+00, v2;
	(erf) = vpow2.f32 v16;
	[tilespmem:s1+$0xFFFFF830] =	vst v60;
	v46 =	vadd.f32 v11, v52  }
0xd8: {  	v8 =	vadd.f32 v8, v12;
	v4 =	vmul.f32 $1.442695020e+00, v4;
	(erf) = vpow2.f32 v15;
	v15 =	vld.idx.msk [tilespmem:v48+s10+$0x0], $0xffff  }
0xd9: {  	v11 =	vpop (erf);
	v48 =	vmul.f32 v46, v21;
	(erf) = vpow2.f32 v5;
	v7 =	vadd.f32 v18, v46  }
0xda: {  	[tilespmem:s24+$0x0] =	vst v11;
	(erf) = vpow2.f32 v2;
	v2 =	vmul.f32 v8, v13  }
0xdb: {  	v11 =	vld.idx.msk [tilespmem:v32+s10+$0x0], $0xffff;
	v49 =	vmul.f32 $1.442695020e+00, v48;
	(erf) = vpow2.f32 v4;
	v50 =	vadd.f32 v63, v7  }
0xdc: {  	(erf) = vpow2.f32 v6;
	v2 =	vmul.f32 $1.442695020e+00, v2  }
0xdd: {  	[tilespmem:s0+$0xFFFFFC20] =	vst v3;
	v52 =	vmul.f32 v7, v21;
	(erf) = vpow2.f32 v49;
	v55 =	vadd.f32 v15, v50  }
0xde: {  	v3 =	vld.idx.msk [tilespmem:v41+s10+$0x0], $0xffff;
	(erf) = vpow2.f32 v2;
	v2 =	vmul.f32 v50, v21  }
0xdf: {  	v4 =	vmul.f32 $1.442695020e+00, v52;
	v6 =	vmul.f32 v55, v21  }
0xe0: {  	v58 =	vmul.f32 v12, v13;
	v57 =	vadd.f32 v11, v56;
	v2 =	vmul.f32 $1.442695020e+00, v2  }
0xe1: {  	(erf) = vpow2.f32 v4;
	v6 =	vmul.f32 $1.442695020e+00, v6  }
0xe2: {  	v7 =	vmul.f32 $1.442695020e+00, v58;
	v11 =	vpop (erf);
	v59 =	vadd.f32 v53, v57;
	(erf) = vpow2.f32 v2  }
0xe3: {  	v2 =	vadd.f32 v3, v8;
	v3 =	vpop (erf);
	(erf) = vpow2.f32 v6  }
0xe4: {  	v60 =	vmul.f32 v59, v14;
	v8 =	vpop (erf);
	(erf) = vpow2.f32 v7  }
0xe5: {  	v61 =	vmul.f32 v2, v13;
	v12 =	vpop (erf)  }
0xe6: {  	v6 =	vmul.f32 $1.442695020e+00, v60;
	v15 =	vpop (erf)  }
0xe7: {  	[tilespmem:s0+$0xFFFFFC30] =	vst v10;
	v7 =	vmul.f32 $1.442695020e+00, v61;
	v63 =	vpop (erf)  }
0xe8: {  	v39 =	vld.idx.msk [tilespmem:v39+s10+$0x0], $0xffff;
	[tilespmem:s24+$0x20] =	vst v3;
	(erf) = vpow2.f32 v6;
	v32 =	vpop (erf)  }
0xe9: {  	v10 =	vld.idx.msk [tilespmem:v33+s10+$0x0], $0xffff;
	[tilespmem:s24+$0x30] =	vst v15;
	(erf) = vpow2.f32 v7;
	v3 =	vpop (erf)  }
0xea: {  	v40 =	vld.idx.msk [tilespmem:v40+s10+$0x0], $0xffff;
	[tilespmem:s1+$0xFFFFFC00] =	vst v32;
	v15 =	vpop (erf)  }
0xeb: {  	v19 =	vld.idx.msk [tilespmem:v45+s10+$0x0], $0xffff;
	v41 =	vpop (erf)  }
0xec: {  	v18 =	vor.u32 v31, v42;
	[tilespmem:s1+$0xFFFFFC10] =	vst v15;
	v20 =	vpop (erf)  }
0xed: {  	[tilespmem:s0+$0x10] =	vst v3;
	v3 =	vmul.f32 v57, v14;
	v21 =	vld.idx.msk [tilespmem:v62+s10+$0x0], $0xffff;
	v15 =	vpop (erf)  }
0xee: {  	v2 =	vadd.f32 v39, v2;
	v4 =	vadd.f32 v10, v59;
	[tilespmem:s0+$0x0] =	vst v15  }
0xef: {  	v3 =	vmul.f32 $1.442695020e+00, v3;
	v42 =	vld.idx.msk [tilespmem:v35+s10+$0x0], $0xffff  }
0xf0: {  	v46 =	vadd.f32 v19, v2;
	v15 =	vadd.f32 v40, v4;
	v4 =	vmul.f32 v4, v14  }
0xf1: {  	v10 =	vld.idx.msk [tilespmem:v18+s10+$0x0], $0xffff;
	v2 =	vmul.f32 v2, v13;
	v45 =	vpop (erf)  }
0xf2: {  	[tilespmem:s1+$0xFFFFFC20] =	vst v41;
	(erf) = vpow2.f32 v3;
	v48 =	vadd.f32 v21, v46;
	v18 =	vpop (erf);
	v4 =	vmul.f32 $1.442695020e+00, v4  }
0xf3: {  	v21 =	vld.idx.msk [tilespmem:v51+s10+$0x0], $0xffff;
	v2 =	vmul.f32 $1.442695020e+00, v2;
	[tilespmem:s0+$0x20] =	vst v18;
	v18 =	vmul.f32 v15, v14  }
0xf4: {  	v49 =	vmul.f32 v48, v13;
	v19 =	vld.idx.msk [tilespmem:v34+s10+$0x0], $0xffff;
	(erf) = vpow2.f32 v4;
	v3 =	vadd.f32 v42, v15  }
0xf5: {  	[tilespmem:s1+$0xFFFFFC30] =	vst v20;
	v50 =	vmul.f32 $1.442695020e+00, v18;
	(erf) = vpow2.f32 v2  }
0xf6: {  	v4 =	vmul.f32 $1.442695020e+00, v49;
	v15 =	vmul.f32 v46, v13;
	v2 =	vadd.f32 v10, v3;
	v10 =	vld.idx.msk [tilespmem:v54+s10+$0x0], $0xffff  }
0xf7: {  	(erf) = vpow2.f32 v50  }
0xf8: {  	v6 =	vadd.f32 v21, v48;
	(erf) = vpow2.f32 v4;
	v52 =	vmul.f32 $1.442695020e+00, v15  }
0xf9: {  	v3 =	vmul.f32 v3, v14;
	v51 =	vadd.f32 v19, v2;
	v2 =	vmul.f32 v2, v14  }
0xfa: {  	v53 =	vmul.f32 v6, v13;
	(erf) = vpow2.f32 v52  }
0xfb: {  	v3 =	vmul.f32 $1.442695020e+00, v3;
	v2 =	vmul.f32 $1.442695020e+00, v2;
	v54 =	vadd.f32 v10, v6  }
0xfc: {  	v55 =	vmul.f32 $1.442695020e+00, v53;
	v15 =	vmul.f32 v51, v14  }
0xfd: {  	(erf) = vpow2.f32 v2;
	v4 =	vmul.f32 v54, v13  }
0xfe: {  	v2 =	vmul.f32 $1.442695020e+00, v15;
	(erf) = vpow2.f32 v55  }
0xff: {  	v10 =	vpop (erf);
	(erf) = vpow2.f32 v3;
	v3 =	vmul.f32 $1.442695020e+00, v4  }
0x100: {  	v56 =	vor.u32 v28, v30  }
0x101: {  	v57 =	vpop (erf);
	(erf) = vpow2.f32 v2  }
0x102: {  	v2 =	vpop (erf);
	(erf) = vpow2.f32 v3  }
0x103: {  	v3 =	vpop (erf)  }
0x104: {  	v13 =	vor.u32 v36, v44;
	[tilespmem:s0+$0x30] =	vst v2;
	v2 =	vpop (erf)  }
0x105: {  	v6 =	vld.idx.msk [tilespmem:v56+s10+$0x0], $0xffff;
	v15 =	vpop (erf)  }
0x106: {  	[tilespmem:s1+$0x0] =	vst v15  }
0x107: {  	v58 =	vpop (erf);
	v15 =	vld.idx.msk [tilespmem:v47+s10+$0x0], $0xffff  }
0x108: {  	v18 =	vor.u32 v38, v37;
	[tilespmem:s1+$0x10] =	vst v2;
	v2 =	vpop (erf)  }
0x109: {  	v13 =	vld.idx.msk [tilespmem:v13+s10+$0x0], $0xffff;
	v19 =	vpop (erf)  }
0x10a: {  	v6 =	vadd.f32 v6, v51;
	[tilespmem:s1+$0x20] =	vst v2;
	v2 =	vpop (erf)  }
0x10b: {  	v59 =	vld.idx.msk [tilespmem:v43+s10+$0x0], $0xffff;
	v20 =	vpop (erf)  }
0x10c: {  	[tilespmem:s1+$0x30] =	vst v20;
	v15 =	vadd.f32 v15, v6  }
0x10d: {  	v18 =	vld.idx.msk [tilespmem:v18+s10+$0x0], $0xffff  }
0x10e: {  	v6 =	vmul.f32 v6, v14;
	v13 =	vadd.f32 v13, v15;
	_ =	sdelay $0x1  }
0x10f: {  	v6 =	vmul.f32 $1.442695020e+00, v6;
	v7 =	vadd.f32 v59, v13  }
0x110: {  	v13 =	vmul.f32 v13, v14  }
0x111: {  	v15 =	vmul.f32 v15, v14;
	(erf) = vpow2.f32 v6;
	v60 =	vadd.f32 v18, v7  }
0x112: {  	[tilespmem:s23+$0x410] =	vst v11;
	v7 =	vmul.f32 v7, v14;
	v11 =	vmul.f32 $1.442695020e+00, v13  }
0x113: {  	[tilespmem:s23+$0x400] =	vst v8;
	v8 =	vmul.f32 $1.442695020e+00, v15;
	v6 =	vmul.f32 v60, v14  }
0x114: {  	[tilespmem:s23+$0x420] =	vst v12;
	(erf) = vpow2.f32 v11;
	v7 =	vmul.f32 $1.442695020e+00, v7  }
0x115: {  	[tilespmem:s23+$0x430] =	vst v63;
	(erf) = vpow2.f32 v8;
	v6 =	vmul.f32 $1.442695020e+00, v6  }
0x116: {  	[tilespmem:s24+$0x410] =	vst v45;
	(erf) = vpow2.f32 v7  }
0x117: {  	[tilespmem:s24+$0x400] =	vst v10;
	(erf) = vpow2.f32 v6  }
0x118: {  	[tilespmem:s24+$0x420] =	vst v57  }
0x119: {  	[tilespmem:s24+$0x430] =	vst v3  }
0x11a: {  	[tilespmem:s0+$0x410] =	vst v58  }
0x11b: {  	[tilespmem:s0+$0x400] =	vst v19  }
0x11c: {  	[tilespmem:s0+$0x420] =	vst v2;
	v2 =	vpop (erf)  }
0x11d: {  	[tilespmem:s0+$0x430] =	vst v2;
	v2 =	vpop (erf)  }
0x11e: {  	[tilespmem:s1+$0x410] =	vst v2;
	v2 =	vpop (erf)  }
0x11f: {  	[tilespmem:s1+$0x400] =	vst v2;
	v2 =	vpop (erf)  }
0x120: {  	[tilespmem:s1+$0x420] =	vst v2;
	v2 =	vpop (erf)  }
0x121: {  	[tilespmem:s1+$0x430] =	vst v2  }
0x122: {  	v2 =	vld [tilespmem:$0x10DF0]  }
0x123: {  	v3 =	vld [tilespmem:$0x111F0]  }
0x124: {  	v4 =	vld [tilespmem:$0x115F0];
	_ =	sdelay $0x2  }
0x125: {  	v2 =	vsub.f32 $1.000000000e+00, v2  }
0x126: {  	v5 =	vld [tilespmem:$0x119F0];
	v3 =	vsub.f32 $1.000000000e+00, v3  }
0x127: {  	v63 =	vld [tilespmem:$0x1FF90];
	v4 =	vsub.f32 $1.000000000e+00, v4;
	v2 =	vadd.f32 $9.999999970e-07, v2  }
0x128: {  	s30 =	sshll.u32 s18, $0x9;
	v3 =	vadd.f32 $9.999999970e-07, v3  }
0x129: {  	s31 =	sand.u32 $0x40, s19;
	s0 =	sand.u32 $0x400, s30;
	(erf) = vrcp.f32 v2;
	v2 =	vadd.f32 $9.999999970e-07, v4  }
0x12a: {  	s1 =	sor.u32 s31, s0;
	(erf) = vrcp.f32 v3  }
0x12b: {  	(erf) = vrcp.f32 v2;
	v2 =	vor.u32 s1, v0  }
0x12c: {  	v5 =	vsub.f32 $1.000000000e+00, v5;
	v20 =	vand.u32 v63, v2;
	v2 =	vld [tilespmem:$0x1FFA0];
	_ =	sdelay $0x1  }
0x12d: {  	s3 =	sand.u32 $0x50, s20;
	v3 =	vadd.f32 $9.999999970e-07, v5  }
0x12e: {  	s3 =	sor.u32 s0, s3  }
0x12f: {  	v48 =	vld [tilespmem:$0x1FF40];
	(erf) = vrcp.f32 v3;
	v3 =	vor.u32 s3, v0  }
0x130: {  	v21 =	vand.u32 v2, v3;
	v2 =	vld [tilespmem:$0x1FFB0]  }
0x131: {  	v23 =	vld [tilespmem:$0x1FF20]  }
0x132: {  	s4 =	sand.u32 $0x60, s21;
	v46 =	vld [tilespmem:$0x1FF10]  }
0x133: {  	s4 =	sor.u32 s0, s4;
	v47 =	vld [tilespmem:$0x1FF00]  }
0x134: {  	v61 =	vor.u32 s4, v0;
	v43 =	vld [tilespmem:$0x1FFD0]  }
0x135: {  	v14 =	vand.u32 v2, v61;
	v2 =	vld [tilespmem:$0x1FFC0]  }
0x136: {  	v44 =	vld [tilespmem:$0x1FFE0]  }
0x137: {  	s9 =	sand.u32 $0x70, s22;
	v29 =	vimm.f32 $0.0e+00;
	v22 =	vimm.s32 $0x1;
	v45 =	vld [tilespmem:$0x1FFF0];
	v25 =	vpop (erf)  }
0x138: {  	v35 =	vimm.f32 $0.0e+00;
	v34 =	vimm.f32 $0.0e+00;
	v36 =	vimm.f32 $0.0e+00;
	s0 =	sor.u32 s0, s9;
	v49 =	vld [tilespmem:$0x1FF30];
	v26 =	vpop (erf)  }
0x139: {  	s19 =	simm.s32 $0x11200;
	v62 =	vor.u32 s0, v0;
	v50 =	vld [tilespmem:$0x1FF60];
	v30 =	vmov v48;
	v39 =	vmov v23;
	v27 =	vpop (erf)  }
0x13a: {  	s20 =	simm.s32 $0x13260;
	s21 =	simm.s32 $0x12220;
	s0 =	simm.s32 $0x0;
	v51 =	vld [tilespmem:$0x1FF50];
	v38 =	vmov v46;
	v40 =	vmov v47;
	v28 =	vpop (erf);
	v13 =	vand.u32 v2, v62  }
.LBB2_9:
0x13b: {  	v2 =	vld [tilespmem:s19+$0xFFFFF800];
	_ =	sdelay $0x4  }
0x13c: {  	v2 =	vsub.f32 $1.000000000e+00, v2;
	_ =	sdelay $0x1  }
0x13d: {  	v4 =	vmul.f32 v2, v25;
	_ =	sdelay $0x1  }
0x13e: {  	v2 =	vadd.f32 $-5.000000070e-02, v4  }
0x13f: {  	v3 =	vsub.f32 v4, v34  }
0x140: {  	v2 =	vmul.f32 $1.411111150e+02, v2  }
0x141: {  	vm0 =	vlt.f32 v3, $9.999999740e-06  }
0x142: {  	v3 =	vsel vm0, $0x3F800000, v3;
	v5 =	vtrunc.f32 v2  }
0x143: {  	(erf) = vrcp.f32 v3;
	v6 =	vcvt.f32.s32 v5;
	vm6 =	vgt.f32 v2, v5  }
0x144: {  	v2 =	vsel vm6, $0x1, v1  }
0x145: {  	v2 =	vadd.s32 v6, v2  }
0x146: {  	vm7 =	vgt.s32 v2, $0x0  }
0x147: {  	v2 =	vnsel vm7, $0x0, v2  }
0x148: {  	v2 =	vmin.u32 v2, $0x80  }
0x149: {  	v3 =	vadd.s32 s0, v2  }
0x14a: {  	s1 =	scvt.s32.f32 s0;
	v55 =	vshll.u32 v3, $0x7;
	v3 =	vshll.u32 v3, $0x8  }
0x14b: {  	v2 =	vshll.u32 v2, $0x4;
	v5 =	vand.u32 $0x380, v55;
	v3 =	vand.u32 $0x1F800, v3  }
0x14c: {  	s1 =	sadd.f32 $5.000000000e-01, s1;
	v2 =	vor.u32 v0, v2;
	v56 =	vpop (erf);
	v3 =	vor.u32 v5, v3  }
0x14d: {  	v5 =	vmul.f32 v56, v49;
	v3 =	vor.u32 v20, v3  }
0x14e: {  	v57 =	vmul.f32 s1, v49  }
0x14f: {  	v7 =	vmul.f32 v5, v34  }
0x150: {  	v6 =	vadd.f32 v57, v47  }
0x151: {  	[tilespmem:v2+s11+$0x0] =	vst.idx.add.s32.msk $0xffff, v22;
	v2 =	vsub.f32 v40, v7  }
0x152: {  	[tilespmem:v3+s12+$0x0] =	vst.idx.msk $0xffff, v6  }
0x153: {  	[tilespmem:s21+$0xFFFFF7E0] =	vst v2  }
0x154: {  	[tilespmem:s20+$0xFFFFF7E0] =	vst v5  }
0x155: {  	v2 =	vld [tilespmem:s19+$0xFFFFFC00];
	_ =	sdelay $0x4  }
0x156: {  	v2 =	vsub.f32 $1.000000000e+00, v2;
	_ =	sdelay $0x1  }
0x157: {  	v58 =	vmul.f32 v2, v26;
	_ =	sdelay $0x1  }
0x158: {  	v2 =	vadd.f32 $-5.000000070e-02, v58  }
0x159: {  	v3 =	vsub.f32 v58, v36  }
0x15a: {  	v2 =	vmul.f32 $1.411111150e+02, v2  }
0x15b: {  	vm8 =	vlt.f32 v3, $9.999999740e-06  }
0x15c: {  	v3 =	vsel vm8, $0x3F800000, v3;
	v59 =	vtrunc.f32 v2  }
0x15d: {  	(erf) = vrcp.f32 v3;
	v8 =	vcvt.f32.s32 v59;
	vm9 =	vgt.f32 v2, v59  }
0x15e: {  	v2 =	vsel vm9, $0x1, v1  }
0x15f: {  	v2 =	vadd.s32 v8, v2  }
0x160: {  	vm10 =	vgt.s32 v2, $0x0  }
0x161: {  	v2 =	vnsel vm10, $0x0, v2  }
0x162: {  	v2 =	vmin.u32 v2, $0x80  }
0x163: {  	v3 =	vshll.u32 v2, $0x4;
	v2 =	vadd.s32 s0, v2  }
0x164: {  	v3 =	vadd.s32 v43, v3;
	v60 =	vshll.u32 v2, $0x7;
	v2 =	vshll.u32 v2, $0x8  }
0x165: {  	v3 =	vand.u32 $0x1FF8, v3;
	v7 =	vand.u32 $0x380, v60;
	v2 =	vand.u32 $0x1F800, v2  }
0x166: {  	v61 =	vpop (erf);
	v3 =	vor.u32 v9, v3;
	v2 =	vor.u32 v7, v2  }
0x167: {  	v7 =	vmul.f32 v61, v51;
	v2 =	vor.u32 v21, v2  }
0x168: {  	v8 =	vmul.f32 s1, v51  }
0x169: {  	v10 =	vmul.f32 v7, v36  }
0x16a: {  	v8 =	vadd.f32 v8, v46  }
0x16b: {  	[tilespmem:v3+s11+$0x0] =	vst.idx.add.s32.msk $0xffff, v22;
	v3 =	vsub.f32 v38, v10  }
0x16c: {  	[tilespmem:v2+s12+$0x0] =	vst.idx.msk $0xffff, v8  }
0x16d: {  	[tilespmem:s21+$0xFFFFFBF0] =	vst v3  }
0x16e: {  	[tilespmem:s20+$0xFFFFFBF0] =	vst v7  }
0x16f: {  	v2 =	vld [tilespmem:s19+$0x0];
	_ =	sdelay $0x4  }
0x170: {  	v2 =	vsub.f32 $1.000000000e+00, v2;
	_ =	sdelay $0x1  }
0x171: {  	v33 =	vmul.f32 v2, v27;
	_ =	sdelay $0x1  }
0x172: {  	v2 =	vadd.f32 $-5.000000070e-02, v33  }
0x173: {  	v3 =	vsub.f32 v33, v35  }
0x174: {  	v2 =	vmul.f32 $1.411111150e+02, v2  }
0x175: {  	vm11 =	vlt.f32 v3, $9.999999740e-06  }
0x176: {  	v3 =	vsel vm11, $0x3F800000, v3;
	v62 =	vtrunc.f32 v2  }
0x177: {  	(erf) = vrcp.f32 v3;
	v10 =	vcvt.f32.s32 v62;
	vm12 =	vgt.f32 v2, v62  }
0x178: {  	v2 =	vsel vm12, $0x1, v1  }
0x179: {  	v2 =	vadd.s32 v10, v2  }
0x17a: {  	vm13 =	vgt.s32 v2, $0x0  }
0x17b: {  	v2 =	vnsel vm13, $0x0, v2  }
0x17c: {  	v2 =	vmin.u32 v2, $0x80  }
0x17d: {  	v3 =	vshll.u32 v2, $0x4;
	v2 =	vadd.s32 s0, v2  }
0x17e: {  	v3 =	vadd.s32 v44, v3;
	v63 =	vshll.u32 v2, $0x7;
	v2 =	vshll.u32 v2, $0x8  }
0x17f: {  	v3 =	vand.u32 $0x3FF8, v3;
	v7 =	vand.u32 $0x380, v63;
	v2 =	vand.u32 $0x1F800, v2  }
0x180: {  	v16 =	vpop (erf);
	v3 =	vor.u32 v9, v3;
	v2 =	vor.u32 v7, v2  }
0x181: {  	v7 =	vmul.f32 v16, v50;
	v2 =	vor.u32 v14, v2  }
0x182: {  	v10 =	vmul.f32 s1, v50  }
0x183: {  	v11 =	vmul.f32 v7, v35  }
0x184: {  	v10 =	vadd.f32 v10, v23  }
0x185: {  	[tilespmem:v3+s11+$0x0] =	vst.idx.add.s32.msk $0xffff, v22;
	v3 =	vsub.f32 v39, v11  }
0x186: {  	[tilespmem:v2+s12+$0x0] =	vst.idx.msk $0xffff, v10  }
0x187: {  	[tilespmem:s21+$0x0] =	vst v3  }
0x188: {  	v3 =	vld [tilespmem:s19+$0xFFFFF810];
	[tilespmem:s20+$0x0] =	vst v7  }
0x189: {  	v2 =	vld [tilespmem:s19+$0x400];
	_ =	sdelay $0x4  }
0x18a: {  	v3 =	vsub.f32 $1.000000000e+00, v3;
	v2 =	vsub.f32 $1.000000000e+00, v2;
	_ =	sdelay $0x1  }
0x18b: {  	v3 =	vmul.f32 v3, v25;
	v31 =	vmul.f32 v2, v28;
	_ =	sdelay $0x1  }
0x18c: {  	v17 =	vadd.f32 $-5.000000070e-02, v3;
	v2 =	vsub.f32 v31, v29;
	_ =	sdelay $0x1  }
0x18d: {  	v7 =	vmul.f32 $1.411111150e+02, v17;
	vm14 =	vlt.f32 v2, $9.999999740e-06  }
0x18e: {  	v11 =	vsub.f32 v3, v4;
	v2 =	vsel vm14, $0x3F800000, v2  }
0x18f: {  	(erf) = vrcp.f32 v2;
	v2 =	vtrunc.f32 v7  }
0x190: {  	vm15 =	vlt.f32 v11, $9.999999740e-06;
	v12 =	vcvt.f32.s32 v2;
	vm4 =	vgt.f32 v7, v2  }
0x191: {  	v11 =	vsel vm15, $0x3F800000, v11;
	v2 =	vsel vm4, $0x1, v1  }
0x192: {  	(erf) = vrcp.f32 v11;
	v2 =	vadd.s32 v12, v2  }
0x193: {  	vm5 =	vgt.s32 v2, $0x0  }
0x194: {  	v2 =	vnsel vm5, $0x0, v2  }
0x195: {  	s3 =	sadd.s32 $0x1, s0;
	v2 =	vmin.u32 v2, $0x80  }
0x196: {  	v32 =	vadd.s32 s3, v2  }
0x197: {  	v11 =	vshll.u32 v32, $0x7  }
0x198: {  	v11 =	vand.u32 $0x380, v11  }
0x199: {  	s4 =	scvt.s32.f32 s3;
	v7 =	vshll.u32 v32, $0x8  }
0x19a: {  	v2 =	vshll.u32 v2, $0x4;
	v7 =	vand.u32 $0x1F800, v7;
	v32 =	vpop (erf)  }
0x19b: {  	s9 =	sadd.f32 $5.000000000e-01, s4;
	v2 =	vor.u32 v0, v2;
	v7 =	vor.u32 v11, v7;
	v11 =	vpop (erf)  }
0x19c: {  	v7 =	vor.u32 v20, v7;
	v11 =	vmul.f32 v11, v49  }
0x19d: {  	v12 =	vmul.f32 s9, v49  }
0x19e: {  	v4 =	vmul.f32 v11, v4  }
0x19f: {  	v12 =	vadd.f32 v12, v47  }
0x1a0: {  	[tilespmem:v2+s11+$0x0] =	vst.idx.add.s32.msk $0xffff, v22;
	v2 =	vsub.f32 v6, v4  }
0x1a1: {  	[tilespmem:v7+s12+$0x0] =	vst.idx.msk $0xffff, v12  }
0x1a2: {  	[tilespmem:s21+$0xFFFFF7F0] =	vst v2  }
0x1a3: {  	[tilespmem:s20+$0xFFFFF7F0] =	vst v11  }
0x1a4: {  	v2 =	vld [tilespmem:s19+$0xFFFFFC10];
	_ =	sdelay $0x4  }
0x1a5: {  	v2 =	vsub.f32 $1.000000000e+00, v2;
	_ =	sdelay $0x1  }
0x1a6: {  	v4 =	vmul.f32 v2, v26;
	_ =	sdelay $0x1  }
0x1a7: {  	v2 =	vadd.f32 $-5.000000070e-02, v4  }
0x1a8: {  	v34 =	vsub.f32 v4, v58  }
0x1a9: {  	v2 =	vmul.f32 $1.411111150e+02, v2  }
0x1aa: {  	vm6 =	vlt.f32 v34, $9.999999740e-06  }
0x1ab: {  	v6 =	vsel vm6, $0x3F800000, v34;
	v35 =	vtrunc.f32 v2  }
0x1ac: {  	(erf) = vrcp.f32 v6;
	v11 =	vcvt.f32.s32 v35;
	vm7 =	vgt.f32 v2, v35  }
0x1ad: {  	v2 =	vsel vm7, $0x1, v1  }
0x1ae: {  	v2 =	vadd.s32 v11, v2  }
0x1af: {  	vm8 =	vgt.s32 v2, $0x0  }
0x1b0: {  	v2 =	vnsel vm8, $0x0, v2  }
0x1b1: {  	v2 =	vmin.u32 v2, $0x80  }
0x1b2: {  	v36 =	vshll.u32 v2, $0x4;
	v2 =	vadd.s32 s3, v2  }
0x1b3: {  	v6 =	vadd.s32 v43, v36;
	v37 =	vshll.u32 v2, $0x7;
	v2 =	vshll.u32 v2, $0x8  }
0x1b4: {  	v6 =	vand.u32 $0x1FF8, v6;
	v7 =	vand.u32 $0x380, v37;
	v2 =	vand.u32 $0x1F800, v2  }
0x1b5: {  	v38 =	vpop (erf);
	v6 =	vor.u32 v9, v6;
	v2 =	vor.u32 v7, v2  }
0x1b6: {  	v7 =	vmul.f32 v38, v51;
	v2 =	vor.u32 v21, v2  }
0x1b7: {  	v11 =	vmul.f32 s9, v51  }
0x1b8: {  	v5 =	vmul.f32 v7, v58  }
0x1b9: {  	v11 =	vadd.f32 v11, v46  }
0x1ba: {  	v5 =	vsub.f32 v8, v5;
	[tilespmem:v6+s11+$0x0] =	vst.idx.add.s32.msk $0xffff, v22  }
0x1bb: {  	[tilespmem:v2+s12+$0x0] =	vst.idx.msk $0xffff, v11  }
0x1bc: {  	[tilespmem:s21+$0xFFFFFC00] =	vst v5  }
0x1bd: {  	[tilespmem:s20+$0xFFFFFC00] =	vst v7  }
0x1be: {  	v2 =	vld [tilespmem:s19+$0x10];
	_ =	sdelay $0x4  }
0x1bf: {  	v2 =	vsub.f32 $1.000000000e+00, v2;
	_ =	sdelay $0x1  }
0x1c0: {  	v5 =	vmul.f32 v2, v27;
	_ =	sdelay $0x1  }
0x1c1: {  	v2 =	vadd.f32 $-5.000000070e-02, v5  }
0x1c2: {  	v39 =	vsub.f32 v5, v33  }
0x1c3: {  	v2 =	vmul.f32 $1.411111150e+02, v2  }
0x1c4: {  	vm9 =	vlt.f32 v39, $9.999999740e-06  }
0x1c5: {  	v6 =	vsel vm9, $0x3F800000, v39;
	v40 =	vtrunc.f32 v2  }
0x1c6: {  	(erf) = vrcp.f32 v6;
	v8 =	vcvt.f32.s32 v40;
	vm10 =	vgt.f32 v2, v40  }
0x1c7: {  	v2 =	vsel vm10, $0x1, v1  }
0x1c8: {  	v2 =	vadd.s32 v8, v2  }
0x1c9: {  	vm11 =	vgt.s32 v2, $0x0  }
0x1ca: {  	v2 =	vnsel vm11, $0x0, v2  }
0x1cb: {  	v2 =	vmin.u32 v2, $0x80  }
0x1cc: {  	v41 =	vshll.u32 v2, $0x4;
	v2 =	vadd.s32 s3, v2  }
0x1cd: {  	v6 =	vadd.s32 v44, v41;
	v42 =	vshll.u32 v2, $0x7;
	v2 =	vshll.u32 v2, $0x8  }
0x1ce: {  	v6 =	vand.u32 $0x3FF8, v6;
	v7 =	vand.u32 $0x380, v42;
	v2 =	vand.u32 $0x1F800, v2  }
0x1cf: {  	v52 =	vpop (erf);
	v6 =	vor.u32 v9, v6;
	v2 =	vor.u32 v7, v2  }
0x1d0: {  	v7 =	vmul.f32 v52, v50;
	v2 =	vor.u32 v14, v2  }
0x1d1: {  	v8 =	vmul.f32 s9, v50  }
0x1d2: {  	v15 =	vmul.f32 v7, v33  }
0x1d3: {  	v8 =	vadd.f32 v8, v23  }
0x1d4: {  	v53 =	vsub.f32 v10, v15;
	[tilespmem:v6+s11+$0x0] =	vst.idx.add.s32.msk $0xffff, v22  }
0x1d5: {  	[tilespmem:v2+s12+$0x0] =	vst.idx.msk $0xffff, v8  }
0x1d6: {  	[tilespmem:s21+$0x10] =	vst v53  }
0x1d7: {  	v54 =	vld [tilespmem:s19+$0xFFFFF820];
	[tilespmem:s20+$0x10] =	vst v7  }
0x1d8: {  	v2 =	vld [tilespmem:s19+$0x410];
	_ =	sdelay $0x4  }
0x1d9: {  	v6 =	vsub.f32 $1.000000000e+00, v54;
	v2 =	vsub.f32 $1.000000000e+00, v2;
	_ =	sdelay $0x1  }
0x1da: {  	v35 =	vmul.f32 v6, v25;
	v33 =	vmul.f32 v2, v28;
	_ =	sdelay $0x1  }
0x1db: {  	v6 =	vadd.f32 $-5.000000070e-02, v35;
	v2 =	vsub.f32 v33, v31  }
0x1dc: {  	v55 =	vsub.f32 v35, v3  }
0x1dd: {  	v6 =	vmul.f32 $1.411111150e+02, v6;
	vm12 =	vlt.f32 v2, $9.999999740e-06  }
0x1de: {  	vm13 =	vlt.f32 v55, $9.999999740e-06;
	v2 =	vsel vm12, $0x3F800000, v2  }
0x1df: {  	v7 =	vsel vm13, $0x3F800000, v55;
	(erf) = vrcp.f32 v2;
	v2 =	vtrunc.f32 v6  }
0x1e0: {  	v10 =	vcvt.f32.s32 v2;
	vm14 =	vgt.f32 v6, v2;
	(erf) = vrcp.f32 v7  }
0x1e1: {  	v2 =	vsel vm14, $0x1, v1  }
0x1e2: {  	v2 =	vadd.s32 v10, v2  }
0x1e3: {  	vm15 =	vgt.s32 v2, $0x0  }
0x1e4: {  	v2 =	vnsel vm15, $0x0, v2  }
0x1e5: {  	s31 =	sadd.s32 $0x2, s0;
	v2 =	vmin.u32 v2, $0x80  }
0x1e6: {  	v56 =	vadd.s32 s31, v2  }
0x1e7: {  	s15 =	scvt.s32.f32 s31;
	v57 =	vshll.u32 v56, $0x7;
	v6 =	vshll.u32 v56, $0x8  }
0x1e8: {  	v2 =	vshll.u32 v2, $0x4;
	v37 =	vpop (erf);
	v7 =	vand.u32 $0x380, v57;
	v6 =	vand.u32 $0x1F800, v6  }
0x1e9: {  	s15 =	sadd.f32 $5.000000000e-01, s15;
	v2 =	vor.u32 v0, v2;
	v6 =	vor.u32 v7, v6;
	v58 =	vpop (erf)  }
0x1ea: {  	v6 =	vor.u32 v20, v6;
	v7 =	vmul.f32 v58, v49  }
0x1eb: {  	v10 =	vmul.f32 s15, v49  }
0x1ec: {  	v3 =	vmul.f32 v7, v3  }
0x1ed: {  	v10 =	vadd.f32 v10, v47  }
0x1ee: {  	[tilespmem:v2+s11+$0x0] =	vst.idx.add.s32.msk $0xffff, v22;
	v2 =	vsub.f32 v12, v3  }
0x1ef: {  	[tilespmem:v6+s12+$0x0] =	vst.idx.msk $0xffff, v10  }
0x1f0: {  	[tilespmem:s21+$0xFFFFF800] =	vst v2  }
0x1f1: {  	[tilespmem:s20+$0xFFFFF800] =	vst v7  }
0x1f2: {  	v2 =	vld [tilespmem:s19+$0xFFFFFC20];
	_ =	sdelay $0x4  }
0x1f3: {  	v2 =	vsub.f32 $1.000000000e+00, v2;
	_ =	sdelay $0x1  }
0x1f4: {  	v3 =	vmul.f32 v2, v26;
	_ =	sdelay $0x1  }
0x1f5: {  	v2 =	vadd.f32 $-5.000000070e-02, v3  }
0x1f6: {  	v59 =	vsub.f32 v3, v4  }
0x1f7: {  	v2 =	vmul.f32 $1.411111150e+02, v2  }
0x1f8: {  	vm4 =	vlt.f32 v59, $9.999999740e-06  }
0x1f9: {  	v6 =	vsel vm4, $0x3F800000, v59;
	v60 =	vtrunc.f32 v2  }
0x1fa: {  	(erf) = vrcp.f32 v6;
	v12 =	vcvt.f32.s32 v60;
	vm5 =	vgt.f32 v2, v60  }
0x1fb: {  	v2 =	vsel vm5, $0x1, v1  }
0x1fc: {  	v2 =	vadd.s32 v12, v2  }
0x1fd: {  	vm6 =	vgt.s32 v2, $0x0  }
0x1fe: {  	v2 =	vnsel vm6, $0x0, v2  }
0x1ff: {  	v2 =	vmin.u32 v2, $0x80  }
0x200: {  	v61 =	vshll.u32 v2, $0x4;
	v2 =	vadd.s32 s31, v2  }
0x201: {  	v6 =	vadd.s32 v43, v61;
	v62 =	vshll.u32 v2, $0x7;
	v2 =	vshll.u32 v2, $0x8  }
0x202: {  	v6 =	vand.u32 $0x1FF8, v6;
	v7 =	vand.u32 $0x380, v62;
	v2 =	vand.u32 $0x1F800, v2  }
0x203: {  	v63 =	vpop (erf);
	v6 =	vor.u32 v9, v6;
	v2 =	vor.u32 v7, v2  }
0x204: {  	v7 =	vmul.f32 v63, v51;
	v2 =	vor.u32 v21, v2  }
0x205: {  	v12 =	vmul.f32 s15, v51  }
0x206: {  	v4 =	vmul.f32 v7, v4  }
0x207: {  	v12 =	vadd.f32 v12, v46  }
0x208: {  	v4 =	vsub.f32 v11, v4;
	[tilespmem:v6+s11+$0x0] =	vst.idx.add.s32.msk $0xffff, v22  }
0x209: {  	[tilespmem:v2+s12+$0x0] =	vst.idx.msk $0xffff, v12  }
0x20a: {  	[tilespmem:s21+$0xFFFFFC10] =	vst v4  }
0x20b: {  	[tilespmem:s20+$0xFFFFFC10] =	vst v7  }
0x20c: {  	v2 =	vld [tilespmem:s19+$0x20];
	_ =	sdelay $0x4  }
0x20d: {  	v2 =	vsub.f32 $1.000000000e+00, v2;
	_ =	sdelay $0x1  }
0x20e: {  	v39 =	vmul.f32 v2, v27;
	_ =	sdelay $0x1  }
0x20f: {  	v2 =	vadd.f32 $-5.000000070e-02, v39  }
0x210: {  	v16 =	vsub.f32 v39, v5  }
0x211: {  	v2 =	vmul.f32 $1.411111150e+02, v2  }
0x212: {  	vm7 =	vlt.f32 v16, $9.999999740e-06  }
0x213: {  	v4 =	vsel vm7, $0x3F800000, v16;
	v17 =	vtrunc.f32 v2  }
0x214: {  	(erf) = vrcp.f32 v4;
	v34 =	vcvt.f32.s32 v17;
	vm8 =	vgt.f32 v2, v17  }
0x215: {  	v2 =	vsel vm8, $0x1, v1  }
0x216: {  	v2 =	vadd.s32 v34, v2  }
0x217: {  	vm9 =	vgt.s32 v2, $0x0  }
0x218: {  	v2 =	vnsel vm9, $0x0, v2  }
0x219: {  	v2 =	vmin.u32 v2, $0x80  }
0x21a: {  	v36 =	vshll.u32 v2, $0x4;
	v2 =	vadd.s32 s31, v2  }
0x21b: {  	v4 =	vadd.s32 v44, v36;
	v38 =	vshll.u32 v2, $0x7;
	v2 =	vshll.u32 v2, $0x8  }
0x21c: {  	v4 =	vand.u32 $0x3FF8, v4;
	v6 =	vand.u32 $0x380, v38;
	v2 =	vand.u32 $0x1F800, v2  }
0x21d: {  	v40 =	vpop (erf);
	v4 =	vor.u32 v9, v4;
	v2 =	vor.u32 v6, v2  }
0x21e: {  	v6 =	vmul.f32 v40, v50;
	v41 =	vor.u32 v14, v2  }
0x21f: {  	v2 =	vmul.f32 s15, v50  }
0x220: {  	v5 =	vmul.f32 v6, v5  }
0x221: {  	v2 =	vadd.f32 v2, v23  }
0x222: {  	v42 =	vsub.f32 v8, v5;
	[tilespmem:v4+s11+$0x0] =	vst.idx.add.s32.msk $0xffff, v22  }
0x223: {  	[tilespmem:v41+s12+$0x0] =	vst.idx.msk $0xffff, v2  }
0x224: {  	[tilespmem:s21+$0x20] =	vst v42  }
0x225: {  	v52 =	vld [tilespmem:s19+$0xFFFFF830];
	[tilespmem:s20+$0x20] =	vst v6  }
0x226: {  	v4 =	vld [tilespmem:s19+$0x420];
	_ =	sdelay $0x4  }
0x227: {  	v5 =	vsub.f32 $1.000000000e+00, v52;
	v4 =	vsub.f32 $1.000000000e+00, v4;
	_ =	sdelay $0x1  }
0x228: {  	v34 =	vmul.f32 v5, v25;
	v41 =	vmul.f32 v4, v28;
	_ =	sdelay $0x1  }
0x229: {  	v5 =	vadd.f32 $-5.000000070e-02, v34;
	v4 =	vsub.f32 v41, v33  }
0x22a: {  	v53 =	vsub.f32 v34, v35  }
0x22b: {  	v5 =	vmul.f32 $1.411111150e+02, v5;
	vm10 =	vlt.f32 v4, $9.999999740e-06  }
0x22c: {  	vm11 =	vlt.f32 v53, $9.999999740e-06;
	v4 =	vsel vm10, $0x3F800000, v4  }
0x22d: {  	v6 =	vsel vm11, $0x3F800000, v53;
	v54 =	vtrunc.f32 v5;
	(erf) = vrcp.f32 v4  }
0x22e: {  	v55 =	vcvt.f32.s32 v54;
	vm12 =	vgt.f32 v5, v54;
	(erf) = vrcp.f32 v6  }
0x22f: {  	v4 =	vsel vm12, $0x1, v1  }
0x230: {  	v4 =	vadd.s32 v55, v4  }
0x231: {  	vm13 =	vgt.s32 v4, $0x0  }
0x232: {  	v4 =	vnsel vm13, $0x0, v4  }
0x233: {  	s22 =	sadd.s32 $0x3, s0;
	v4 =	vmin.u32 v4, $0x80  }
0x234: {  	v56 =	vadd.s32 s22, v4  }
0x235: {  	s16 =	scvt.s32.f32 s22;
	v57 =	vshll.u32 v56, $0x7;
	v5 =	vshll.u32 v56, $0x8  }
0x236: {  	v4 =	vshll.u32 v4, $0x4;
	v6 =	vand.u32 $0x380, v57;
	v5 =	vand.u32 $0x1F800, v5;
	v42 =	vpop (erf)  }
0x237: {  	s16 =	sadd.f32 $5.000000000e-01, s16;
	v4 =	vor.u32 v0, v4;
	v5 =	vor.u32 v6, v5;
	v58 =	vpop (erf)  }
0x238: {  	v5 =	vor.u32 v20, v5;
	v6 =	vmul.f32 v58, v49  }
0x239: {  	v59 =	vmul.f32 s16, v49  }
0x23a: {  	v8 =	vmul.f32 v6, v35  }
0x23b: {  	v40 =	vadd.f32 v59, v47  }
0x23c: {  	[tilespmem:v4+s11+$0x0] =	vst.idx.add.s32.msk $0xffff, v22;
	v60 =	vsub.f32 v10, v8  }
0x23d: {  	[tilespmem:v5+s12+$0x0] =	vst.idx.msk $0xffff, v40  }
0x23e: {  	[tilespmem:s21+$0xFFFFF810] =	vst v60  }
0x23f: {  	[tilespmem:s20+$0xFFFFF810] =	vst v6  }
0x240: {  	v4 =	vld [tilespmem:s19+$0xFFFFFC30];
	_ =	sdelay $0x4  }
0x241: {  	v4 =	vsub.f32 $1.000000000e+00, v4;
	_ =	sdelay $0x1  }
0x242: {  	v36 =	vmul.f32 v4, v26;
	_ =	sdelay $0x1  }
0x243: {  	v4 =	vadd.f32 $-5.000000070e-02, v36  }
0x244: {  	v61 =	vsub.f32 v36, v3  }
0x245: {  	v4 =	vmul.f32 $1.411111150e+02, v4  }
0x246: {  	vm14 =	vlt.f32 v61, $9.999999740e-06  }
0x247: {  	v5 =	vsel vm14, $0x3F800000, v61;
	v62 =	vtrunc.f32 v4  }
0x248: {  	(erf) = vrcp.f32 v5;
	v63 =	vcvt.f32.s32 v62;
	vm15 =	vgt.f32 v4, v62  }
0x249: {  	v4 =	vsel vm15, $0x1, v1  }
0x24a: {  	v4 =	vadd.s32 v63, v4  }
0x24b: {  	vm4 =	vgt.s32 v4, $0x0  }
0x24c: {  	v4 =	vnsel vm4, $0x0, v4  }
0x24d: {  	v4 =	vmin.u32 v4, $0x80  }
0x24e: {  	v16 =	vshll.u32 v4, $0x4;
	v4 =	vadd.s32 s22, v4  }
0x24f: {  	v5 =	vadd.s32 v43, v16;
	v17 =	vshll.u32 v4, $0x7;
	v4 =	vshll.u32 v4, $0x8  }
0x250: {  	v5 =	vand.u32 $0x1FF8, v5;
	v6 =	vand.u32 $0x380, v17;
	v4 =	vand.u32 $0x1F800, v4  }
0x251: {  	v35 =	vpop (erf);
	v5 =	vor.u32 v9, v5;
	v4 =	vor.u32 v6, v4  }
0x252: {  	v6 =	vmul.f32 v35, v51;
	v4 =	vor.u32 v21, v4  }
0x253: {  	v38 =	vmul.f32 s16, v51  }
0x254: {  	v3 =	vmul.f32 v6, v3  }
0x255: {  	v38 =	vadd.f32 v38, v46  }
0x256: {  	v3 =	vsub.f32 v12, v3;
	[tilespmem:v5+s11+$0x0] =	vst.idx.add.s32.msk $0xffff, v22  }
0x257: {  	[tilespmem:v4+s12+$0x0] =	vst.idx.msk $0xffff, v38  }
0x258: {  	[tilespmem:s21+$0xFFFFFC20] =	vst v3  }
0x259: {  	[tilespmem:s20+$0xFFFFFC20] =	vst v6  }
0x25a: {  	v3 =	vld [tilespmem:s19+$0x30];
	_ =	sdelay $0x4  }
0x25b: {  	v3 =	vsub.f32 $1.000000000e+00, v3;
	_ =	sdelay $0x1  }
0x25c: {  	v35 =	vmul.f32 v3, v27;
	_ =	sdelay $0x1  }
0x25d: {  	v3 =	vadd.f32 $-5.000000070e-02, v35;
	_ =	sdelay $0x1  }
0x25e: {  	v3 =	vmul.f32 $1.411111150e+02, v3  }
0x25f: {  	v52 =	vsub.f32 v35, v39  }
0x260: {  	v53 =	vtrunc.f32 v3  }
0x261: {  	vm5 =	vlt.f32 v52, $9.999999740e-06;
	v54 =	vcvt.f32.s32 v53;
	vm6 =	vgt.f32 v3, v53  }
0x262: {  	v4 =	vsel vm5, $0x3F800000, v52;
	v3 =	vsel vm6, $0x1, v1  }
0x263: {  	(erf) = vrcp.f32 v4;
	v3 =	vadd.s32 v54, v3  }
0x264: {  	vm7 =	vgt.s32 v3, $0x0  }
0x265: {  	v18 =	vmul.f32 v37, v24;
	v3 =	vnsel vm7, $0x0, v3  }
0x266: {  	v15 =	vmul.f32 s16, v50;
	v11 =	vadd.f32 $-5.000000070e-02, v41;
	v3 =	vmin.u32 v3, $0x80  }
0x267: {  	v19 =	vmul.f32 v18, v31;
	v8 =	vshll.u32 v3, $0x4;
	v3 =	vadd.s32 s22, v3  }
0x268: {  	v11 =	vmul.f32 $1.411111150e+02, v11;
	v57 =	vadd.f32 $-5.000000070e-02, v33;
	v10 =	vshll.u32 v3, $0x7  }
0x269: {  	v55 =	vadd.f32 $-5.000000070e-02, v31;
	v8 =	vadd.s32 v44, v8;
	v10 =	vand.u32 $0x380, v10  }
0x26a: {  	v7 =	vmul.f32 $1.411111150e+02, v57;
	v3 =	vshll.u32 v3, $0x8;
	v8 =	vand.u32 $0x3FF8, v8  }
0x26b: {  	v56 =	vmul.f32 s1, v24;
	v3 =	vand.u32 $0x1F800, v3;
	v8 =	vor.u32 v9, v8  }
0x26c: {  	v12 =	vtrunc.f32 v7;
	v6 =	vmul.f32 s9, v24;
	v3 =	vor.u32 v10, v3;
	v10 =	vpop (erf)  }
0x26d: {  	v4 =	vmul.f32 $1.411111150e+02, v55;
	v10 =	vmul.f32 v10, v50  }
0x26e: {  	vm8 =	vgt.f32 v7, v12;
	v5 =	vadd.f32 v56, v48;
	v3 =	vor.u32 v14, v3  }
0x26f: {  	v6 =	vadd.f32 v6, v48;
	v58 =	vtrunc.f32 v4;
	v16 =	vmul.f32 v10, v39  }
0x270: {  	vm10 =	vgt.f32 v4, v58;
	[tilespmem:v8+s11+$0x0] =	vst.idx.add.s32.msk $0xffff, v22;
	v8 =	vcvt.f32.s32 v12;
	v12 =	vtrunc.f32 v11  }
0x271: {  	v39 =	vadd.f32 v15, v23;
	v15 =	vsel vm8, $0x1, v1;
	vm9 =	vgt.f32 v11, v12  }
0x272: {  	v11 =	vcvt.f32.s32 v12;
	v2 =	vsub.f32 v2, v16;
	v8 =	vadd.s32 v8, v15  }
0x273: {  	[tilespmem:v3+s12+$0x0] =	vst.idx.msk $0xffff, v39;
	v3 =	vcvt.f32.s32 v58;
	v12 =	vsel vm9, $0x1, v1;
	vm1 =	vgt.s32 v8, $0x0  }
0x274: {  	v4 =	vsel vm10, $0x1, v1;
	[tilespmem:s21+$0x30] =	vst v2;
	v2 =	vadd.s32 v11, v12;
	v59 =	vnsel vm1, $0x0, v8  }
0x275: {  	v3 =	vadd.s32 v3, v4;
	v12 =	vmul.f32 v32, v24;
	[tilespmem:s20+$0x30] =	vst v10;
	vm11 =	vgt.s32 v2, $0x0  }
0x276: {  	v60 =	vmin.u32 v59, $0x80;
	vm12 =	vgt.s32 v3, $0x0;
	v8 =	vld [tilespmem:s19+$0x430];
	v2 =	vnsel vm11, $0x0, v2  }
0x277: {  	v7 =	vadd.s32 s3, v60;
	v3 =	vnsel vm12, $0x0, v3;
	v17 =	vmul.f32 v12, v29  }
0x278: {  	v4 =	vshll.u32 v60, $0x4;
	v2 =	vmin.u32 v2, $0x80;
	v3 =	vmin.u32 v3, $0x80  }
0x279: {  	v62 =	vshll.u32 v7, $0x7;
	v7 =	vshll.u32 v7, $0x8;
	v4 =	vadd.s32 v45, v4  }
0x27a: {  	v11 =	vadd.s32 s31, v2;
	v15 =	vshll.u32 v3, $0x4;
	v3 =	vadd.s32 s0, v3  }
0x27b: {  	v7 =	vand.u32 $0x1F800, v7;
	v4 =	vand.u32 $0x3FF8, v4;
	v8 =	vsub.f32 $1.000000000e+00, v8  }
0x27c: {  	v2 =	vshll.u32 v2, $0x4;
	v61 =	vshll.u32 v3, $0x7;
	v3 =	vshll.u32 v3, $0x8  }
0x27d: {  	v4 =	vor.u32 v9, v4;
	v2 =	vadd.s32 v45, v2;
	v29 =	vmul.f32 v8, v28  }
0x27e: {  	v16 =	vand.u32 $0x380, v61;
	v3 =	vand.u32 $0x1F800, v3;
	v2 =	vand.u32 $0x3FF8, v2  }
0x27f: {  	v3 =	vor.u32 v16, v3;
	v8 =	vadd.s32 v45, v15;
	v52 =	vadd.f32 $-5.000000070e-02, v29  }
0x280: {  	v16 =	vand.u32 $0x380, v62;
	v8 =	vand.u32 $0x3FF8, v8;
	v63 =	vsub.f32 v29, v41  }
0x281: {  	v15 =	vsub.f32 v30, v17;
	v8 =	vor.u32 v9, v8;
	v17 =	vmul.f32 $1.411111150e+02, v52  }
0x282: {  	v2 =	vor.u32 v9, v2;
	v3 =	vor.u32 v13, v3;
	vm13 =	vlt.f32 v63, $9.999999740e-06  }
0x283: {  	v7 =	vor.u32 v16, v7;
	v32 =	vsel vm13, $0x3F800000, v63;
	v53 =	vtrunc.f32 v17  }
0x284: {  	(erf) = vrcp.f32 v32;
	vm14 =	vgt.f32 v17, v53;
	v16 =	vcvt.f32.s32 v53  }
0x285: {  	v54 =	vsub.f32 v5, v19;
	v7 =	vor.u32 v13, v7;
	v19 =	vsel vm14, $0x1, v1  }
0x286: {  	v55 =	vshll.u32 v11, $0x7;
	v11 =	vshll.u32 v11, $0x8;
	[tilespmem:v8+s11+$0x0] =	vst.idx.add.s32.msk $0xffff, v22;
	v8 =	vadd.s32 v16, v19  }
0x287: {  	v56 =	vand.u32 $0x1F800, v11;
	[tilespmem:v3+s12+$0x0] =	vst.idx.msk $0xffff, v5;
	v3 =	vand.u32 $0x380, v55;
	vm15 =	vgt.s32 v8, $0x0  }
0x288: {  	[tilespmem:v4+s11+$0x0] =	vst.idx.add.s32.msk $0xffff, v22;
	v3 =	vor.u32 v3, v56;
	v57 =	vnsel vm15, $0x0, v8;
	v8 =	vmul.f32 v42, v24  }
0x289: {  	v10 =	vmul.f32 s15, v24;
	[tilespmem:v2+s11+$0x0] =	vst.idx.add.s32.msk $0xffff, v22;
	v3 =	vor.u32 v13, v3;
	v5 =	vmin.u32 v57, $0x80  }
0x28a: {  	[tilespmem:v7+s12+$0x0] =	vst.idx.msk $0xffff, v6;
	v58 =	vmul.f32 v8, v33;
	v11 =	vshll.u32 v5, $0x4;
	v5 =	vadd.s32 s22, v5  }
0x28b: {  	[tilespmem:s21+$0x420] =	vst v54;
	v59 =	vadd.s32 v45, v11;
	v11 =	vshll.u32 v5, $0x7;
	v5 =	vshll.u32 v5, $0x8  }
0x28c: {  	[tilespmem:s20+$0x420] =	vst v18;
	v2 =	vand.u32 $0x3FF8, v59;
	v60 =	vand.u32 $0x380, v11;
	v5 =	vand.u32 $0x1F800, v5  }
0x28d: {  	v10 =	vadd.f32 v10, v48;
	[tilespmem:s21+$0x410] =	vst v15;
	v61 =	vpop (erf);
	v2 =	vor.u32 v9, v2;
	v5 =	vor.u32 v60, v5  }
0x28e: {  	[tilespmem:s20+$0x410] =	vst v12;
	v4 =	vsub.f32 v6, v58;
	v62 =	vmul.f32 v61, v24;
	v5 =	vor.u32 v13, v5  }
0x28f: {  	[tilespmem:v3+s12+$0x0] =	vst.idx.msk $0xffff, v10;
	v3 =	vmul.f32 s16, v24  }
0x290: {  	p0 =	slt.u32 s0, $0x3C;
	[tilespmem:s21+$0x430] =	vst v4;
	v63 =	vmul.f32 v62, v41  }
.Ltmp3:
0x291: {  	v30 =	vadd.f32 v3, v48;
	[tilespmem:s20+$0x430] =	vst v8;
	(pc) =	sbr.rel @p0 .LBB2_9-.Ltmp3, $4  }
0x292: {  	[tilespmem:v2+s11+$0x0] =	vst.idx.add.s32.msk $0xffff, v22;
	v2 =	vsub.f32 v10, v63  }
0x293: {  	[tilespmem:v5+s12+$0x0] =	vst.idx.msk $0xffff, v30  }
0x294: {  	s19 =	sadd.s32 $0x40, s19;
	[tilespmem:s21+$0x440] =	vst v2  }
0x295: {  	s0 =	sadd.s32 $0x4, s0;
	s21 =	sadd.s32 $0x40, s21;
	[tilespmem:s20+$0x440] =	vst v62;
	s20 =	sadd.s32 $0x40, s20  }
0x296: {  	v2 =	vmul.f32 $5.000000000e-01, v49  }
0x297: {  	[tilespmem:$0x11E00] =	vst v40  }
0x298: {  	[tilespmem:$0x12210] =	vst v38;
	v2 =	vadd.f32 v2, v47  }
0x299: {  	[tilespmem:$0x12620] =	vst v39  }
0x29a: {  	[tilespmem:$0x11A00] =	vst v2;
	v2 =	vmul.f32 $5.000000000e-01, v51  }
0x29b: {  	v3 =	vimm.f32 $0.0e+00;
	[tilespmem:$0x12A30] =	vst v30  }
0x29c: {  	[tilespmem:$0x12A40] =	vst v3;
	v2 =	vadd.f32 v2, v46  }
0x29d: {  	[tilespmem:$0x12E40] =	vst v3  }
0x29e: {  	[tilespmem:$0x11E10] =	vst v2;
	v2 =	vmul.f32 $5.000000000e-01, v50  }
0x29f: {  	[tilespmem:$0x12E50] =	vst v3  }
0x2a0: {  	[tilespmem:$0x13250] =	vst v3;
	v2 =	vadd.f32 v2, v23  }
0x2a1: {  	[tilespmem:$0x13260] =	vst v3  }
0x2a2: {  	[tilespmem:$0x12220] =	vst v2;
	v2 =	vmul.f32 $5.000000000e-01, v24  }
0x2a3: {  	[tilespmem:$0x13660] =	vst v3  }
0x2a4: {  	[tilespmem:$0x13670] =	vst v3;
	v2 =	vadd.f32 v2, v48  }
0x2a5: {  	[tilespmem:$0x13A70] =	vst v3  }
0x2a6: {  	s1 =	simm.s32 $0x14AA0;
	[tilespmem:$0x12630] =	vst v2  }
0x2a7: {  	v2 =	vld [tilespmem:s1+$0xFFFFEFE0];
	_ =	sdelay $0x3  }
0x2a8: {  	v18 =	vimm.s32 $0x0;
	v3 =	vld [tilespmem:s1+$0xFFFFEFF0]  }
0x2a9: {  	v4 =	vld [tilespmem:s1+$0xFFFFF000];
	v2 =	vadd.s32 v18, v2  }
0x2aa: {  	v6 =	vshll.u32 v2, $0x4  }
0x2ab: {  	v5 =	vld [tilespmem:s1+$0xFFFFF010];
	v6 =	vor.u32 v0, v6;
	_ =	sdelay $0x1  }
0x2ac: {  	s16 =	simm.s32 $0x0;
	v3 =	vadd.s32 v2, v3  }
0x2ad: {  	s15 =	simm.s32 $0x1;
	v2 =	vadd.s32 s16, v2;
	v7 =	vshll.u32 v3, $0x4;
	v4 =	vadd.s32 v3, v4  }
0x2ae: {  	s0 =	scvt.s32.f32 s16;
	[tilespmem:s1+$0xFFFFEFE0] =	vst v1;
	v3 =	vadd.s32 s15, v3;
	v7 =	vor.u32 v0, v7;
	v8 =	vshll.u32 v4, $0x4  }
0x2af: {  	s3 =	simm.s32 $0x2;
	v17 =	vadd.s32 v4, v5;
	v5 =	vshll.u32 v2, $0x8;
	v2 =	vshll.u32 v2, $0x7;
	v11 =	vld.idx.msk [tilespmem:v6+s14+$0x0], $0xffff  }
0x2b0: {  	s0 =	smul.f32 $7.086614140e-03, s0;
	v4 =	vadd.s32 s3, v4;
	v8 =	vor.u32 v0, v8;
	v10 =	vshll.u32 v17, $0x4  }
0x2b1: {  	v2 =	vand.u32 $0x380, v2;
	v5 =	vand.u32 $0xFFFFF800, v5;
	v10 =	vor.u32 v0, v10;
	v6 =	vld.idx.msk [tilespmem:v6+s13+$0x0], $0xffff  }
0x2b2: {  	s9 =	simm.s32 $0x3;
	s4 =	scvt.s32.f32 s15;
	s19 =	sadd.f32 $5.000000070e-02, s0;
	[tilespmem:s1+$0xFFFFEFF0] =	vst v1;
	v12 =	vshll.u32 v4, $0x7;
	v4 =	vshll.u32 v4, $0x8;
	v2 =	vor.u32 v2, v5  }
0x2b3: {  	v16 =	vadd.s32 s9, v17;
	v5 =	vshll.u32 v3, $0x7;
	v2 =	vor.u32 v20, v2;
	v15 =	vld.idx.msk [tilespmem:v7+s14+$0x0], $0xffff  }
0x2b4: {  	s25 =	scvt.s32.f32 s3;
	s4 =	smul.f32 $7.086614140e-03, s4;
	[tilespmem:s1+$0xFFFFF000] =	vst v1;
	v3 =	vshll.u32 v3, $0x8;
	v4 =	vand.u32 $0xFFFFF800, v4;
	v7 =	vld.idx.msk [tilespmem:v7+s13+$0x0], $0xffff;
	v11 =	vmul.f32 s19, v11  }
0x2b5: {  	s20 =	scvt.s32.f32 s9;
	[tilespmem:s1+$0xFFFFF010] =	vst v1;
	v12 =	vand.u32 $0x380, v12;
	v5 =	vand.u32 $0x380, v5;
	v3 =	vand.u32 $0xFFFFF800, v3;
	v19 =	vld.idx.msk [tilespmem:v8+s14+$0x0], $0xffff  }
0x2b6: {  	s0 =	smul.f32 $7.086614140e-03, s25;
	s21 =	sadd.f32 $5.000000070e-02, s4;
	v23 =	vshll.u32 v16, $0x7;
	v3 =	vor.u32 v5, v3;
	v22 =	vld.idx.msk [tilespmem:v10+s14+$0x0], $0xffff;
	v5 =	vadd.f32 v11, v6  }
0x2b7: {  	s26 =	smul.f32 $7.086614140e-03, s20;
	v4 =	vor.u32 v12, v4;
	v3 =	vor.u32 v20, v3;
	v6 =	vld.idx.msk [tilespmem:v8+s13+$0x0], $0xffff;
	v8 =	vshll.u32 v16, $0x8  }
0x2b8: {  	s20 =	sadd.f32 $5.000000070e-02, s0;
	v10 =	vld.idx.msk [tilespmem:v10+s13+$0x0], $0xffff;
	v11 =	vand.u32 $0x380, v23;
	v8 =	vand.u32 $0xFFFFF800, v8;
	[tilespmem:v2+s12+$0x0] =	vst.idx.msk $0xffff, v5;
	v2 =	vmul.f32 s21, v15  }
0x2b9: {  	s22 =	sadd.f32 $5.000000070e-02, s26;
	v4 =	vor.u32 v20, v4;
	v5 =	vor.u32 v11, v8;
	v8 =	vld [tilespmem:s1+$0xFFFFF7F0]  }
0x2ba: {  	v11 =	vmul.f32 s20, v19;
	v5 =	vor.u32 v20, v5;
	v2 =	vadd.f32 v2, v7  }
0x2bb: {  	v7 =	vmul.f32 s22, v22  }
0x2bc: {  	v6 =	vadd.f32 v11, v6;
	[tilespmem:v3+s12+$0x0] =	vst.idx.msk $0xffff, v2  }
0x2bd: {  	v2 =	vadd.f32 v7, v10;
	v3 =	vld [tilespmem:s1+$0xFFFFF800]  }
0x2be: {  	[tilespmem:v4+s12+$0x0] =	vst.idx.msk $0xffff, v6;
	v7 =	vadd.s32 v18, v8  }
0x2bf: {  	v15 =	vor.u32 $0x410, v0;
	[tilespmem:v5+s12+$0x0] =	vst.idx.msk $0xffff, v2;
	v4 =	vld [tilespmem:s1+$0xFFFFF810];
	v2 =	vshll.u32 v7, $0x4  }
0x2c0: {  	v2 =	vadd.s32 v15, v2  }
0x2c1: {  	v5 =	vld [tilespmem:s1+$0xFFFFF820];
	v2 =	vand.u32 $0xFFFFFFF8, v2  }
0x2c2: {  	v6 =	vadd.s32 s16, v7;
	v2 =	vor.u32 v9, v2;
	v3 =	vadd.s32 v7, v3  }
0x2c3: {  	v7 =	vshll.u32 v6, $0x7;
	v8 =	vshll.u32 v3, $0x4  }
0x2c4: {  	v6 =	vshll.u32 v6, $0x8;
	v4 =	vadd.s32 v3, v4;
	v8 =	vadd.s32 v15, v8  }
0x2c5: {  	v7 =	vand.u32 $0x380, v7;
	v10 =	vshll.u32 v4, $0x4;
	v8 =	vand.u32 $0xFFFFFFF8, v8  }
0x2c6: {  	[tilespmem:s1+$0xFFFFF7F0] =	vst v1;
	v19 =	vadd.s32 v4, v5;
	v5 =	vadd.s32 v15, v10;
	v8 =	vor.u32 v9, v8  }
0x2c7: {  	v6 =	vand.u32 $0xFFFFF800, v6;
	v10 =	vshll.u32 v19, $0x4;
	v5 =	vand.u32 $0xFFFFFFF8, v5;
	v11 =	vld.idx.msk [tilespmem:v2+s14+$0x0], $0xffff  }
0x2c8: {  	v3 =	vadd.s32 s15, v3;
	v10 =	vadd.s32 v15, v10;
	v5 =	vor.u32 v9, v5  }
0x2c9: {  	v6 =	vor.u32 v7, v6;
	v4 =	vadd.s32 s3, v4;
	v10 =	vand.u32 $0xFFFFFFF8, v10;
	v2 =	vld.idx.msk [tilespmem:v2+s13+$0x0], $0xffff  }
0x2ca: {  	[tilespmem:s1+$0xFFFFF800] =	vst v1;
	v6 =	vor.u32 v21, v6;
	v16 =	vshll.u32 v4, $0x7;
	v7 =	vor.u32 v9, v10  }
0x2cb: {  	v4 =	vshll.u32 v4, $0x8;
	v10 =	vshll.u32 v3, $0x7;
	v3 =	vshll.u32 v3, $0x8;
	v12 =	vld.idx.msk [tilespmem:v8+s14+$0x0], $0xffff  }
0x2cc: {  	[tilespmem:s1+$0xFFFFF810] =	vst v1;
	v10 =	vand.u32 $0x380, v10;
	v3 =	vand.u32 $0xFFFFF800, v3;
	v8 =	vld.idx.msk [tilespmem:v8+s13+$0x0], $0xffff;
	v11 =	vmul.f32 s19, v11  }
0x2cd: {  	v4 =	vand.u32 $0xFFFFF800, v4;
	v3 =	vor.u32 v10, v3;
	v10 =	vand.u32 $0x380, v16;
	v16 =	vld.idx.msk [tilespmem:v5+s14+$0x0], $0xffff  }
0x2ce: {  	[tilespmem:s1+$0xFFFFF820] =	vst v1;
	v4 =	vor.u32 v10, v4;
	v10 =	vadd.s32 s9, v19;
	v5 =	vld.idx.msk [tilespmem:v5+s13+$0x0], $0xffff;
	v2 =	vadd.f32 v11, v2  }
0x2cf: {  	v3 =	vor.u32 v21, v3;
	v22 =	vshll.u32 v10, $0x7;
	v10 =	vshll.u32 v10, $0x8;
	v11 =	vld.idx.msk [tilespmem:v7+s14+$0x0], $0xffff  }
0x2d0: {  	[tilespmem:v6+s12+$0x0] =	vst.idx.msk $0xffff, v2;
	v6 =	vand.u32 $0xFFFFF800, v10;
	v10 =	vmul.f32 s21, v12  }
0x2d1: {  	v4 =	vor.u32 v21, v4;
	v7 =	vld.idx.msk [tilespmem:v7+s13+$0x0], $0xffff;
	v2 =	vand.u32 $0x380, v22  }
0x2d2: {  	v2 =	vor.u32 v2, v6;
	v6 =	vadd.f32 v10, v8;
	v8 =	vmul.f32 s20, v16  }
0x2d3: {  	v12 =	vld [tilespmem:s1+$0x0];
	v2 =	vor.u32 v21, v2  }
0x2d4: {  	v10 =	vmul.f32 s22, v11;
	[tilespmem:v3+s12+$0x0] =	vst.idx.msk $0xffff, v6;
	v3 =	vadd.f32 v8, v5;
	_ =	sdelay $0x1  }
0x2d5: {  	v5 =	vld [tilespmem:s1+$0x10];
	v6 =	vadd.f32 v10, v7;
	[tilespmem:v4+s12+$0x0] =	vst.idx.msk $0xffff, v3  }
0x2d6: {  	v4 =	vld [tilespmem:s1+$0x20]  }
0x2d7: {  	v3 =	vadd.s32 v18, v12;
	[tilespmem:v2+s12+$0x0] =	vst.idx.msk $0xffff, v6  }
0x2d8: {  	v16 =	vor.u32 $0x820, v0;
	v7 =	vshll.u32 v3, $0x4;
	v6 =	vld [tilespmem:s1+$0x30]  }
0x2d9: {  	v2 =	vadd.s32 v16, v7  }
0x2da: {  	v2 =	vand.u32 $0xFFFFFFF8, v2;
	v5 =	vadd.s32 v3, v5  }
0x2db: {  	v2 =	vor.u32 v9, v2;
	v7 =	vshll.u32 v5, $0x4;
	v8 =	vadd.s32 v5, v4  }
0x2dc: {  	s23 =	simm.s32 $0x14AE0;
	v4 =	vadd.s32 v16, v7;
	v7 =	vadd.s32 s16, v3;
	v5 =	vadd.s32 s15, v5  }
0x2dd: {  	v11 =	vld [tilespmem:s23+$0xFFFFEFE0];
	v3 =	vshll.u32 v8, $0x4;
	v10 =	vshll.u32 v7, $0x7;
	v23 =	vadd.s32 v8, v6  }
0x2de: {  	v7 =	vshll.u32 v7, $0x8;
	v4 =	vand.u32 $0xFFFFFFF8, v4;
	v6 =	vand.u32 $0x380, v10  }
0x2df: {  	v10 =	vshll.u32 v23, $0x4;
	v22 =	vadd.s32 s9, v23;
	v7 =	vand.u32 $0xFFFFF800, v7  }
0x2e0: {  	[tilespmem:s1+$0x0] =	vst v1;
	v3 =	vadd.s32 v16, v3;
	v10 =	vadd.s32 v16, v10;
	v24 =	vshll.u32 v22, $0x7  }
0x2e1: {  	v12 =	vld.idx.msk [tilespmem:v2+s14+$0x0], $0xffff;
	v22 =	vshll.u32 v22, $0x8;
	v6 =	vor.u32 v6, v7;
	v7 =	vadd.s32 s3, v8  }
0x2e2: {  	v25 =	vld [tilespmem:s23+$0xFFFFEFF0];
	v8 =	vadd.s32 v17, v11;
	v3 =	vand.u32 $0xFFFFFFF8, v3;
	v10 =	vand.u32 $0xFFFFFFF8, v10  }
0x2e3: {  	v2 =	vld.idx.msk [tilespmem:v2+s13+$0x0], $0xffff;
	v24 =	vand.u32 $0x380, v24;
	v11 =	vand.u32 $0xFFFFF800, v22;
	v22 =	vshll.u32 v7, $0x7  }
0x2e4: {  	v26 =	vld [tilespmem:s23+$0xFFFFF000];
	v27 =	vshll.u32 v8, $0x4;
	v7 =	vshll.u32 v7, $0x8;
	v3 =	vor.u32 v9, v3  }
0x2e5: {  	v10 =	vor.u32 v9, v10;
	v11 =	vor.u32 v24, v11;
	v27 =	vor.u32 v0, v27  }
0x2e6: {  	s24 =	simm.s32 $0x4;
	v17 =	vld [tilespmem:s23+$0xFFFFF010];
	v22 =	vand.u32 $0x380, v22;
	v7 =	vand.u32 $0xFFFFF800, v7;
	v12 =	vmul.f32 s19, v12  }
0x2e7: {  	v24 =	vor.u32 v14, v11;
	v11 =	vadd.s32 v8, v25;
	v8 =	vadd.s32 s24, v8  }
0x2e8: {  	v7 =	vor.u32 v22, v7;
	v25 =	vshll.u32 v11, $0x4;
	v2 =	vadd.f32 v12, v2  }
0x2e9: {  	s6 =	scvt.s32.f32 s24;
	s25 =	simm.s32 $0x5;
	[tilespmem:s23+$0xFFFFEFE0] =	vst v1;
	v12 =	vor.u32 v0, v25;
	v25 =	vadd.s32 v11, v26;
	v26 =	vshll.u32 v8, $0x8  }
0x2ea: {  	s26 =	simm.s32 $0x6;
	[tilespmem:s1+$0x30] =	vst v1;
	v30 =	vld.idx.msk [tilespmem:v27+s14+$0x0], $0xffff;
	v8 =	vshll.u32 v8, $0x7;
	v11 =	vadd.s32 s25, v11;
	v28 =	vshll.u32 v25, $0x4  }
0x2eb: {  	s0 =	smul.f32 $7.086614140e-03, s6;
	v31 =	vld.idx.msk [tilespmem:v10+s14+$0x0], $0xffff;
	v17 =	vadd.s32 v25, v17;
	v25 =	vadd.s32 s26, v25;
	v28 =	vor.u32 v0, v28  }
0x2ec: {  	v27 =	vld.idx.msk [tilespmem:v27+s13+$0x0], $0xffff;
	v8 =	vand.u32 $0x380, v8;
	v26 =	vand.u32 $0xFFFFF800, v26;
	v29 =	vshll.u32 v17, $0x4  }
0x2ed: {  	s30 =	sadd.f32 $5.000000070e-02, s0;
	[tilespmem:s23+$0xFFFFEFF0] =	vst v1;
	v10 =	vld.idx.msk [tilespmem:v10+s13+$0x0], $0xffff;
	v8 =	vor.u32 v8, v26;
	v26 =	vshll.u32 v11, $0x7;
	v29 =	vor.u32 v0, v29  }
0x2ee: {  	s29 =	simm.s32 $0x7;
	s4 =	scvt.s32.f32 s25;
	v32 =	vshll.u32 v25, $0x7;
	v11 =	vshll.u32 v11, $0x8;
	v8 =	vor.u32 v20, v8;
	v33 =	vld.idx.msk [tilespmem:v12+s13+$0x0], $0xffff  }
0x2ef: {  	[tilespmem:s23+$0xFFFFF000] =	vst v1;
	v25 =	vshll.u32 v25, $0x8;
	v35 =	vadd.s32 s29, v17;
	v30 =	vmul.f32 s30, v30;
	v12 =	vld.idx.msk [tilespmem:v12+s14+$0x0], $0xffff  }
0x2f0: {  	s28 =	scvt.s32.f32 s26;
	s0 =	smul.f32 $7.086614140e-03, s4;
	v26 =	vand.u32 $0x380, v26;
	v11 =	vand.u32 $0xFFFFF800, v11;
	v25 =	vand.u32 $0xFFFFF800, v25;
	v34 =	vld.idx.msk [tilespmem:v28+s13+$0x0], $0xffff  }
0x2f1: {  	[tilespmem:s23+$0xFFFFF010] =	vst v1;
	v32 =	vand.u32 $0x380, v32;
	v11 =	vor.u32 v26, v11;
	v27 =	vadd.f32 v30, v27;
	v26 =	vld.idx.msk [tilespmem:v28+s14+$0x0], $0xffff  }
0x2f2: {  	s28 =	smul.f32 $7.086614140e-03, s28;
	s31 =	sadd.f32 $5.000000070e-02, s0;
	v37 =	vshll.u32 v35, $0x7;
	v35 =	vshll.u32 v35, $0x8;
	v25 =	vor.u32 v32, v25;
	v36 =	vld.idx.msk [tilespmem:v29+s14+$0x0], $0xffff  }
0x2f3: {  	s6 =	scvt.s32.f32 s29;
	v35 =	vand.u32 $0xFFFFF800, v35;
	v11 =	vor.u32 v20, v11;
	v30 =	vand.u32 $0x380, v37;
	v28 =	vld.idx.msk [tilespmem:v29+s13+$0x0], $0xffff;
	[tilespmem:v8+s12+$0x0] =	vst.idx.msk $0xffff, v27  }
0x2f4: {  	s28 =	sadd.f32 $5.000000070e-02, s28;
	v29 =	vor.u32 v30, v35;
	v8 =	vmul.f32 s22, v31;
	v27 =	vld [tilespmem:s23+$0xFFFFF7F0];
	v12 =	vmul.f32 s31, v12  }
0x2f5: {  	s4 =	smul.f32 $7.086614140e-03, s6;
	v25 =	vor.u32 v20, v25;
	v22 =	vor.u32 v20, v29;
	v29 =	vshll.u32 v5, $0x7  }
0x2f6: {  	[tilespmem:s1+$0x20] =	vst v1;
	v8 =	vadd.f32 v8, v10;
	v10 =	vmul.f32 s28, v26;
	v12 =	vadd.f32 v12, v33  }
0x2f7: {  	s0 =	sadd.f32 $5.000000070e-02, s4;
	v4 =	vor.u32 v9, v4;
	v6 =	vor.u32 v14, v6;
	v26 =	vand.u32 $0x380, v29;
	v29 =	vld.idx.msk [tilespmem:v3+s14+$0x0], $0xffff  }
0x2f8: {  	v7 =	vor.u32 v14, v7;
	v5 =	vshll.u32 v5, $0x8;
	v10 =	vadd.f32 v10, v34;
	[tilespmem:v11+s12+$0x0] =	vst.idx.msk $0xffff, v12  }
0x2f9: {  	v5 =	vand.u32 $0xFFFFF800, v5;
	v30 =	vmul.f32 s0, v36;
	v19 =	vadd.s32 v19, v27;
	v12 =	vld [tilespmem:s23+$0xFFFFF800]  }
0x2fa: {  	v3 =	vld.idx.msk [tilespmem:v3+s13+$0x0], $0xffff;
	v5 =	vor.u32 v26, v5;
	v11 =	vshll.u32 v19, $0x4;
	[tilespmem:v25+s12+$0x0] =	vst.idx.msk $0xffff, v10;
	v10 =	vadd.s32 s24, v19  }
0x2fb: {  	v28 =	vadd.f32 v30, v28;
	v11 =	vadd.s32 v15, v11;
	v25 =	vshll.u32 v10, $0x7;
	v26 =	vld [tilespmem:s23+$0xFFFFF810]  }
0x2fc: {  	v10 =	vshll.u32 v10, $0x8;
	v29 =	vmul.f32 s20, v29;
	v11 =	vand.u32 $0xFFFFFFF8, v11  }
0x2fd: {  	[tilespmem:v22+s12+$0x0] =	vst.idx.msk $0xffff, v28;
	v22 =	vand.u32 $0x380, v25;
	v10 =	vand.u32 $0xFFFFF800, v10;
	v11 =	vor.u32 v9, v11  }
0x2fe: {  	[tilespmem:s1+$0x10] =	vst v1;
	v5 =	vor.u32 v14, v5;
	v10 =	vor.u32 v22, v10;
	v12 =	vadd.s32 v19, v12  }
0x2ff: {  	v3 =	vadd.f32 v29, v3;
	v10 =	vor.u32 v21, v10;
	v19 =	vld.idx.msk [tilespmem:v4+s14+$0x0], $0xffff;
	v22 =	vshll.u32 v12, $0x4  }
0x300: {  	v25 =	vld [tilespmem:s23+$0xFFFFF820];
	v27 =	vadd.s32 s25, v12;
	v12 =	vadd.s32 v12, v26;
	v22 =	vadd.s32 v15, v22  }
0x301: {  	[tilespmem:s23+$0xFFFFF7F0] =	vst v1;
	v4 =	vld.idx.msk [tilespmem:v4+s13+$0x0], $0xffff;
	v31 =	vshll.u32 v27, $0x7;
	v26 =	vshll.u32 v12, $0x4;
	v22 =	vand.u32 $0xFFFFFFF8, v22  }
0x302: {  	v28 =	vadd.s32 s26, v12;
	v30 =	vld.idx.msk [tilespmem:v11+s14+$0x0], $0xffff;
	v26 =	vadd.s32 v15, v26;
	v63 =	vor.u32 v9, v22  }
0x303: {  	[tilespmem:v6+s12+$0x0] =	vst.idx.msk $0xffff, v2;
	v22 =	vshll.u32 v27, $0x8;
	v27 =	vand.u32 $0x380, v31;
	v31 =	vshll.u32 v28, $0x7  }
0x304: {  	[tilespmem:v7+s12+$0x0] =	vst.idx.msk $0xffff, v3;
	v11 =	vld.idx.msk [tilespmem:v11+s13+$0x0], $0xffff;
	v6 =	vshll.u32 v28, $0x8;
	v26 =	vand.u32 $0xFFFFFFF8, v26;
	v19 =	vmul.f32 s21, v19  }
0x305: {  	v7 =	vld [tilespmem:s1+$0x830];
	v22 =	vand.u32 $0xFFFFF800, v22;
	v6 =	vand.u32 $0xFFFFF800, v6;
	v2 =	vor.u32 v9, v26  }
0x306: {  	[tilespmem:s23+$0xFFFFF800] =	vst v1;
	v28 =	vld [tilespmem:s1+$0x810];
	v26 =	vand.u32 $0x380, v31;
	v4 =	vadd.f32 v19, v4;
	v19 =	vor.u32 v27, v22  }
0x307: {  	v6 =	vor.u32 v26, v6;
	v22 =	vadd.s32 v12, v25;
	v27 =	vmul.f32 s30, v30;
	v26 =	vld.idx.msk [tilespmem:v63+s14+$0x0], $0xffff  }
0x308: {  	v6 =	vor.u32 v21, v6;
	v12 =	vld.idx.msk [tilespmem:v63+s13+$0x0], $0xffff;
	[tilespmem:v5+s12+$0x0] =	vst.idx.msk $0xffff, v4;
	v4 =	vshll.u32 v22, $0x4;
	v5 =	vadd.s32 s29, v22  }
0x309: {  	[tilespmem:s23+$0xFFFFF810] =	vst v1;
	v25 =	vld [tilespmem:s1+$0x820];
	v4 =	vadd.s32 v15, v4;
	v11 =	vadd.f32 v27, v11;
	v27 =	vshll.u32 v5, $0x7  }
0x30a: {  	[tilespmem:v24+s12+$0x0] =	vst.idx.msk $0xffff, v8;
	v5 =	vshll.u32 v5, $0x8;
	v29 =	vld.idx.msk [tilespmem:v2+s14+$0x0], $0xffff;
	v3 =	vand.u32 $0xFFFFFFF8, v4;
	v4 =	vand.u32 $0x380, v27  }
0x30b: {  	v8 =	vld [tilespmem:s1+$0x840];
	v5 =	vand.u32 $0xFFFFF800, v5;
	v24 =	vor.u32 v9, v3;
	v3 =	vadd.s32 v18, v28  }
0x30c: {  	v4 =	vor.u32 v4, v5;
	v5 =	vor.u32 v21, v19;
	v19 =	vmul.f32 s31, v26  }
0x30d: {  	v2 =	vld.idx.msk [tilespmem:v2+s13+$0x0], $0xffff;
	v18 =	vor.u32 $0xC30, v0;
	v27 =	vor.u32 v21, v4;
	v26 =	vadd.s32 s16, v3  }
0x30e: {  	v4 =	vadd.f32 v19, v12;
	v12 =	vshll.u32 v3, $0x4;
	v3 =	vadd.s32 v3, v25  }
0x30f: {  	v25 =	vmul.f32 s28, v29;
	v19 =	vshll.u32 v3, $0x4;
	v7 =	vadd.s32 v3, v7  }
0x310: {  	v28 =	vadd.s32 v18, v19;
	v29 =	vshll.u32 v7, $0x4;
	v19 =	vadd.s32 v7, v8  }
0x311: {  	v7 =	vadd.s32 s3, v7;
	v8 =	vadd.s32 v18, v29;
	v29 =	vshll.u32 v19, $0x4  }
0x312: {  	[tilespmem:v10+s12+$0x0] =	vst.idx.msk $0xffff, v11;
	v2 =	vadd.f32 v25, v2;
	v10 =	vshll.u32 v7, $0x7;
	v11 =	vadd.s32 v18, v29  }
0x313: {  	[tilespmem:s23+$0xFFFFF820] =	vst v1;
	v25 =	vld [tilespmem:s23+$0x0];
	v28 =	vand.u32 $0xFFFFFFF8, v28;
	v29 =	vadd.s32 s15, v3;
	v3 =	vand.u32 $0xFFFFFFF8, v11  }
0x314: {  	[tilespmem:v5+s12+$0x0] =	vst.idx.msk $0xffff, v4;
	v5 =	vld.idx.msk [tilespmem:v24+s14+$0x0], $0xffff;
	v4 =	vshll.u32 v7, $0x8;
	v8 =	vand.u32 $0xFFFFFFF8, v8;
	v7 =	vor.u32 v9, v3  }
0x315: {  	[tilespmem:v6+s12+$0x0] =	vst.idx.msk $0xffff, v2;
	v2 =	vadd.s32 v18, v12;
	v4 =	vand.u32 $0xFFFFF800, v4;
	v31 =	vor.u32 v9, v28;
	v11 =	vld [tilespmem:s23+$0x10]  }
0x316: {  	[tilespmem:s1+$0x840] =	vst v1;
	v6 =	vld [tilespmem:s23+$0x20];
	v2 =	vand.u32 $0xFFFFFFF8, v2;
	v28 =	vor.u32 v9, v8;
	v3 =	vand.u32 $0x380, v10  }
0x317: {  	[tilespmem:s1+$0x830] =	vst v1;
	v8 =	vshll.u32 v29, $0x8;
	v3 =	vor.u32 v3, v4;
	v4 =	vor.u32 v9, v2  }
0x318: {  	[tilespmem:s1+$0x810] =	vst v1;
	v33 =	vld.idx.msk [tilespmem:v24+s13+$0x0], $0xffff;
	v10 =	vadd.s32 s9, v19;
	v32 =	vand.u32 $0xFFFFF800, v8;
	v2 =	vshll.u32 v29, $0x7  }
0x319: {  	[tilespmem:s1+$0x820] =	vst v1;
	v12 =	vadd.s32 v23, v25;
	v8 =	vshll.u32 v10, $0x8;
	v36 =	vmul.f32 s0, v5;
	v30 =	vld.idx.msk [tilespmem:v7+s14+$0x0], $0xffff  }
0x31a: {  	[tilespmem:s23+$0x0] =	vst v1;
	v2 =	vand.u32 $0x380, v2;
	v8 =	vand.u32 $0xFFFFF800, v8;
	v34 =	vadd.s32 v12, v11;
	v23 =	vld.idx.msk [tilespmem:v7+s13+$0x0], $0xffff  }
0x31b: {  	[tilespmem:s23+$0x10] =	vst v1;
	v7 =	vshll.u32 v10, $0x7;
	v10 =	vshll.u32 v34, $0x4;
	v5 =	vadd.s32 v34, v6;
	v6 =	vld.idx.msk [tilespmem:v31+s14+$0x0], $0xffff  }
0x31c: {  	s1 =	simm.s32 $0x8;
	[tilespmem:s23+$0x20] =	vst v1;
	s9 =	simm.s32 $0x14B20;
	v35 =	vand.u32 $0x380, v7;
	v25 =	vadd.s32 v16, v10;
	v24 =	vshll.u32 v5, $0x4;
	v29 =	vld.idx.msk [tilespmem:v4+s13+$0x0], $0xffff  }
.LBB2_11:
0x31d: {  	s3 =	sadd.s32 $0x2, s1  }
0x31e: {  	p0 =	slt.u32 s1, $0x7C;
	v7 =	vshll.u32 v12, $0x4;
	v10 =	vadd.f32 v36, v33;
	v11 =	vld.idx.msk [tilespmem:v31+s13+$0x0], $0xffff;
	v8 =	vor.u32 v35, v8;
	s16 =	smov.u32 s1;
	s1 =	sadd.s32 $0x4, s1  }
0x31f: {  	v31 =	vshll.u32 v26, $0x7;
	v2 =	vor.u32 v2, v32;
	v3 =	vor.u32 v13, v3;
	s4 =	scvt.s32.f32 s3;
	v4 =	vld.idx.msk [tilespmem:v4+s14+$0x0], $0xffff  }
0x320: {  	v7 =	vadd.s32 v16, v7;
	[tilespmem:v27+s12+$0x0] =	vst.idx.msk $0xffff, v10;
	v10 =	vshll.u32 v26, $0x8;
	v26 =	vor.u32 v13, v2  }
0x321: {  	v2 =	vand.u32 $0xFFFFFFF8, v7;
	v27 =	vand.u32 $0x380, v31;
	s4 =	smul.f32 $7.086614140e-03, s4;
	v7 =	vld [tilespmem:s23+$0x30];
	v10 =	vand.u32 $0xFFFFF800, v10  }
0x322: {  	v31 =	vor.u32 v9, v2;
	v6 =	vmul.f32 s21, v6;
	s21 =	smov.u32 s31;
	[tilespmem:s23+$0x30] =	vst v1;
	v2 =	vor.u32 v27, v10;
	v10 =	vld.idx.msk [tilespmem:v28+s14+$0x0], $0xffff  }
0x323: {  	v30 =	vmul.f32 s22, v30;
	v8 =	vor.u32 v13, v8;
	s22 =	smov.u32 s0;
	s31 =	sadd.f32 $5.000000070e-02, s4;
	v27 =	vor.u32 v13, v2;
	v28 =	vld.idx.msk [tilespmem:v28+s13+$0x0], $0xffff  }
0x324: {  	v12 =	vadd.s32 s24, v12;
	v2 =	vadd.s32 s25, v34;
	v6 =	vadd.f32 v6, v11  }
0x325: {  	v30 =	vadd.f32 v30, v23;
	v11 =	vshll.u32 v12, $0x7;
	v4 =	vmul.f32 s19, v4;
	s19 =	smov.u32 s30  }
0x326: {  	s15 =	sadd.s32 $0x3, s16;
	v12 =	vshll.u32 v12, $0x8;
	v11 =	vand.u32 $0x380, v11;
	v32 =	vld [tilespmem:s9+$0xFFFFEFE0];
	v23 =	vadd.s32 v5, v7;
	[tilespmem:v26+s12+$0x0] =	vst.idx.msk $0xffff, v6  }
0x327: {  	s0 =	scvt.s32.f32 s15;
	s4 =	sadd.s32 $0x1, s16;
	v7 =	vand.u32 $0xFFFFF800, v12;
	v6 =	vld.idx.msk [tilespmem:v31+s14+$0x0], $0xffff;
	v12 =	vshll.u32 v23, $0x4;
	v26 =	vadd.s32 s29, v23  }
0x328: {  	s30 =	scvt.s32.f32 s4;
	v4 =	vadd.f32 v4, v29;
	v10 =	vmul.f32 s20, v10;
	s20 =	smov.u32 s28;
	s28 =	smov.u32 s31;
	v31 =	vld.idx.msk [tilespmem:v31+s13+$0x0], $0xffff;
	v12 =	vadd.s32 v16, v12  }
0x329: {  	s0 =	smul.f32 $7.086614140e-03, s0;
	v33 =	vshll.u32 v26, $0x7;
	v26 =	vshll.u32 v26, $0x8;
	v29 =	vld [tilespmem:s9+$0xFFFFEFF0];
	v12 =	vand.u32 $0xFFFFFFF8, v12;
	[tilespmem:v8+s12+$0x0] =	vst.idx.msk $0xffff, v30  }
0x32a: {  	s6 =	smul.f32 $7.086614140e-03, s30;
	s31 =	scvt.s32.f32 s16;
	v30 =	vand.u32 $0x380, v33;
	v8 =	vld [tilespmem:s9+$0xFFFFF000];
	v12 =	vor.u32 v9, v12;
	[tilespmem:v27+s12+$0x0] =	vst.idx.msk $0xffff, v4;
	v4 =	vadd.f32 v10, v28  }
0x32b: {  	v5 =	vadd.s32 s26, v5;
	v7 =	vor.u32 v11, v7;
	v10 =	vand.u32 $0xFFFFF800, v26  }
0x32c: {  	s30 =	smul.f32 $7.086614140e-03, s31;
	v26 =	vshll.u32 v5, $0x7;
	v5 =	vshll.u32 v5, $0x8;
	v10 =	vor.u32 v30, v10;
	v11 =	vld [tilespmem:s9+$0xFFFFF010];
	[tilespmem:v3+s12+$0x0] =	vst.idx.msk $0xffff, v4  }
0x32d: {  	v3 =	vadd.s32 v17, v32;
	v4 =	vmul.f32 s19, v6;
	v6 =	vor.u32 v14, v10;
	[tilespmem:s9+$0xFFFFF010] =	vst v1  }
0x32e: {  	s30 =	sadd.f32 $5.000000070e-02, s30;
	v10 =	vshll.u32 v3, $0x4;
	v27 =	vadd.s32 s16, v3;
	v3 =	vadd.s32 v3, v29  }
0x32f: {  	v10 =	vor.u32 v0, v10;
	v4 =	vadd.f32 v4, v31;
	v17 =	vshll.u32 v3, $0x4;
	v28 =	vld.idx.msk [tilespmem:v12+s14+$0x0], $0xffff  }
0x330: {  	s31 =	sadd.f32 $5.000000070e-02, s6;
	v26 =	vand.u32 $0x380, v26;
	v8 =	vadd.s32 v3, v8;
	v29 =	vor.u32 v0, v17;
	v12 =	vld.idx.msk [tilespmem:v12+s13+$0x0], $0xffff  }
0x331: {  	v30 =	vshll.u32 v27, $0x8;
	v31 =	vshll.u32 v8, $0x4;
	v17 =	vadd.s32 v8, v11  }
0x332: {  	v5 =	vand.u32 $0xFFFFF800, v5;
	v11 =	vor.u32 v0, v31;
	v31 =	vshll.u32 v17, $0x4  }
0x333: {  	v27 =	vshll.u32 v27, $0x7;
	v8 =	vadd.s32 s3, v8;
	[tilespmem:s9+$0xFFFFEFE0] =	vst v1;
	v31 =	vor.u32 v0, v31  }
0x334: {  	v27 =	vand.u32 $0x380, v27;
	v30 =	vand.u32 $0xFFFFF800, v30;
	v3 =	vadd.s32 s4, v3;
	v32 =	vld.idx.msk [tilespmem:v10+s14+$0x0], $0xffff  }
0x335: {  	s0 =	sadd.f32 $5.000000070e-02, s0;
	v27 =	vor.u32 v27, v30;
	v30 =	vshll.u32 v3, $0x7;
	v33 =	vshll.u32 v8, $0x7;
	v10 =	vld.idx.msk [tilespmem:v10+s13+$0x0], $0xffff;
	[tilespmem:s9+$0xFFFFEFF0] =	vst v1  }
0x336: {  	v3 =	vshll.u32 v3, $0x8;
	v30 =	vand.u32 $0x380, v30;
	v8 =	vshll.u32 v8, $0x8;
	v34 =	vld.idx.msk [tilespmem:v29+s13+$0x0], $0xffff;
	[tilespmem:s9+$0xFFFFF000] =	vst v1  }
0x337: {  	v3 =	vand.u32 $0xFFFFF800, v3;
	v36 =	vadd.s32 s15, v17;
	v8 =	vand.u32 $0xFFFFF800, v8;
	v35 =	vld.idx.msk [tilespmem:v11+s13+$0x0], $0xffff  }
0x338: {  	v33 =	vand.u32 $0x380, v33;
	v38 =	vshll.u32 v36, $0x7;
	v36 =	vshll.u32 v36, $0x8;
	v37 =	vld.idx.msk [tilespmem:v31+s14+$0x0], $0xffff  }
0x339: {  	v27 =	vor.u32 v20, v27;
	v38 =	vand.u32 $0x380, v38;
	v36 =	vand.u32 $0xFFFFF800, v36;
	v31 =	vld.idx.msk [tilespmem:v31+s13+$0x0], $0xffff  }
0x33a: {  	v3 =	vor.u32 v30, v3;
	v30 =	vor.u32 v38, v36;
	v32 =	vmul.f32 s30, v32;
	v11 =	vld.idx.msk [tilespmem:v11+s14+$0x0], $0xffff  }
0x33b: {  	v8 =	vor.u32 v33, v8;
	v28 =	vmul.f32 s22, v28;
	v29 =	vld.idx.msk [tilespmem:v29+s14+$0x0], $0xffff  }
0x33c: {  	v7 =	vor.u32 v14, v7;
	v5 =	vor.u32 v26, v5;
	v10 =	vadd.f32 v32, v10  }
0x33d: {  	v26 =	vor.u32 v20, v30;
	v30 =	vshll.u32 v2, $0x7;
	v12 =	vadd.f32 v28, v12  }
0x33e: {  	v2 =	vshll.u32 v2, $0x8;
	[tilespmem:v27+s12+$0x0] =	vst.idx.msk $0xffff, v10;
	v10 =	vmul.f32 s0, v37;
	v27 =	vand.u32 $0x380, v30  }
0x33f: {  	v8 =	vor.u32 v20, v8;
	v2 =	vand.u32 $0xFFFFF800, v2;
	v28 =	vld [tilespmem:s9+$0xFFFFF7F0];
	[tilespmem:v6+s12+$0x0] =	vst.idx.msk $0xffff, v12  }
0x340: {  	v6 =	vor.u32 v20, v3;
	v11 =	vmul.f32 s28, v11;
	v10 =	vadd.f32 v10, v31;
	v3 =	vld [tilespmem:s23+$0x840]  }
0x341: {  	v2 =	vor.u32 v27, v2;
	v12 =	vmul.f32 s31, v29;
	[tilespmem:v7+s12+$0x0] =	vst.idx.msk $0xffff, v4  }
0x342: {  	v4 =	vadd.f32 v11, v35;
	[tilespmem:v26+s12+$0x0] =	vst.idx.msk $0xffff, v10;
	v7 =	vld [tilespmem:s23+$0x810]  }
0x343: {  	v10 =	vadd.f32 v12, v34;
	[tilespmem:s23+$0x840] =	vst v1  }
0x344: {  	v11 =	vadd.s32 v22, v28;
	[tilespmem:v8+s12+$0x0] =	vst.idx.msk $0xffff, v4  }
0x345: {  	v4 =	vshll.u32 v11, $0x4;
	v8 =	vadd.s32 s16, v11;
	[tilespmem:v6+s12+$0x0] =	vst.idx.msk $0xffff, v10;
	v6 =	vand.u32 $0xFFFFFFF8, v25  }
0x346: {  	v4 =	vadd.s32 v15, v4;
	v10 =	vshll.u32 v8, $0x7;
	v12 =	vld [tilespmem:s9+$0xFFFFF800];
	[tilespmem:s23+$0x810] =	vst v1;
	v6 =	vor.u32 v9, v6  }
0x347: {  	v24 =	vadd.s32 v16, v24;
	v4 =	vand.u32 $0xFFFFFFF8, v4;
	v10 =	vand.u32 $0x380, v10;
	[tilespmem:s9+$0xFFFFF800] =	vst v1;
	v22 =	vld [tilespmem:s9+$0xFFFFF810]  }
0x348: {  	v24 =	vand.u32 $0xFFFFFFF8, v24;
	v8 =	vshll.u32 v8, $0x8;
	v4 =	vor.u32 v9, v4;
	[tilespmem:s9+$0xFFFFF810] =	vst v1;
	v25 =	vld [tilespmem:s9+$0xFFFFF820]  }
0x349: {  	v24 =	vor.u32 v9, v24;
	v8 =	vand.u32 $0xFFFFF800, v8;
	[tilespmem:s9+$0xFFFFF820] =	vst v1  }
0x34a: {  	v2 =	vor.u32 v14, v2;
	v8 =	vor.u32 v10, v8  }
0x34b: {  	v5 =	vor.u32 v14, v5;
	v8 =	vor.u32 v21, v8;
	v10 =	vadd.s32 v11, v12;
	v11 =	vld.idx.msk [tilespmem:v6+s14+$0x0], $0xffff  }
0x34c: {  	[tilespmem:s9+$0xFFFFF7F0] =	vst v1;
	v12 =	vshll.u32 v10, $0x4;
	v26 =	vadd.s32 s4, v10;
	v10 =	vadd.s32 v10, v22;
	v6 =	vld.idx.msk [tilespmem:v6+s13+$0x0], $0xffff  }
0x34d: {  	v22 =	vld.idx.msk [tilespmem:v4+s14+$0x0], $0xffff;
	v12 =	vadd.s32 v15, v12;
	v27 =	vshll.u32 v10, $0x4;
	v28 =	vadd.s32 s3, v10  }
0x34e: {  	v29 =	vshll.u32 v26, $0x7;
	v12 =	vand.u32 $0xFFFFFFF8, v12;
	v27 =	vadd.s32 v15, v27;
	v30 =	vld.idx.msk [tilespmem:v24+s14+$0x0], $0xffff  }
0x34f: {  	v26 =	vshll.u32 v26, $0x8;
	v4 =	vld.idx.msk [tilespmem:v4+s13+$0x0], $0xffff;
	v12 =	vor.u32 v9, v12;
	v27 =	vand.u32 $0xFFFFFFF8, v27  }
0x350: {  	v29 =	vand.u32 $0x380, v29;
	v26 =	vand.u32 $0xFFFFF800, v26;
	v31 =	vor.u32 v9, v27;
	v24 =	vld.idx.msk [tilespmem:v24+s13+$0x0], $0xffff  }
0x351: {  	v26 =	vor.u32 v29, v26;
	v27 =	vshll.u32 v28, $0x7;
	v28 =	vshll.u32 v28, $0x8  }
0x352: {  	v11 =	vmul.f32 s21, v11;
	v27 =	vand.u32 $0x380, v27;
	v28 =	vand.u32 $0xFFFFF800, v28  }
0x353: {  	v29 =	vmul.f32 s30, v22;
	v28 =	vor.u32 v27, v28;
	v22 =	vadd.s32 v10, v25  }
0x354: {  	v25 =	vshll.u32 v22, $0x4;
	v27 =	vadd.s32 s15, v22;
	v30 =	vmul.f32 s20, v30;
	v10 =	vld.idx.msk [tilespmem:v12+s14+$0x0], $0xffff  }
0x355: {  	v6 =	vadd.f32 v11, v6;
	v4 =	vadd.f32 v29, v4;
	v29 =	vld.idx.msk [tilespmem:v31+s13+$0x0], $0xffff  }
0x356: {  	v11 =	vld.idx.msk [tilespmem:v12+s13+$0x0], $0xffff;
	v12 =	vadd.s32 v15, v25;
	v25 =	vshll.u32 v27, $0x7;
	v27 =	vshll.u32 v27, $0x8  }
0x357: {  	[tilespmem:v8+s12+$0x0] =	vst.idx.msk $0xffff, v4;
	v4 =	vand.u32 $0xFFFFFFF8, v12;
	v8 =	vand.u32 $0x380, v25;
	v12 =	vand.u32 $0xFFFFF800, v27  }
0x358: {  	v25 =	vld [tilespmem:s9+$0x0];
	v8 =	vor.u32 v8, v12;
	[tilespmem:v2+s12+$0x0] =	vst.idx.msk $0xffff, v6;
	v2 =	vadd.f32 v30, v24  }
0x359: {  	v6 =	vor.u32 v21, v26;
	v4 =	vor.u32 v9, v4;
	[tilespmem:s9+$0x0] =	vst v1;
	v27 =	vor.u32 v21, v8;
	v8 =	vld [tilespmem:s23+$0x820]  }
0x35a: {  	v10 =	vmul.f32 s31, v10;
	v12 =	vld.idx.msk [tilespmem:v31+s14+$0x0], $0xffff;
	[tilespmem:v5+s12+$0x0] =	vst.idx.msk $0xffff, v2  }
0x35b: {  	[tilespmem:s23+$0x820] =	vst v1;
	v2 =	vld [tilespmem:s23+$0x830]  }
0x35c: {  	v5 =	vadd.f32 v10, v11;
	[tilespmem:s23+$0x830] =	vst v1;
	s23 =	smov.u32 s9  }
0x35d: {  	v7 =	vadd.s32 v19, v7  }
0x35e: {  	v26 =	vadd.s32 s24, v7;
	s24 =	smov.u32 s16;
	v10 =	vshll.u32 v7, $0x4;
	[tilespmem:v6+s12+$0x0] =	vst.idx.msk $0xffff, v5;
	v5 =	vor.u32 v21, v28;
	v6 =	vld.idx.msk [tilespmem:v4+s14+$0x0], $0xffff  }
0x35f: {  	v7 =	vadd.s32 v7, v8;
	v11 =	vld [tilespmem:s9+$0x10]  }
0x360: {  	v8 =	vmul.f32 s28, v12;
	[tilespmem:s9+$0x10] =	vst v1;
	v33 =	vld.idx.msk [tilespmem:v4+s13+$0x0], $0xffff;
	v4 =	vshll.u32 v7, $0x4;
	v2 =	vadd.s32 v7, v2  }
0x361: {  	v4 =	vadd.s32 v18, v4;
	v12 =	vshll.u32 v2, $0x4;
	v19 =	vadd.s32 v2, v3  }
0x362: {  	v2 =	vadd.s32 s26, v2;
	s26 =	smov.u32 s3;
	v3 =	vadd.s32 v18, v12;
	v12 =	vshll.u32 v19, $0x4  }
0x363: {  	v8 =	vadd.f32 v8, v29;
	v24 =	vshll.u32 v2, $0x7;
	v12 =	vadd.s32 v18, v12  }
0x364: {  	v7 =	vadd.s32 s25, v7;
	s25 =	smov.u32 s4;
	v4 =	vand.u32 $0xFFFFFFF8, v4;
	v12 =	vand.u32 $0xFFFFFFF8, v12  }
0x365: {  	v2 =	vshll.u32 v2, $0x8;
	[tilespmem:v5+s12+$0x0] =	vst.idx.msk $0xffff, v8;
	v5 =	vand.u32 $0xFFFFFFF8, v3;
	v8 =	vor.u32 v9, v12  }
0x366: {  	v2 =	vand.u32 $0xFFFFF800, v2;
	v3 =	vadd.s32 v18, v10;
	v10 =	vand.u32 $0x380, v24;
	v29 =	vld [tilespmem:s9+$0x20]  }
0x367: {  	v31 =	vor.u32 v9, v4;
	v12 =	vand.u32 $0xFFFFFFF8, v3;
	v3 =	vor.u32 v10, v2;
	[tilespmem:s9+$0x20] =	vst v1  }
0x368: {  	v2 =	vshll.u32 v7, $0x7;
	v28 =	vor.u32 v9, v5;
	v4 =	vor.u32 v9, v12  }
.Ltmp4:
0x369: {  	v5 =	vshll.u32 v7, $0x8;
	v7 =	vadd.s32 s29, v19;
	s29 =	smov.u32 s15;
	v2 =	vand.u32 $0x380, v2;
	(pc) =	sbr.rel @p0 .LBB2_11-.Ltmp4, $4  }
0x36a: {  	v12 =	vadd.s32 v23, v25;
	v32 =	vand.u32 $0xFFFFF800, v5;
	v10 =	vshll.u32 v7, $0x8;
	v30 =	vld.idx.msk [tilespmem:v8+s14+$0x0], $0xffff  }
0x36b: {  	v36 =	vmul.f32 s0, v6;
	v7 =	vshll.u32 v7, $0x7;
	v34 =	vadd.s32 v12, v11;
	v23 =	vld.idx.msk [tilespmem:v8+s13+$0x0], $0xffff  }
0x36c: {  	v35 =	vand.u32 $0x380, v7;
	v8 =	vshll.u32 v34, $0x4;
	v5 =	vadd.s32 v34, v29;
	v6 =	vld.idx.msk [tilespmem:v31+s14+$0x0], $0xffff  }
0x36d: {  	s9 =	sadd.s32 $0x40, s9;
	v25 =	vadd.s32 v16, v8;
	v24 =	vshll.u32 v5, $0x4;
	v8 =	vand.u32 $0xFFFFF800, v10;
	v29 =	vld.idx.msk [tilespmem:v4+s13+$0x0], $0xffff  }
0x36e: {  	_ =	sdelay $0x1  }
0x36f: {  	v7 =	vadd.f32 v36, v33;
	_ =	sdelay $0x1  }
0x370: {  	[tilespmem:v27+s12+$0x0] =	vst.idx.msk $0xffff, v7  }
0x371: {  	v7 =	vld [tilespmem:s23+$0x30];
	_ =	sdelay $0x1  }
0x372: {  	v10 =	vshll.u32 v12, $0x4  }
0x373: {  	v15 =	vand.u32 $0xFFFFFFF8, v25;
	v10 =	vadd.s32 v16, v10  }
0x374: {  	v15 =	vor.u32 v9, v15;
	v10 =	vand.u32 $0xFFFFFFF8, v10  }
0x375: {  	v57 =	vadd.s32 v16, v24;
	v10 =	vor.u32 v9, v10;
	v7 =	vadd.s32 v5, v7  }
0x376: {  	v58 =	vadd.s32 s24, v12;
	v20 =	vadd.s32 s25, v34;
	v11 =	vshll.u32 v7, $0x4  }
0x377: {  	v59 =	vadd.s32 s26, v5;
	v11 =	vadd.s32 v16, v11;
	v16 =	vand.u32 $0xFFFFFFF8, v57  }
0x378: {  	v39 =	vld.idx.msk [tilespmem:v31+s13+$0x0], $0xffff;
	v17 =	vshll.u32 v58, $0x7;
	v11 =	vand.u32 $0xFFFFFFF8, v11;
	v16 =	vor.u32 v9, v16  }
0x379: {  	v12 =	vshll.u32 v58, $0x8;
	v60 =	vshll.u32 v59, $0x7;
	v62 =	vld.idx.msk [tilespmem:v15+s14+$0x0], $0xffff;
	v11 =	vor.u32 v9, v11  }
0x37a: {  	v61 =	vshll.u32 v20, $0x7;
	v20 =	vshll.u32 v20, $0x8;
	v17 =	vand.u32 $0x380, v17;
	v21 =	vld.idx.msk [tilespmem:v10+s14+$0x0], $0xffff  }
0x37b: {  	v12 =	vand.u32 $0xFFFFF800, v12;
	v24 =	vand.u32 $0x380, v61;
	v20 =	vand.u32 $0xFFFFF800, v20;
	v15 =	vld.idx.msk [tilespmem:v15+s13+$0x0], $0xffff  }
0x37c: {  	v12 =	vor.u32 v17, v12;
	v17 =	vand.u32 $0x380, v60;
	v10 =	vld.idx.msk [tilespmem:v10+s13+$0x0], $0xffff;
	v5 =	vshll.u32 v59, $0x8  }
0x37d: {  	[tilespmem:s23+$0x30] =	vst v1;
	v33 =	vor.u32 v24, v20;
	v7 =	vadd.s32 s29, v7;
	v5 =	vand.u32 $0xFFFFF800, v5;
	v63 =	vld.idx.msk [tilespmem:v16+s14+$0x0], $0xffff  }
0x37e: {  	v12 =	vor.u32 v14, v12;
	v5 =	vor.u32 v17, v5;
	v34 =	vshll.u32 v7, $0x7;
	v22 =	vld.idx.msk [tilespmem:v11+s14+$0x0], $0xffff  }
0x37f: {  	v7 =	vshll.u32 v7, $0x8;
	v17 =	vor.u32 v14, v33;
	v21 =	vmul.f32 s30, v21;
	v16 =	vld.idx.msk [tilespmem:v16+s13+$0x0], $0xffff  }
0x380: {  	v20 =	vand.u32 $0x380, v34;
	v7 =	vand.u32 $0xFFFFF800, v7;
	v5 =	vor.u32 v14, v5;
	v11 =	vld.idx.msk [tilespmem:v11+s13+$0x0], $0xffff  }
0x381: {  	v4 =	vld.idx.msk [tilespmem:v4+s14+$0x0], $0xffff;
	v36 =	vmul.f32 s31, v62;
	v7 =	vor.u32 v20, v7;
	v10 =	vadd.f32 v21, v10  }
0x382: {  	v42 =	vld.idx.msk [tilespmem:v28+s14+$0x0], $0xffff;
	v7 =	vor.u32 v14, v7;
	v37 =	vmul.f32 s28, v63  }
0x383: {  	v43 =	vld.idx.msk [tilespmem:v28+s13+$0x0], $0xffff;
	v15 =	vadd.f32 v36, v15;
	[tilespmem:v12+s12+$0x0] =	vst.idx.msk $0xffff, v10;
	v38 =	vmul.f32 s0, v22  }
0x384: {  	v41 =	vor.u32 v35, v8;
	v12 =	vld [tilespmem:s23+$0x810];
	v10 =	vadd.f32 v37, v16  }
0x385: {  	v8 =	vshll.u32 v26, $0x7;
	v2 =	vor.u32 v2, v32;
	[tilespmem:v17+s12+$0x0] =	vst.idx.msk $0xffff, v15;
	v11 =	vadd.f32 v38, v11  }
0x386: {  	v3 =	vor.u32 v13, v3;
	v6 =	vmul.f32 s21, v6;
	v4 =	vmul.f32 s19, v4;
	v40 =	vld [tilespmem:s23+$0x820];
	[tilespmem:v5+s12+$0x0] =	vst.idx.msk $0xffff, v10  }
0x387: {  	v8 =	vand.u32 $0x380, v8;
	v2 =	vor.u32 v13, v2;
	v15 =	vmul.f32 s20, v42;
	[tilespmem:v7+s12+$0x0] =	vst.idx.msk $0xffff, v11;
	v5 =	vld [tilespmem:s23+$0x830]  }
0x388: {  	v44 =	vmul.f32 s22, v30;
	v6 =	vadd.f32 v6, v39;
	v4 =	vadd.f32 v4, v29;
	v10 =	vld [tilespmem:s23+$0x840]  }
0x389: {  	v14 =	vadd.f32 v15, v43;
	v12 =	vadd.s32 v19, v12;
	v11 =	vshll.u32 v26, $0x8  }
0x38a: {  	v16 =	vadd.f32 v44, v23;
	v48 =	vshll.u32 v12, $0x4;
	v11 =	vand.u32 $0xFFFFF800, v11  }
0x38b: {  	v19 =	vadd.s32 v18, v48;
	v8 =	vor.u32 v8, v11;
	v11 =	vadd.s32 v12, v40  }
0x38c: {  	v7 =	vor.u32 v13, v41;
	v19 =	vand.u32 $0xFFFFFFF8, v19;
	v5 =	vadd.s32 v11, v5  }
0x38d: {  	v19 =	vor.u32 v9, v19;
	v46 =	vshll.u32 v11, $0x4;
	v10 =	vadd.s32 v5, v10  }
0x38e: {  	v12 =	vadd.s32 s24, v12;
	v47 =	vadd.s32 v18, v46;
	v45 =	vshll.u32 v10, $0x4  }
0x38f: {  	v15 =	vand.u32 $0xFFFFFFF8, v47;
	v49 =	vshll.u32 v5, $0x4;
	v17 =	vadd.s32 v18, v45  }
0x390: {  	v15 =	vor.u32 v9, v15;
	v50 =	vadd.s32 v18, v49;
	v17 =	vand.u32 $0xFFFFFFF8, v17  }
0x391: {  	v8 =	vor.u32 v13, v8;
	v18 =	vand.u32 $0xFFFFFFF8, v50;
	v17 =	vor.u32 v9, v17  }
0x392: {  	[tilespmem:s23+$0x810] =	vst v1;
	v57 =	vshll.u32 v12, $0x7;
	v12 =	vshll.u32 v12, $0x8;
	v18 =	vor.u32 v9, v18  }
0x393: {  	[tilespmem:v2+s12+$0x0] =	vst.idx.msk $0xffff, v6;
	v12 =	vand.u32 $0xFFFFF800, v12;
	v11 =	vadd.s32 s25, v11;
	v5 =	vadd.s32 s26, v5;
	v56 =	vld.idx.msk [tilespmem:v19+s14+$0x0], $0xffff  }
0x394: {  	[tilespmem:s23+$0x820] =	vst v1;
	v53 =	vshll.u32 v11, $0x7;
	v11 =	vshll.u32 v11, $0x8;
	v2 =	vld.idx.msk [tilespmem:v19+s13+$0x0], $0xffff;
	v51 =	vshll.u32 v5, $0x7  }
0x395: {  	[tilespmem:s23+$0x840] =	vst v1;
	v10 =	vadd.s32 s29, v10;
	v22 =	vand.u32 $0x380, v53;
	v11 =	vand.u32 $0xFFFFF800, v11;
	v55 =	vld.idx.msk [tilespmem:v15+s14+$0x0], $0xffff  }
0x396: {  	[tilespmem:s23+$0x830] =	vst v1;
	v5 =	vshll.u32 v5, $0x8;
	v54 =	vshll.u32 v10, $0x8;
	v11 =	vor.u32 v22, v11;
	v52 =	vld.idx.msk [tilespmem:v17+s14+$0x0], $0xffff  }
0x397: {  	v10 =	vshll.u32 v10, $0x7;
	v59 =	vor.u32 v13, v11;
	v11 =	vand.u32 $0x380, v57;
	v58 =	vld.idx.msk [tilespmem:v18+s14+$0x0], $0xffff  }
0x398: {  	v10 =	vand.u32 $0x380, v10;
	v23 =	vand.u32 $0xFFFFF800, v54;
	v11 =	vor.u32 v11, v12;
	v17 =	vld.idx.msk [tilespmem:v17+s13+$0x0], $0xffff  }
0x399: {  	v20 =	vand.u32 $0x380, v51;
	v10 =	vor.u32 v10, v23;
	v15 =	vld.idx.msk [tilespmem:v15+s13+$0x0], $0xffff;
	v61 =	vor.u32 v13, v11  }
0x39a: {  	v5 =	vand.u32 $0xFFFFF800, v5;
	[tilespmem:v8+s12+$0x0] =	vst.idx.msk $0xffff, v4;
	v10 =	vor.u32 v13, v10;
	v8 =	vmul.f32 s30, v56;
	v18 =	vld.idx.msk [tilespmem:v18+s13+$0x0], $0xffff  }
0x39b: {  	v5 =	vor.u32 v20, v5;
	v11 =	vmul.f32 s0, v52  }
0x39c: {  	[tilespmem:v3+s12+$0x0] =	vst.idx.msk $0xffff, v14;
	v62 =	vor.u32 v13, v5;
	v2 =	vadd.f32 v8, v2;
	v60 =	vmul.f32 s31, v55  }
0x39d: {  	[tilespmem:v7+s12+$0x0] =	vst.idx.msk $0xffff, v16;
	v3 =	vadd.f32 v11, v17;
	v11 =	vmul.f32 s28, v58  }
0x39e: {  	[tilespmem:v61+s12+$0x0] =	vst.idx.msk $0xffff, v2;
	v63 =	vadd.f32 v60, v15  }
0x39f: {  	s18 =	sadd.s32 $0x1, s18;
	[tilespmem:v10+s12+$0x0] =	vst.idx.msk $0xffff, v3;
	v3 =	vadd.f32 v11, v18  }
0x3a0: {  	p0 =	sne.s32 s18, $0x4;
	[tilespmem:v59+s12+$0x0] =	vst.idx.msk $0xffff, v63  }
.Ltmp5:
0x3a1: {  	[tilespmem:v62+s12+$0x0] =	vst.idx.msk $0xffff, v3;
	(pc) =	sbr.rel @p0 .LBB2_6-.Ltmp5, $4  }
0x3a2: {  	[tilespmem:$0x14280] =	vst v1  }
0x3a3: {  	[tilespmem:$0x14A90] =	vst v1  }
0x3a4: {  	[tilespmem:$0x152A0] =	vst v1  }
0x3a5: {  	[tilespmem:$0x15AB0] =	vst v1  }
0x3a6: {  	s17 =	sadd.s32 $0x1, s17  }
0x3a7: {  	s0 =	rddreg [dreg:$0x7];
	p0 =	sne.s32 s17, s7  }
.Ltmp6:
0x3a8: {  	s1 =	simm.s32 $0x800;
	s3 =	simm.s32 $0x10000;
	(pc) =	sbr.rel @p0 .LBB2_1-.Ltmp6, $4  }
0x3a9: {  	[hbm4b:s0+s1] =	stream.strided.scatter [tilespmem:s12], [sflag:$0x1], $0xC000, s3, s1, $0x38;
	[tilespmem:$0x15AC0] =	vst v63  }
0x3aa: {  	_ =	swait.ge [sflag:s8], $0xC000  }
0x3ab: {  	[sflag:s8] =	ssyncset.done $0x0  }
0x3ac: {  	[sflag:s8] =	ssyncadd.s32 $0xFFFF4000  }
0x3ad: {  	_ =	sfence.sel $0x180000  }
0x3ae: {  	[bflag:$0x0] =	sbarrier.arrive $0xFFFF  }
0x3af: {  	_ =	strace $0x90000047  }
0x3b0: {  	s0 =	stileid.u32;
	[bflag:$0x2] =	sbarrier.arrive $0xFFFF  }
0x3b1: {  	p0 =	sne.s32 s0, $0x0;
	s0 =	rddreg [dreg:$0x4]  }
0x3b2: {  	s0 =	sadd.s32 @!p0 $0x100000, s0  }
0x3b3: {  	[sflag:s0] =	ssyncadd.tile.s32 @!p0 $0x1;
	_ =	shalt  }
.Lfunc_end2:
_tile_overlayer_lowered:
.L_overlay_start_2:
0x3b4: {  	(tag) =	ssettag $0x2  }
0x3b5: {  	s0 =	rddreg [dreg:$0x0];
	s2 =	stileid.u32  }
0x3b6: {  	s1 =	rddreg [dreg:$0x1];
	p0 =	sne.s32 s2, $0x0  }
0x3b7: {  	s3 =	rddreg [dreg:$0x2];
	[bflag:$0x3] =	sbarrier.arrive $0xFFFF;
	s2 =	simm.s32 @!p0 $0x1C01  }
0x3b8: {  	[timem:s3], [sflag:s2] =	dma.local @!p0 [hbm:s0], s1  }
0x3b9: {  	s0 =	simm.s32 @!p0 $0x1  }
0x3ba: {  	_ =	swait.ge @!p0 [sflag:s0], s1  }
0x3bb: {  	s1 =	ssub.s32 @!p0 $0x0, s1;
	[sflag:s0] =	ssyncset.done @!p0 $0x0  }
0x3bc: {  	[sflag:s0] =	ssyncadd.s32 @!p0 s1  }
0x3bd: {  	[bflag:$0x3] =	sbarrier.arrive $0xFFFF  }
0x3be: {  	_ =	shalt  }

</sc_bundles>
